<compile_context>
chip_gen: v7x
topology: tpu7x:2x2x1
jax: 0.10.2.dev20260603
libtpu: 0.0.44.dev20260713+nightly
codegen_flags: <defaults>
</compile_context>

<pallas_src>
import functools

import jax
import jax.numpy as jnp
from jax import lax
from jax.experimental import pallas as pl
from jax.experimental.pallas import tpu as pltpu
from jax.experimental.pallas import tpu_sc as plsc

_EPS = 1e-05
_NC = 2
_NS = 16
_NW = _NC * _NS
_D = 128
_CHUNK = 128
_MAGIC = 12582912.0


def _absmax_body(w_ref, out_ref):
    i = pl.program_id(0)
    m = jnp.max(jnp.abs(w_ref[...]))

    @pl.when(i == 0)
    def _init():
        out_ref[...] = jnp.full((8, _D), m, jnp.float32)

    @pl.when(i != 0)
    def _acc():
        out_ref[...] = jnp.maximum(out_ref[...], m)


def _table_absmax(weight):
    rows = weight.shape[0]
    block = 25000
    grid = rows // block
    return pl.pallas_call(
        _absmax_body,
        grid=(grid,),
        in_specs=[pl.BlockSpec((block, _D), lambda i: (i, 0))],
        out_specs=pl.BlockSpec((8, _D), lambda i: (0, 0)),
        out_shape=jax.ShapeDtypeStruct((8, _D), jnp.float32),
    )(weight)


_NBUF = 4


def _make_gather_quantize(n_rows, n_chunks):
    mesh = plsc.VectorSubcoreMesh(core_axis_name="c", subcore_axis_name="s")

    @functools.partial(
        pl.kernel,
        out_type=jax.ShapeDtypeStruct((n_rows, _D), jnp.float32),
        mesh=mesh,
        scratch_types=[
            pltpu.VMEM((n_chunks * _CHUNK,), jnp.int32),
            [pltpu.VMEM((_CHUNK, _D), jnp.float32)] * _NBUF,
            pltpu.VMEM((1, _D), jnp.float32),
            [pltpu.SemaphoreType.DMA] * _NBUF,
            [pltpu.SemaphoreType.DMA] * _NBUF,
        ],
    )
    def gather_quant(idx_hbm, w_hbm, amax_hbm, out_hbm,
                     idx_v, bufs, amax_v, gsem, wsem):
        wid = lax.axis_index("s") * _NC + lax.axis_index("c")
        obase = wid * n_chunks * _CHUNK

        nt = n_chunks * _CHUNK
        pltpu.sync_copy(idx_hbm.at[pl.ds(wid * nt, nt)], idx_v)
        pltpu.sync_copy(amax_hbm.at[pl.ds(0, 1)], amax_v)
        denom = jnp.maximum(amax_v[0, pl.ds(0, 16)], _EPS)
        sv = denom * (1.0 / 127.0)
        iv = 127.0 / denom

        def fire_gather(k, b):
            pltpu.async_copy(
                w_hbm.at[idx_v.at[pl.ds(k * _CHUNK, _CHUNK)]], bufs[b],
                gsem[b])

        def wait_gather(k, b):
            pltpu.make_async_copy(
                w_hbm.at[idx_v.at[pl.ds(k * _CHUNK, _CHUNK)]], bufs[b],
                gsem[b]).wait()

        def fire_write(k, b):
            pltpu.async_copy(
                bufs[b], out_hbm.at[pl.ds(obase + k * _CHUNK, _CHUNK)],
                wsem[b])

        def wait_write(k, b):
            pltpu.make_async_copy(
                bufs[b], out_hbm.at[pl.ds(obase + k * _CHUNK, _CHUNK)],
                wsem[b]).wait()

        def quantize(buf):
            def qrow(r, carry):
                for j in range(_D // 16):
                    sl = pl.ds(j * 16, 16)
                    t = buf[r, sl] * iv + _MAGIC
                    buf[r, sl] = (t - _MAGIC) * sv
                return carry
            lax.fori_loop(0, _CHUNK, qrow, 0, unroll=2)

        def step(k, b):
            wait_gather(k, b)

            nxt = k + 2

            @pl.when(nxt < n_chunks)
            def _refill():
                fire_gather(nxt, (b + 2) % _NBUF)

            quantize(bufs[b])

        fire_gather(0, 0)
        fire_gather(1, 1)

        n_main = n_chunks // _NBUF

        def outer(g, carry):
            for b in range(_NBUF):
                step(g * _NBUF + b, b)
            return carry

        lax.fori_loop(0, n_main, outer, 0)
        for k in range(n_main * _NBUF, n_chunks):
            step(k, k % _NBUF)
        fire_write(0, 0)
        wait_write(0, 0)

    return gather_quant


def kernel(input, weight):
    idx = input.astype(jnp.int32)
    b0, b1 = idx.shape
    n = b0 * b1
    n_chunks = n // _CHUNK // _NW
    idx_flat = jnp.swapaxes(idx, 0, 1).reshape(n)

    amax = _table_absmax(weight)

    out = _make_gather_quantize(n, n_chunks)(idx_flat, weight, amax)
    return jnp.swapaxes(out.reshape(b1, b0, _D), 0, 1)

# --- scband reference (transcript-rebuilt; emitter-appended) ---
"""Pipeline reference for scband-quantized-embedding-62801011802986 (READ-ONLY COPY).

The authoritative reference and input builder live on the scoring server;
editing this copy changes nothing except your own understanding.
"""

import jax, jax.numpy as jnp
import numpy as np

EPS = 1e-05

def quantize_tensor(w, eps):
    # Per-tensor symmetric int8 fake-quantization (quantize + dequantize)
    scale = jnp.maximum(jnp.max(jnp.abs(w)), eps) / 127.0
    q = jnp.clip(jnp.round(w / scale), -128.0, 127.0)
    return q * scale

def setup_inputs(seed: int = 0) -> dict:
    key = jax.random.key(seed)
    k1, k2 = jax.random.split(key)
    indices = jax.random.randint(k1, (4096, 26), 0, 100000, dtype=jnp.int64 if jax.config.jax_enable_x64 else jnp.int32)
    weight = jax.random.normal(k2, (100000, 128), dtype=jnp.float32)
    return {"input": indices, "weight": weight}

def reference(input, weight):
    quantized_weight = quantize_tensor(weight, EPS)
    return jnp.take(quantized_weight, input, axis=0)

if __name__ == "__main__":
    import jax
    _d = setup_inputs()
    print(jax.jit(kernel)(*tuple(_d.values())))

</pallas_src>

<mosaic_0001>
#map = affine_map<(d0, d1) -> (0)>
#map1 = affine_map<(d0, d1) -> (0, 0)>
module attributes {stable_mosaic.version = 14 : i64} {
  func.func @gather_quant(%arg0: i32, %arg1: i32, %arg2: memref<106496xi32, #tpu.memory_space<hbm>>, %arg3: memref<100000x128xf32, #tpu.memory_space<hbm>>, %arg4: memref<8x128xf32, #tpu.memory_space<hbm>>, %arg5: memref<106496x128xf32, #tpu.memory_space<hbm>>, %arg6: memref<3328xi32, #tpu.memory_space<vmem>>, %arg7: memref<128x128xf32, #tpu.memory_space<vmem>>, %arg8: memref<128x128xf32, #tpu.memory_space<vmem>>, %arg9: memref<128x128xf32, #tpu.memory_space<vmem>>, %arg10: memref<128x128xf32, #tpu.memory_space<vmem>>, %arg11: memref<1x128xf32, #tpu.memory_space<vmem>>, %arg12: memref<!tpu.dma_semaphore, #tpu.memory_space<semaphore_mem>>, %arg13: memref<!tpu.dma_semaphore, #tpu.memory_space<semaphore_mem>>, %arg14: memref<!tpu.dma_semaphore, #tpu.memory_space<semaphore_mem>>, %arg15: memref<!tpu.dma_semaphore, #tpu.memory_space<semaphore_mem>>, %arg16: memref<!tpu.dma_semaphore, #tpu.memory_space<semaphore_mem>>, %arg17: memref<!tpu.dma_semaphore, #tpu.memory_space<semaphore_mem>>, %arg18: memref<!tpu.dma_semaphore, #tpu.memory_space<semaphore_mem>>, %arg19: memref<!tpu.dma_semaphore, #tpu.memory_space<semaphore_mem>>) attributes {dimension_semantics = [#tpu.dimension_semantics<core_parallel>, #tpu.dimension_semantics<subcore_parallel>], iteration_bounds = array<i64: 2, 16>, scalar_prefetch = 0 : i64, scratch_operands = 14 : i64, tpu.core_type = #tpu.core_type<sc_vector_subcore>, window_params = [{transform_indices = #map}, {transform_indices = #map1}, {transform_indices = #map1}, {transform_indices = #map1}]} {
    %mul3A = arith.constant 2 : i32
    %mul3A_0 = arith.muli %arg1, %mul3A : i32
    %add3A = arith.addi %mul3A_0, %arg0 : i32
    %mul3A_1 = arith.constant 26 : i32
    %mul3A_2 = arith.muli %add3A, %mul3A_1 : i32
    %mul3A_3 = arith.constant 128 : i32
    %mul3A_4 = arith.muli %mul3A_2, %mul3A_3 : i32
    %mul3A_5 = arith.constant 3328 : i32
    %mul3A_6 = arith.muli %add3A, %mul3A_5 : i32
    "tpu.region"() ({
      %run_scoped3A = tpu.sem_alloc : memref<!tpu.dma_semaphore, #tpu.memory_space<semaphore_mem>>
      %dma_start3A_65 = tpu.memref_slice %arg2[%mul3A_6] : memref<106496xi32, #tpu.memory_space<hbm>> -> memref<3328xi32, #tpu.memory_space<hbm>>
      %dma_start3A_66 = tpu.memref_slice %arg2[%mul3A_6] : memref<106496xi32, #tpu.memory_space<hbm>> -> memref<3328xi32, #tpu.memory_space<hbm>>
      tpu.enqueue_dma source(%dma_start3A_66 : memref<3328xi32, #tpu.memory_space<hbm>>) target(%arg6 : memref<3328xi32, #tpu.memory_space<vmem>>) target_semaphore(%run_scoped3A : memref<!tpu.dma_semaphore, #tpu.memory_space<semaphore_mem>>)
      %dma_wait3A_67 = tpu.memref_slice %arg2[%mul3A_6] : memref<106496xi32, #tpu.memory_space<hbm>> -> memref<3328xi32, #tpu.memory_space<hbm>>
      %dma_wait3A_68 = tpu.memref_slice %arg2[%mul3A_6] : memref<106496xi32, #tpu.memory_space<hbm>> -> memref<3328xi32, #tpu.memory_space<hbm>>
      tpu.wait_dma2 semaphore(%run_scoped3A : memref<!tpu.dma_semaphore, #tpu.memory_space<semaphore_mem>>) src(%dma_wait3A_68 : memref<3328xi32, #tpu.memory_space<hbm>>) dst(%arg6 : memref<3328xi32, #tpu.memory_space<vmem>>)
      tpu.yield
    }) : () -> ()
    "tpu.region"() ({
      %run_scoped3A = tpu.sem_alloc : memref<!tpu.dma_semaphore, #tpu.memory_space<semaphore_mem>>
      %dma_start3A_65 = arith.constant 0 : i32
      %dma_start3A_66 = arith.constant 0 : i32
      %dma_start3A_67 = tpu.memref_slice %arg4[%dma_start3A_65, %dma_start3A_66] : memref<8x128xf32, #tpu.memory_space<hbm>> -> memref<1x128xf32, #tpu.memory_space<hbm>>
      %dma_start3A_68 = arith.constant 0 : i32
      %dma_start3A_69 = arith.constant 0 : i32
      %dma_start3A_70 = tpu.memref_slice %arg4[%dma_start3A_68, %dma_start3A_69] : memref<8x128xf32, #tpu.memory_space<hbm>> -> memref<1x128xf32, #tpu.memory_space<hbm>>
      tpu.enqueue_dma source(%dma_start3A_70 : memref<1x128xf32, #tpu.memory_space<hbm>>) target(%arg11 : memref<1x128xf32, #tpu.memory_space<vmem>>) target_semaphore(%run_scoped3A : memref<!tpu.dma_semaphore, #tpu.memory_space<semaphore_mem>>)
      %dma_wait3A_71 = arith.constant 0 : i32
      %dma_wait3A_72 = arith.constant 0 : i32
      %dma_wait3A_73 = tpu.memref_slice %arg4[%dma_wait3A_71, %dma_wait3A_72] : memref<8x128xf32, #tpu.memory_space<hbm>> -> memref<1x128xf32, #tpu.memory_space<hbm>>
      %dma_wait3A_74 = arith.constant 0 : i32
      %dma_wait3A_75 = arith.constant 0 : i32
      %dma_wait3A_76 = tpu.memref_slice %arg4[%dma_wait3A_74, %dma_wait3A_75] : memref<8x128xf32, #tpu.memory_space<hbm>> -> memref<1x128xf32, #tpu.memory_space<hbm>>
      tpu.wait_dma2 semaphore(%run_scoped3A : memref<!tpu.dma_semaphore, #tpu.memory_space<semaphore_mem>>) src(%dma_wait3A_76 : memref<1x128xf32, #tpu.memory_space<hbm>>) dst(%arg11 : memref<1x128xf32, #tpu.memory_space<vmem>>)
      tpu.yield
    }) : () -> ()
    %get3A = arith.constant 0 : i32
    %get3A_7 = arith.index_cast %get3A : i32 to index
    %get3A_8 = arith.constant 0 : index
    %get3A_9 = tpu.vector_load %arg11[%get3A_7, %get3A_8] {strides = array<i32>} : memref<1x128xf32, #tpu.memory_space<vmem>>, vector<1x16xf32>,
    %get3A_10 = vector.shape_cast %get3A_9 : vector<1x16xf32> to vector<16xf32>
    %max3A = arith.constant 9.99999974E-6 : f32
    %max3A_11 = vector.broadcast %max3A : f32 to vector<16xf32>
    %max3A_12 = arith.maximumf %get3A_10, %max3A_11 : vector<16xf32>
    %mul3A_13 = arith.constant 0.00787401571 : f32
    %mul3A_14 = vector.broadcast %mul3A_13 : f32 to vector<16xf32>
    %mul3A_15 = arith.mulf %max3A_12, %mul3A_14 : vector<16xf32>
    %div3A = arith.constant 1.270000e+02 : f32
    %div3A_16 = vector.broadcast %div3A : f32 to vector<16xf32>
    %div3A_17 = arith.divf %div3A_16, %max3A_12 : vector<16xf32>
    %dma_start3A = arith.constant 0 : i32
    %dma_start3A_18 = tpu.memref_slice %arg6[%dma_start3A] : memref<3328xi32, #tpu.memory_space<vmem>> -> memref<128xi32, #tpu.memory_space<vmem>>
    %dma_start3A_19 = arith.constant 0 : i32
    %dma_start3A_20 = arith.constant 0 : i32
    %dma_start3A_21 = tpu.memref_slice %arg3[%dma_start3A_19, %dma_start3A_20] : memref<100000x128xf32, #tpu.memory_space<hbm>> -> memref<100000x128xf32, #tpu.memory_space<hbm>>
    tpu.enqueue_indirect_dma source(%dma_start3A_21 : memref<100000x128xf32, #tpu.memory_space<hbm>>) target(%arg7 : memref<128x128xf32, #tpu.memory_space<vmem>>) offsets(%dma_start3A_18 : memref<128xi32, #tpu.memory_space<vmem>>) semaphore(%arg12 : memref<!tpu.dma_semaphore, #tpu.memory_space<semaphore_mem>>)
    %dma_start3A_22 = arith.constant 128 : i32
    %dma_start3A_23 = tpu.memref_slice %arg6[%dma_start3A_22] : memref<3328xi32, #tpu.memory_space<vmem>> -> memref<128xi32, #tpu.memory_space<vmem>>
    %dma_start3A_24 = arith.constant 0 : i32
    %dma_start3A_25 = arith.constant 0 : i32
    %dma_start3A_26 = tpu.memref_slice %arg3[%dma_start3A_24, %dma_start3A_25] : memref<100000x128xf32, #tpu.memory_space<hbm>> -> memref<100000x128xf32, #tpu.memory_space<hbm>>
    tpu.enqueue_indirect_dma source(%dma_start3A_26 : memref<100000x128xf32, #tpu.memory_space<hbm>>) target(%arg8 : memref<128x128xf32, #tpu.memory_space<vmem>>) offsets(%dma_start3A_23 : memref<128xi32, #tpu.memory_space<vmem>>) semaphore(%arg13 : memref<!tpu.dma_semaphore, #tpu.memory_space<semaphore_mem>>)
    %scan3A = arith.constant 0 : i32
    %scan3A_27 = arith.constant 0 : i32
    %scan3A_28 = arith.constant 6 : i32
    %scan3A_29 = arith.addi %scan3A_27, %scan3A_28 : i32
    %scan3A_30 = arith.constant 1 : i32
    scf.for %scan3A_65 = %scan3A_27 to %scan3A_29 step %scan3A_30  : i32 {
      %mul3A_66 = arith.constant 4 : i32
      %mul3A_67 = arith.muli %scan3A_65, %mul3A_66 : i32
      %add3A_68 = arith.constant 0 : i32
      %add3A_69 = arith.addi %mul3A_67, %add3A_68 : i32
      %mul3A_70 = arith.constant 128 : i32
      %mul3A_71 = arith.muli %add3A_69, %mul3A_70 : i32
      %dma_wait3A_72 = tpu.memref_slice %arg6[%mul3A_71] : memref<3328xi32, #tpu.memory_space<vmem>> -> memref<128xi32, #tpu.memory_space<vmem>>
      %dma_wait3A_73 = arith.constant 0 : i32
      %dma_wait3A_74 = arith.constant 0 : i32
      %dma_wait3A_75 = tpu.memref_slice %arg3[%dma_wait3A_73, %dma_wait3A_74] : memref<100000x128xf32, #tpu.memory_space<hbm>> -> memref<100000x128xf32, #tpu.memory_space<hbm>>
      tpu.wait_indirect_dma semaphore(%arg12 : memref<!tpu.dma_semaphore, #tpu.memory_space<semaphore_mem>>) src(%dma_wait3A_75 : memref<100000x128xf32, #tpu.memory_space<hbm>>) dst(%arg7 : memref<128x128xf32, #tpu.memory_space<vmem>>)
      %add3A_76 = arith.constant 2 : i32
      %add3A_77 = arith.addi %add3A_69, %add3A_76 : i32
      %lt3A = arith.constant 26 : i32
      %lt3A_78 = arith.cmpi slt, %add3A_77, %lt3A : i32
      %convert_element_type3A = arith.extui %lt3A_78 : i1 to i32
      %cond3A = arith.constant 0 : i32
      %cond3A_79 = arith.cmpi ne, %convert_element_type3A, %cond3A : i32
      scf.if %cond3A_79 {
        %mul3A_155 = arith.constant 128 : i32
        %mul3A_156 = arith.muli %add3A_77, %mul3A_155 : i32
        %dma_start3A_157 = tpu.memref_slice %arg6[%mul3A_156] : memref<3328xi32, #tpu.memory_space<vmem>> -> memref<128xi32, #tpu.memory_space<vmem>>
        %dma_start3A_158 = arith.constant 0 : i32
        %dma_start3A_159 = arith.constant 0 : i32
        %dma_start3A_160 = tpu.memref_slice %arg3[%dma_start3A_158, %dma_start3A_159] : memref<100000x128xf32, #tpu.memory_space<hbm>> -> memref<100000x128xf32, #tpu.memory_space<hbm>>
        tpu.enqueue_indirect_dma source(%dma_start3A_160 : memref<100000x128xf32, #tpu.memory_space<hbm>>) target(%arg9 : memref<128x128xf32, #tpu.memory_space<vmem>>) offsets(%dma_start3A_157 : memref<128xi32, #tpu.memory_space<vmem>>) semaphore(%arg14 : memref<!tpu.dma_semaphore, #tpu.memory_space<semaphore_mem>>)
      } else {
      }
      %scan3A_80 = arith.constant 0 : i32
      %scan3A_81 = arith.constant 0 : i32
      %scan3A_82 = arith.constant 128 : i32
      %scan3A_83 = arith.addi %scan3A_81, %scan3A_82 : i32
      %scan3A_84 = arith.constant 2 : i32
      scf.for %scan3A_155 = %scan3A_81 to %scan3A_83 step %scan3A_84  : i32 {
        %get3A_156 = arith.index_cast %scan3A_155 : i32 to index
        %get3A_157 = arith.constant 0 : index
        %get3A_158 = tpu.vector_load %arg7[%get3A_156, %get3A_157] {strides = array<i32>} : memref<128x128xf32, #tpu.memory_space<vmem>>, vector<1x16xf32>,
        %get3A_159 = vector.shape_cast %get3A_158 : vector<1x16xf32> to vector<16xf32>
        %mul3A_160 = arith.mulf %get3A_159, %div3A_17 : vector<16xf32>
        %add3A_161 = arith.constant 0x4B400000 : f32
        %add3A_162 = vector.broadcast %add3A_161 : f32 to vector<16xf32>
        %add3A_163 = arith.addf %mul3A_160, %add3A_162 : vector<16xf32>
        %sub3A = arith.constant 0x4B400000 : f32
        %sub3A_164 = vector.broadcast %sub3A : f32 to vector<16xf32>
        %sub3A_165 = arith.subf %add3A_163, %sub3A_164 : vector<16xf32>
        %mul3A_166 = arith.mulf %sub3A_165, %mul3A_15 : vector<16xf32>
        %swap3A = arith.index_cast %scan3A_155 : i32 to index
        %swap3A_167 = arith.constant 0 : index
        %swap3A_168 = tpu.vector_load %arg7[%swap3A, %swap3A_167] {strides = array<i32>} : memref<128x128xf32, #tpu.memory_space<vmem>>, vector<1x16xf32>,
        %swap3A_169 = vector.shape_cast %swap3A_168 : vector<1x16xf32> to vector<16xf32>
        %swap3A_170 = vector.shape_cast %mul3A_166 : vector<16xf32> to vector<1x16xf32>
        tpu.vector_store %arg7[%swap3A, %swap3A_167], %swap3A_170 {strides = array<i32>} : memref<128x128xf32, #tpu.memory_space<vmem>>, vector<1x16xf32>,
        %get3A_171 = arith.index_cast %scan3A_155 : i32 to index
        %get3A_172 = arith.constant 16 : index
        %get3A_173 = tpu.vector_load %arg7[%get3A_171, %get3A_172] {strides = array<i32>} : memref<128x128xf32, #tpu.memory_space<vmem>>, vector<1x16xf32>,
        %get3A_174 = vector.shape_cast %get3A_173 : vector<1x16xf32> to vector<16xf32>
        %mul3A_175 = arith.mulf %get3A_174, %div3A_17 : vector<16xf32>
        %add3A_176 = arith.constant 0x4B400000 : f32
        %add3A_177 = vector.broadcast %add3A_176 : f32 to vector<16xf32>
        %add3A_178 = arith.addf %mul3A_175, %add3A_177 : vector<16xf32>
        %sub3A_179 = arith.constant 0x4B400000 : f32
        %sub3A_180 = vector.broadcast %sub3A_179 : f32 to vector<16xf32>
        %sub3A_181 = arith.subf %add3A_178, %sub3A_180 : vector<16xf32>
        %mul3A_182 = arith.mulf %sub3A_181, %mul3A_15 : vector<16xf32>
        %swap3A_183 = arith.index_cast %scan3A_155 : i32 to index
        %swap3A_184 = arith.constant 16 : index
        %swap3A_185 = tpu.vector_load %arg7[%swap3A_183, %swap3A_184] {strides = array<i32>} : memref<128x128xf32, #tpu.memory_space<vmem>>, vector<1x16xf32>,
        %swap3A_186 = vector.shape_cast %swap3A_185 : vector<1x16xf32> to vector<16xf32>
        %swap3A_187 = vector.shape_cast %mul3A_182 : vector<16xf32> to vector<1x16xf32>
        tpu.vector_store %arg7[%swap3A_183, %swap3A_184], %swap3A_187 {strides = array<i32>} : memref<128x128xf32, #tpu.memory_space<vmem>>, vector<1x16xf32>,
        %get3A_188 = arith.index_cast %scan3A_155 : i32 to index
        %get3A_189 = arith.constant 32 : index
        %get3A_190 = tpu.vector_load %arg7[%get3A_188, %get3A_189] {strides = array<i32>} : memref<128x128xf32, #tpu.memory_space<vmem>>, vector<1x16xf32>,
        %get3A_191 = vector.shape_cast %get3A_190 : vector<1x16xf32> to vector<16xf32>
        %mul3A_192 = arith.mulf %get3A_191, %div3A_17 : vector<16xf32>
        %add3A_193 = arith.constant 0x4B400000 : f32
        %add3A_194 = vector.broadcast %add3A_193 : f32 to vector<16xf32>
        %add3A_195 = arith.addf %mul3A_192, %add3A_194 : vector<16xf32>
        %sub3A_196 = arith.constant 0x4B400000 : f32
        %sub3A_197 = vector.broadcast %sub3A_196 : f32 to vector<16xf32>
        %sub3A_198 = arith.subf %add3A_195, %sub3A_197 : vector<16xf32>
        %mul3A_199 = arith.mulf %sub3A_198, %mul3A_15 : vector<16xf32>
        %swap3A_200 = arith.index_cast %scan3A_155 : i32 to index
        %swap3A_201 = arith.constant 32 : index
        %swap3A_202 = tpu.vector_load %arg7[%swap3A_200, %swap3A_201] {strides = array<i32>} : memref<128x128xf32, #tpu.memory_space<vmem>>, vector<1x16xf32>,
        %swap3A_203 = vector.shape_cast %swap3A_202 : vector<1x16xf32> to vector<16xf32>
        %swap3A_204 = vector.shape_cast %mul3A_199 : vector<16xf32> to vector<1x16xf32>
        tpu.vector_store %arg7[%swap3A_200, %swap3A_201], %swap3A_204 {strides = array<i32>} : memref<128x128xf32, #tpu.memory_space<vmem>>, vector<1x16xf32>,
        %get3A_205 = arith.index_cast %scan3A_155 : i32 to index
        %get3A_206 = arith.constant 48 : index
        %get3A_207 = tpu.vector_load %arg7[%get3A_205, %get3A_206] {strides = array<i32>} : memref<128x128xf32, #tpu.memory_space<vmem>>, vector<1x16xf32>,
        %get3A_208 = vector.shape_cast %get3A_207 : vector<1x16xf32> to vector<16xf32>
        %mul3A_209 = arith.mulf %get3A_208, %div3A_17 : vector<16xf32>
        %add3A_210 = arith.constant 0x4B400000 : f32
        %add3A_211 = vector.broadcast %add3A_210 : f32 to vector<16xf32>
        %add3A_212 = arith.addf %mul3A_209, %add3A_211 : vector<16xf32>
        %sub3A_213 = arith.constant 0x4B400000 : f32
        %sub3A_214 = vector.broadcast %sub3A_213 : f32 to vector<16xf32>
        %sub3A_215 = arith.subf %add3A_212, %sub3A_214 : vector<16xf32>
        %mul3A_216 = arith.mulf %sub3A_215, %mul3A_15 : vector<16xf32>
        %swap3A_217 = arith.index_cast %scan3A_155 : i32 to index
        %swap3A_218 = arith.constant 48 : index
        %swap3A_219 = tpu.vector_load %arg7[%swap3A_217, %swap3A_218] {strides = array<i32>} : memref<128x128xf32, #tpu.memory_space<vmem>>, vector<1x16xf32>,
        %swap3A_220 = vector.shape_cast %swap3A_219 : vector<1x16xf32> to vector<16xf32>
        %swap3A_221 = vector.shape_cast %mul3A_216 : vector<16xf32> to vector<1x16xf32>
        tpu.vector_store %arg7[%swap3A_217, %swap3A_218], %swap3A_221 {strides = array<i32>} : memref<128x128xf32, #tpu.memory_space<vmem>>, vector<1x16xf32>,
        %get3A_222 = arith.index_cast %scan3A_155 : i32 to index
        %get3A_223 = arith.constant 64 : index
        %get3A_224 = tpu.vector_load %arg7[%get3A_222, %get3A_223] {strides = array<i32>} : memref<128x128xf32, #tpu.memory_space<vmem>>, vector<1x16xf32>,
        %get3A_225 = vector.shape_cast %get3A_224 : vector<1x16xf32> to vector<16xf32>
        %mul3A_226 = arith.mulf %get3A_225, %div3A_17 : vector<16xf32>
        %add3A_227 = arith.constant 0x4B400000 : f32
        %add3A_228 = vector.broadcast %add3A_227 : f32 to vector<16xf32>
        %add3A_229 = arith.addf %mul3A_226, %add3A_228 : vector<16xf32>
        %sub3A_230 = arith.constant 0x4B400000 : f32
        %sub3A_231 = vector.broadcast %sub3A_230 : f32 to vector<16xf32>
        %sub3A_232 = arith.subf %add3A_229, %sub3A_231 : vector<16xf32>
        %mul3A_233 = arith.mulf %sub3A_232, %mul3A_15 : vector<16xf32>
        %swap3A_234 = arith.index_cast %scan3A_155 : i32 to index
        %swap3A_235 = arith.constant 64 : index
        %swap3A_236 = tpu.vector_load %arg7[%swap3A_234, %swap3A_235] {strides = array<i32>} : memref<128x128xf32, #tpu.memory_space<vmem>>, vector<1x16xf32>,
        %swap3A_237 = vector.shape_cast %swap3A_236 : vector<1x16xf32> to vector<16xf32>
        %swap3A_238 = vector.shape_cast %mul3A_233 : vector<16xf32> to vector<1x16xf32>
        tpu.vector_store %arg7[%swap3A_234, %swap3A_235], %swap3A_238 {strides = array<i32>} : memref<128x128xf32, #tpu.memory_space<vmem>>, vector<1x16xf32>,
        %get3A_239 = arith.index_cast %scan3A_155 : i32 to index
        %get3A_240 = arith.constant 80 : index
        %get3A_241 = tpu.vector_load %arg7[%get3A_239, %get3A_240] {strides = array<i32>} : memref<128x128xf32, #tpu.memory_space<vmem>>, vector<1x16xf32>,
        %get3A_242 = vector.shape_cast %get3A_241 : vector<1x16xf32> to vector<16xf32>
        %mul3A_243 = arith.mulf %get3A_242, %div3A_17 : vector<16xf32>
        %add3A_244 = arith.constant 0x4B400000 : f32
        %add3A_245 = vector.broadcast %add3A_244 : f32 to vector<16xf32>
        %add3A_246 = arith.addf %mul3A_243, %add3A_245 : vector<16xf32>
        %sub3A_247 = arith.constant 0x4B400000 : f32
        %sub3A_248 = vector.broadcast %sub3A_247 : f32 to vector<16xf32>
        %sub3A_249 = arith.subf %add3A_246, %sub3A_248 : vector<16xf32>
        %mul3A_250 = arith.mulf %sub3A_249, %mul3A_15 : vector<16xf32>
        %swap3A_251 = arith.index_cast %scan3A_155 : i32 to index
        %swap3A_252 = arith.constant 80 : index
        %swap3A_253 = tpu.vector_load %arg7[%swap3A_251, %swap3A_252] {strides = array<i32>} : memref<128x128xf32, #tpu.memory_space<vmem>>, vector<1x16xf32>,
        %swap3A_254 = vector.shape_cast %swap3A_253 : vector<1x16xf32> to vector<16xf32>
        %swap3A_255 = vector.shape_cast %mul3A_250 : vector<16xf32> to vector<1x16xf32>
        tpu.vector_store %arg7[%swap3A_251, %swap3A_252], %swap3A_255 {strides = array<i32>} : memref<128x128xf32, #tpu.memory_space<vmem>>, vector<1x16xf32>,
        %get3A_256 = arith.index_cast %scan3A_155 : i32 to index
        %get3A_257 = arith.constant 96 : index
        %get3A_258 = tpu.vector_load %arg7[%get3A_256, %get3A_257] {strides = array<i32>} : memref<128x128xf32, #tpu.memory_space<vmem>>, vector<1x16xf32>,
        %get3A_259 = vector.shape_cast %get3A_258 : vector<1x16xf32> to vector<16xf32>
        %mul3A_260 = arith.mulf %get3A_259, %div3A_17 : vector<16xf32>
        %add3A_261 = arith.constant 0x4B400000 : f32
        %add3A_262 = vector.broadcast %add3A_261 : f32 to vector<16xf32>
        %add3A_263 = arith.addf %mul3A_260, %add3A_262 : vector<16xf32>
        %sub3A_264 = arith.constant 0x4B400000 : f32
        %sub3A_265 = vector.broadcast %sub3A_264 : f32 to vector<16xf32>
        %sub3A_266 = arith.subf %add3A_263, %sub3A_265 : vector<16xf32>
        %mul3A_267 = arith.mulf %sub3A_266, %mul3A_15 : vector<16xf32>
        %swap3A_268 = arith.index_cast %scan3A_155 : i32 to index
        %swap3A_269 = arith.constant 96 : index
        %swap3A_270 = tpu.vector_load %arg7[%swap3A_268, %swap3A_269] {strides = array<i32>} : memref<128x128xf32, #tpu.memory_space<vmem>>, vector<1x16xf32>,
        %swap3A_271 = vector.shape_cast %swap3A_270 : vector<1x16xf32> to vector<16xf32>
        %swap3A_272 = vector.shape_cast %mul3A_267 : vector<16xf32> to vector<1x16xf32>
        tpu.vector_store %arg7[%swap3A_268, %swap3A_269], %swap3A_272 {strides = array<i32>} : memref<128x128xf32, #tpu.memory_space<vmem>>, vector<1x16xf32>,
        %get3A_273 = arith.index_cast %scan3A_155 : i32 to index
        %get3A_274 = arith.constant 112 : index
        %get3A_275 = tpu.vector_load %arg7[%get3A_273, %get3A_274] {strides = array<i32>} : memref<128x128xf32, #tpu.memory_space<vmem>>, vector<1x16xf32>,
        %get3A_276 = vector.shape_cast %get3A_275 : vector<1x16xf32> to vector<16xf32>
        %mul3A_277 = arith.mulf %get3A_276, %div3A_17 : vector<16xf32>
        %add3A_278 = arith.constant 0x4B400000 : f32
        %add3A_279 = vector.broadcast %add3A_278 : f32 to vector<16xf32>
        %add3A_280 = arith.addf %mul3A_277, %add3A_279 : vector<16xf32>
        %sub3A_281 = arith.constant 0x4B400000 : f32
        %sub3A_282 = vector.broadcast %sub3A_281 : f32 to vector<16xf32>
        %sub3A_283 = arith.subf %add3A_280, %sub3A_282 : vector<16xf32>
        %mul3A_284 = arith.mulf %sub3A_283, %mul3A_15 : vector<16xf32>
        %swap3A_285 = arith.index_cast %scan3A_155 : i32 to index
        %swap3A_286 = arith.constant 112 : index
        %swap3A_287 = tpu.vector_load %arg7[%swap3A_285, %swap3A_286] {strides = array<i32>} : memref<128x128xf32, #tpu.memory_space<vmem>>, vector<1x16xf32>,
        %swap3A_288 = vector.shape_cast %swap3A_287 : vector<1x16xf32> to vector<16xf32>
        %swap3A_289 = vector.shape_cast %mul3A_284 : vector<16xf32> to vector<1x16xf32>
        tpu.vector_store %arg7[%swap3A_285, %swap3A_286], %swap3A_289 {strides = array<i32>} : memref<128x128xf32, #tpu.memory_space<vmem>>, vector<1x16xf32>,
        %scan3A_290 = arith.constant 1 : i32
        %scan3A_291 = arith.addi %scan3A_155, %scan3A_290 : i32
        %get3A_292 = arith.index_cast %scan3A_291 : i32 to index
        %get3A_293 = arith.constant 0 : index
        %get3A_294 = tpu.vector_load %arg7[%get3A_292, %get3A_293] {strides = array<i32>} : memref<128x128xf32, #tpu.memory_space<vmem>>, vector<1x16xf32>,
        %get3A_295 = vector.shape_cast %get3A_294 : vector<1x16xf32> to vector<16xf32>
        %mul3A_296 = arith.mulf %get3A_295, %div3A_17 : vector<16xf32>
        %add3A_297 = arith.constant 0x4B400000 : f32
        %add3A_298 = vector.broadcast %add3A_297 : f32 to vector<16xf32>
        %add3A_299 = arith.addf %mul3A_296, %add3A_298 : vector<16xf32>
        %sub3A_300 = arith.constant 0x4B400000 : f32
        %sub3A_301 = vector.broadcast %sub3A_300 : f32 to vector<16xf32>
        %sub3A_302 = arith.subf %add3A_299, %sub3A_301 : vector<16xf32>
        %mul3A_303 = arith.mulf %sub3A_302, %mul3A_15 : vector<16xf32>
        %swap3A_304 = arith.index_cast %scan3A_291 : i32 to index
        %swap3A_305 = arith.constant 0 : index
        %swap3A_306 = tpu.vector_load %arg7[%swap3A_304, %swap3A_305] {strides = array<i32>} : memref<128x128xf32, #tpu.memory_space<vmem>>, vector<1x16xf32>,
        %swap3A_307 = vector.shape_cast %swap3A_306 : vector<1x16xf32> to vector<16xf32>
        %swap3A_308 = vector.shape_cast %mul3A_303 : vector<16xf32> to vector<1x16xf32>
        tpu.vector_store %arg7[%swap3A_304, %swap3A_305], %swap3A_308 {strides = array<i32>} : memref<128x128xf32, #tpu.memory_space<vmem>>, vector<1x16xf32>,
        %get3A_309 = arith.index_cast %scan3A_291 : i32 to index
        %get3A_310 = arith.constant 16 : index
        %get3A_311 = tpu.vector_load %arg7[%get3A_309, %get3A_310] {strides = array<i32>} : memref<128x128xf32, #tpu.memory_space<vmem>>, vector<1x16xf32>,
        %get3A_312 = vector.shape_cast %get3A_311 : vector<1x16xf32> to vector<16xf32>
        %mul3A_313 = arith.mulf %get3A_312, %div3A_17 : vector<16xf32>
        %add3A_314 = arith.constant 0x4B400000 : f32
        %add3A_315 = vector.broadcast %add3A_314 : f32 to vector<16xf32>
        %add3A_316 = arith.addf %mul3A_313, %add3A_315 : vector<16xf32>
        %sub3A_317 = arith.constant 0x4B400000 : f32
        %sub3A_318 = vector.broadcast %sub3A_317 : f32 to vector<16xf32>
        %sub3A_319 = arith.subf %add3A_316, %sub3A_318 : vector<16xf32>
        %mul3A_320 = arith.mulf %sub3A_319, %mul3A_15 : vector<16xf32>
        %swap3A_321 = arith.index_cast %scan3A_291 : i32 to index
        %swap3A_322 = arith.constant 16 : index
        %swap3A_323 = tpu.vector_load %arg7[%swap3A_321, %swap3A_322] {strides = array<i32>} : memref<128x128xf32, #tpu.memory_space<vmem>>, vector<1x16xf32>,
        %swap3A_324 = vector.shape_cast %swap3A_323 : vector<1x16xf32> to vector<16xf32>
        %swap3A_325 = vector.shape_cast %mul3A_320 : vector<16xf32> to vector<1x16xf32>
        tpu.vector_store %arg7[%swap3A_321, %swap3A_322], %swap3A_325 {strides = array<i32>} : memref<128x128xf32, #tpu.memory_space<vmem>>, vector<1x16xf32>,
        %get3A_326 = arith.index_cast %scan3A_291 : i32 to index
        %get3A_327 = arith.constant 32 : index
        %get3A_328 = tpu.vector_load %arg7[%get3A_326, %get3A_327] {strides = array<i32>} : memref<128x128xf32, #tpu.memory_space<vmem>>, vector<1x16xf32>,
        %get3A_329 = vector.shape_cast %get3A_328 : vector<1x16xf32> to vector<16xf32>
        %mul3A_330 = arith.mulf %get3A_329, %div3A_17 : vector<16xf32>
        %add3A_331 = arith.constant 0x4B400000 : f32
        %add3A_332 = vector.broadcast %add3A_331 : f32 to vector<16xf32>
        %add3A_333 = arith.addf %mul3A_330, %add3A_332 : vector<16xf32>
        %sub3A_334 = arith.constant 0x4B400000 : f32
        %sub3A_335 = vector.broadcast %sub3A_334 : f32 to vector<16xf32>
        %sub3A_336 = arith.subf %add3A_333, %sub3A_335 : vector<16xf32>
        %mul3A_337 = arith.mulf %sub3A_336, %mul3A_15 : vector<16xf32>
        %swap3A_338 = arith.index_cast %scan3A_291 : i32 to index
        %swap3A_339 = arith.constant 32 : index
        %swap3A_340 = tpu.vector_load %arg7[%swap3A_338, %swap3A_339] {strides = array<i32>} : memref<128x128xf32, #tpu.memory_space<vmem>>, vector<1x16xf32>,
        %swap3A_341 = vector.shape_cast %swap3A_340 : vector<1x16xf32> to vector<16xf32>
        %swap3A_342 = vector.shape_cast %mul3A_337 : vector<16xf32> to vector<1x16xf32>
        tpu.vector_store %arg7[%swap3A_338, %swap3A_339], %swap3A_342 {strides = array<i32>} : memref<128x128xf32, #tpu.memory_space<vmem>>, vector<1x16xf32>,
        %get3A_343 = arith.index_cast %scan3A_291 : i32 to index
        %get3A_344 = arith.constant 48 : index
        %get3A_345 = tpu.vector_load %arg7[%get3A_343, %get3A_344] {strides = array<i32>} : memref<128x128xf32, #tpu.memory_space<vmem>>, vector<1x16xf32>,
        %get3A_346 = vector.shape_cast %get3A_345 : vector<1x16xf32> to vector<16xf32>
        %mul3A_347 = arith.mulf %get3A_346, %div3A_17 : vector<16xf32>
        %add3A_348 = arith.constant 0x4B400000 : f32
        %add3A_349 = vector.broadcast %add3A_348 : f32 to vector<16xf32>
        %add3A_350 = arith.addf %mul3A_347, %add3A_349 : vector<16xf32>
        %sub3A_351 = arith.constant 0x4B400000 : f32
        %sub3A_352 = vector.broadcast %sub3A_351 : f32 to vector<16xf32>
        %sub3A_353 = arith.subf %add3A_350, %sub3A_352 : vector<16xf32>
        %mul3A_354 = arith.mulf %sub3A_353, %mul3A_15 : vector<16xf32>
        %swap3A_355 = arith.index_cast %scan3A_291 : i32 to index
        %swap3A_356 = arith.constant 48 : index
        %swap3A_357 = tpu.vector_load %arg7[%swap3A_355, %swap3A_356] {strides = array<i32>} : memref<128x128xf32, #tpu.memory_space<vmem>>, vector<1x16xf32>,
        %swap3A_358 = vector.shape_cast %swap3A_357 : vector<1x16xf32> to vector<16xf32>
        %swap3A_359 = vector.shape_cast %mul3A_354 : vector<16xf32> to vector<1x16xf32>
        tpu.vector_store %arg7[%swap3A_355, %swap3A_356], %swap3A_359 {strides = array<i32>} : memref<128x128xf32, #tpu.memory_space<vmem>>, vector<1x16xf32>,
        %get3A_360 = arith.index_cast %scan3A_291 : i32 to index
        %get3A_361 = arith.constant 64 : index
        %get3A_362 = tpu.vector_load %arg7[%get3A_360, %get3A_361] {strides = array<i32>} : memref<128x128xf32, #tpu.memory_space<vmem>>, vector<1x16xf32>,
        %get3A_363 = vector.shape_cast %get3A_362 : vector<1x16xf32> to vector<16xf32>
        %mul3A_364 = arith.mulf %get3A_363, %div3A_17 : vector<16xf32>
        %add3A_365 = arith.constant 0x4B400000 : f32
        %add3A_366 = vector.broadcast %add3A_365 : f32 to vector<16xf32>
        %add3A_367 = arith.addf %mul3A_364, %add3A_366 : vector<16xf32>
        %sub3A_368 = arith.constant 0x4B400000 : f32
        %sub3A_369 = vector.broadcast %sub3A_368 : f32 to vector<16xf32>
        %sub3A_370 = arith.subf %add3A_367, %sub3A_369 : vector<16xf32>
        %mul3A_371 = arith.mulf %sub3A_370, %mul3A_15 : vector<16xf32>
        %swap3A_372 = arith.index_cast %scan3A_291 : i32 to index
        %swap3A_373 = arith.constant 64 : index
        %swap3A_374 = tpu.vector_load %arg7[%swap3A_372, %swap3A_373] {strides = array<i32>} : memref<128x128xf32, #tpu.memory_space<vmem>>, vector<1x16xf32>,
        %swap3A_375 = vector.shape_cast %swap3A_374 : vector<1x16xf32> to vector<16xf32>
        %swap3A_376 = vector.shape_cast %mul3A_371 : vector<16xf32> to vector<1x16xf32>
        tpu.vector_store %arg7[%swap3A_372, %swap3A_373], %swap3A_376 {strides = array<i32>} : memref<128x128xf32, #tpu.memory_space<vmem>>, vector<1x16xf32>,
        %get3A_377 = arith.index_cast %scan3A_291 : i32 to index
        %get3A_378 = arith.constant 80 : index
        %get3A_379 = tpu.vector_load %arg7[%get3A_377, %get3A_378] {strides = array<i32>} : memref<128x128xf32, #tpu.memory_space<vmem>>, vector<1x16xf32>,
        %get3A_380 = vector.shape_cast %get3A_379 : vector<1x16xf32> to vector<16xf32>
        %mul3A_381 = arith.mulf %get3A_380, %div3A_17 : vector<16xf32>
        %add3A_382 = arith.constant 0x4B400000 : f32
        %add3A_383 = vector.broadcast %add3A_382 : f32 to vector<16xf32>
        %add3A_384 = arith.addf %mul3A_381, %add3A_383 : vector<16xf32>
        %sub3A_385 = arith.constant 0x4B400000 : f32
        %sub3A_386 = vector.broadcast %sub3A_385 : f32 to vector<16xf32>
        %sub3A_387 = arith.subf %add3A_384, %sub3A_386 : vector<16xf32>
        %mul3A_388 = arith.mulf %sub3A_387, %mul3A_15 : vector<16xf32>
        %swap3A_389 = arith.index_cast %scan3A_291 : i32 to index
        %swap3A_390 = arith.constant 80 : index
        %swap3A_391 = tpu.vector_load %arg7[%swap3A_389, %swap3A_390] {strides = array<i32>} : memref<128x128xf32, #tpu.memory_space<vmem>>, vector<1x16xf32>,
        %swap3A_392 = vector.shape_cast %swap3A_391 : vector<1x16xf32> to vector<16xf32>
        %swap3A_393 = vector.shape_cast %mul3A_388 : vector<16xf32> to vector<1x16xf32>
        tpu.vector_store %arg7[%swap3A_389, %swap3A_390], %swap3A_393 {strides = array<i32>} : memref<128x128xf32, #tpu.memory_space<vmem>>, vector<1x16xf32>,
        %get3A_394 = arith.index_cast %scan3A_291 : i32 to index
        %get3A_395 = arith.constant 96 : index
        %get3A_396 = tpu.vector_load %arg7[%get3A_394, %get3A_395] {strides = array<i32>} : memref<128x128xf32, #tpu.memory_space<vmem>>, vector<1x16xf32>,
        %get3A_397 = vector.shape_cast %get3A_396 : vector<1x16xf32> to vector<16xf32>
        %mul3A_398 = arith.mulf %get3A_397, %div3A_17 : vector<16xf32>
        %add3A_399 = arith.constant 0x4B400000 : f32
        %add3A_400 = vector.broadcast %add3A_399 : f32 to vector<16xf32>
        %add3A_401 = arith.addf %mul3A_398, %add3A_400 : vector<16xf32>
        %sub3A_402 = arith.constant 0x4B400000 : f32
        %sub3A_403 = vector.broadcast %sub3A_402 : f32 to vector<16xf32>
        %sub3A_404 = arith.subf %add3A_401, %sub3A_403 : vector<16xf32>
        %mul3A_405 = arith.mulf %sub3A_404, %mul3A_15 : vector<16xf32>
        %swap3A_406 = arith.index_cast %scan3A_291 : i32 to index
        %swap3A_407 = arith.constant 96 : index
        %swap3A_408 = tpu.vector_load %arg7[%swap3A_406, %swap3A_407] {strides = array<i32>} : memref<128x128xf32, #tpu.memory_space<vmem>>, vector<1x16xf32>,
        %swap3A_409 = vector.shape_cast %swap3A_408 : vector<1x16xf32> to vector<16xf32>
        %swap3A_410 = vector.shape_cast %mul3A_405 : vector<16xf32> to vector<1x16xf32>
        tpu.vector_store %arg7[%swap3A_406, %swap3A_407], %swap3A_410 {strides = array<i32>} : memref<128x128xf32, #tpu.memory_space<vmem>>, vector<1x16xf32>,
        %get3A_411 = arith.index_cast %scan3A_291 : i32 to index
        %get3A_412 = arith.constant 112 : index
        %get3A_413 = tpu.vector_load %arg7[%get3A_411, %get3A_412] {strides = array<i32>} : memref<128x128xf32, #tpu.memory_space<vmem>>, vector<1x16xf32>,
        %get3A_414 = vector.shape_cast %get3A_413 : vector<1x16xf32> to vector<16xf32>
        %mul3A_415 = arith.mulf %get3A_414, %div3A_17 : vector<16xf32>
        %add3A_416 = arith.constant 0x4B400000 : f32
        %add3A_417 = vector.broadcast %add3A_416 : f32 to vector<16xf32>
        %add3A_418 = arith.addf %mul3A_415, %add3A_417 : vector<16xf32>
        %sub3A_419 = arith.constant 0x4B400000 : f32
        %sub3A_420 = vector.broadcast %sub3A_419 : f32 to vector<16xf32>
        %sub3A_421 = arith.subf %add3A_418, %sub3A_420 : vector<16xf32>
        %mul3A_422 = arith.mulf %sub3A_421, %mul3A_15 : vector<16xf32>
        %swap3A_423 = arith.index_cast %scan3A_291 : i32 to index
        %swap3A_424 = arith.constant 112 : index
        %swap3A_425 = tpu.vector_load %arg7[%swap3A_423, %swap3A_424] {strides = array<i32>} : memref<128x128xf32, #tpu.memory_space<vmem>>, vector<1x16xf32>,
        %swap3A_426 = vector.shape_cast %swap3A_425 : vector<1x16xf32> to vector<16xf32>
        %swap3A_427 = vector.shape_cast %mul3A_422 : vector<16xf32> to vector<1x16xf32>
        tpu.vector_store %arg7[%swap3A_423, %swap3A_424], %swap3A_427 {strides = array<i32>} : memref<128x128xf32, #tpu.memory_space<vmem>>, vector<1x16xf32>,
      }
      %scan3A_85 = arith.constant 128 : i32
      %mul3A_86 = arith.constant 4 : i32
      %mul3A_87 = arith.muli %scan3A_65, %mul3A_86 : i32
      %add3A_88 = arith.constant 1 : i32
      %add3A_89 = arith.addi %mul3A_87, %add3A_88 : i32
      %mul3A_90 = arith.constant 128 : i32
      %mul3A_91 = arith.muli %add3A_89, %mul3A_90 : i32
      %dma_wait3A_92 = tpu.memref_slice %arg6[%mul3A_91] : memref<3328xi32, #tpu.memory_space<vmem>> -> memref<128xi32, #tpu.memory_space<vmem>>
      %dma_wait3A_93 = arith.constant 0 : i32
      %dma_wait3A_94 = arith.constant 0 : i32
      %dma_wait3A_95 = tpu.memref_slice %arg3[%dma_wait3A_93, %dma_wait3A_94] : memref<100000x128xf32, #tpu.memory_space<hbm>> -> memref<100000x128xf32, #tpu.memory_space<hbm>>
      tpu.wait_indirect_dma semaphore(%arg13 : memref<!tpu.dma_semaphore, #tpu.memory_space<semaphore_mem>>) src(%dma_wait3A_95 : memref<100000x128xf32, #tpu.memory_space<hbm>>) dst(%arg8 : memref<128x128xf32, #tpu.memory_space<vmem>>)
      %add3A_96 = arith.constant 2 : i32
      %add3A_97 = arith.addi %add3A_89, %add3A_96 : i32
      %lt3A_98 = arith.constant 26 : i32
      %lt3A_99 = arith.cmpi slt, %add3A_97, %lt3A_98 : i32
      %convert_element_type3A_100 = arith.extui %lt3A_99 : i1 to i32
      %cond3A_101 = arith.constant 0 : i32
      %cond3A_102 = arith.cmpi ne, %convert_element_type3A_100, %cond3A_101 : i32
      scf.if %cond3A_102 {
        %mul3A_155 = arith.constant 128 : i32
        %mul3A_156 = arith.muli %add3A_97, %mul3A_155 : i32
        %dma_start3A_157 = tpu.memref_slice %arg6[%mul3A_156] : memref<3328xi32, #tpu.memory_space<vmem>> -> memref<128xi32, #tpu.memory_space<vmem>>
        %dma_start3A_158 = arith.constant 0 : i32
        %dma_start3A_159 = arith.constant 0 : i32
        %dma_start3A_160 = tpu.memref_slice %arg3[%dma_start3A_158, %dma_start3A_159] : memref<100000x128xf32, #tpu.memory_space<hbm>> -> memref<100000x128xf32, #tpu.memory_space<hbm>>
        tpu.enqueue_indirect_dma source(%dma_start3A_160 : memref<100000x128xf32, #tpu.memory_space<hbm>>) target(%arg10 : memref<128x128xf32, #tpu.memory_space<vmem>>) offsets(%dma_start3A_157 : memref<128xi32, #tpu.memory_space<vmem>>) semaphore(%arg15 : memref<!tpu.dma_semaphore, #tpu.memory_space<semaphore_mem>>)
      } else {
      }
      %scan3A_103 = arith.constant 0 : i32
      %scan3A_104 = arith.constant 0 : i32
      %scan3A_105 = arith.constant 128 : i32
      %scan3A_106 = arith.addi %scan3A_104, %scan3A_105 : i32
      %scan3A_107 = arith.constant 2 : i32
      scf.for %scan3A_155 = %scan3A_104 to %scan3A_106 step %scan3A_107  : i32 {
        %get3A_156 = arith.index_cast %scan3A_155 : i32 to index
        %get3A_157 = arith.constant 0 : index
        %get3A_158 = tpu.vector_load %arg8[%get3A_156, %get3A_157] {strides = array<i32>} : memref<128x128xf32, #tpu.memory_space<vmem>>, vector<1x16xf32>,
        %get3A_159 = vector.shape_cast %get3A_158 : vector<1x16xf32> to vector<16xf32>
        %mul3A_160 = arith.mulf %get3A_159, %div3A_17 : vector<16xf32>
        %add3A_161 = arith.constant 0x4B400000 : f32
        %add3A_162 = vector.broadcast %add3A_161 : f32 to vector<16xf32>
        %add3A_163 = arith.addf %mul3A_160, %add3A_162 : vector<16xf32>
        %sub3A = arith.constant 0x4B400000 : f32
        %sub3A_164 = vector.broadcast %sub3A : f32 to vector<16xf32>
        %sub3A_165 = arith.subf %add3A_163, %sub3A_164 : vector<16xf32>
        %mul3A_166 = arith.mulf %sub3A_165, %mul3A_15 : vector<16xf32>
        %swap3A = arith.index_cast %scan3A_155 : i32 to index
        %swap3A_167 = arith.constant 0 : index
        %swap3A_168 = tpu.vector_load %arg8[%swap3A, %swap3A_167] {strides = array<i32>} : memref<128x128xf32, #tpu.memory_space<vmem>>, vector<1x16xf32>,
        %swap3A_169 = vector.shape_cast %swap3A_168 : vector<1x16xf32> to vector<16xf32>
        %swap3A_170 = vector.shape_cast %mul3A_166 : vector<16xf32> to vector<1x16xf32>
        tpu.vector_store %arg8[%swap3A, %swap3A_167], %swap3A_170 {strides = array<i32>} : memref<128x128xf32, #tpu.memory_space<vmem>>, vector<1x16xf32>,
        %get3A_171 = arith.index_cast %scan3A_155 : i32 to index
        %get3A_172 = arith.constant 16 : index
        %get3A_173 = tpu.vector_load %arg8[%get3A_171, %get3A_172] {strides = array<i32>} : memref<128x128xf32, #tpu.memory_space<vmem>>, vector<1x16xf32>,
        %get3A_174 = vector.shape_cast %get3A_173 : vector<1x16xf32> to vector<16xf32>
        %mul3A_175 = arith.mulf %get3A_174, %div3A_17 : vector<16xf32>
        %add3A_176 = arith.constant 0x4B400000 : f32
        %add3A_177 = vector.broadcast %add3A_176 : f32 to vector<16xf32>
        %add3A_178 = arith.addf %mul3A_175, %add3A_177 : vector<16xf32>
        %sub3A_179 = arith.constant 0x4B400000 : f32
        %sub3A_180 = vector.broadcast %sub3A_179 : f32 to vector<16xf32>
        %sub3A_181 = arith.subf %add3A_178, %sub3A_180 : vector<16xf32>
        %mul3A_182 = arith.mulf %sub3A_181, %mul3A_15 : vector<16xf32>
        %swap3A_183 = arith.index_cast %scan3A_155 : i32 to index
        %swap3A_184 = arith.constant 16 : index
        %swap3A_185 = tpu.vector_load %arg8[%swap3A_183, %swap3A_184] {strides = array<i32>} : memref<128x128xf32, #tpu.memory_space<vmem>>, vector<1x16xf32>,
        %swap3A_186 = vector.shape_cast %swap3A_185 : vector<1x16xf32> to vector<16xf32>
        %swap3A_187 = vector.shape_cast %mul3A_182 : vector<16xf32> to vector<1x16xf32>
        tpu.vector_store %arg8[%swap3A_183, %swap3A_184], %swap3A_187 {strides = array<i32>} : memref<128x128xf32, #tpu.memory_space<vmem>>, vector<1x16xf32>,
        %get3A_188 = arith.index_cast %scan3A_155 : i32 to index
        %get3A_189 = arith.constant 32 : index
        %get3A_190 = tpu.vector_load %arg8[%get3A_188, %get3A_189] {strides = array<i32>} : memref<128x128xf32, #tpu.memory_space<vmem>>, vector<1x16xf32>,
        %get3A_191 = vector.shape_cast %get3A_190 : vector<1x16xf32> to vector<16xf32>
        %mul3A_192 = arith.mulf %get3A_191, %div3A_17 : vector<16xf32>
        %add3A_193 = arith.constant 0x4B400000 : f32
        %add3A_194 = vector.broadcast %add3A_193 : f32 to vector<16xf32>
        %add3A_195 = arith.addf %mul3A_192, %add3A_194 : vector<16xf32>
        %sub3A_196 = arith.constant 0x4B400000 : f32
        %sub3A_197 = vector.broadcast %sub3A_196 : f32 to vector<16xf32>
        %sub3A_198 = arith.subf %add3A_195, %sub3A_197 : vector<16xf32>
        %mul3A_199 = arith.mulf %sub3A_198, %mul3A_15 : vector<16xf32>
        %swap3A_200 = arith.index_cast %scan3A_155 : i32 to index
        %swap3A_201 = arith.constant 32 : index
        %swap3A_202 = tpu.vector_load %arg8[%swap3A_200, %swap3A_201] {strides = array<i32>} : memref<128x128xf32, #tpu.memory_space<vmem>>, vector<1x16xf32>,
        %swap3A_203 = vector.shape_cast %swap3A_202 : vector<1x16xf32> to vector<16xf32>
        %swap3A_204 = vector.shape_cast %mul3A_199 : vector<16xf32> to vector<1x16xf32>
        tpu.vector_store %arg8[%swap3A_200, %swap3A_201], %swap3A_204 {strides = array<i32>} : memref<128x128xf32, #tpu.memory_space<vmem>>, vector<1x16xf32>,
        %get3A_205 = arith.index_cast %scan3A_155 : i32 to index
        %get3A_206 = arith.constant 48 : index
        %get3A_207 = tpu.vector_load %arg8[%get3A_205, %get3A_206] {strides = array<i32>} : memref<128x128xf32, #tpu.memory_space<vmem>>, vector<1x16xf32>,
        %get3A_208 = vector.shape_cast %get3A_207 : vector<1x16xf32> to vector<16xf32>
        %mul3A_209 = arith.mulf %get3A_208, %div3A_17 : vector<16xf32>
        %add3A_210 = arith.constant 0x4B400000 : f32
        %add3A_211 = vector.broadcast %add3A_210 : f32 to vector<16xf32>
        %add3A_212 = arith.addf %mul3A_209, %add3A_211 : vector<16xf32>
        %sub3A_213 = arith.constant 0x4B400000 : f32
        %sub3A_214 = vector.broadcast %sub3A_213 : f32 to vector<16xf32>
        %sub3A_215 = arith.subf %add3A_212, %sub3A_214 : vector<16xf32>
        %mul3A_216 = arith.mulf %sub3A_215, %mul3A_15 : vector<16xf32>
        %swap3A_217 = arith.index_cast %scan3A_155 : i32 to index
        %swap3A_218 = arith.constant 48 : index
        %swap3A_219 = tpu.vector_load %arg8[%swap3A_217, %swap3A_218] {strides = array<i32>} : memref<128x128xf32, #tpu.memory_space<vmem>>, vector<1x16xf32>,
        %swap3A_220 = vector.shape_cast %swap3A_219 : vector<1x16xf32> to vector<16xf32>
        %swap3A_221 = vector.shape_cast %mul3A_216 : vector<16xf32> to vector<1x16xf32>
        tpu.vector_store %arg8[%swap3A_217, %swap3A_218], %swap3A_221 {strides = array<i32>} : memref<128x128xf32, #tpu.memory_space<vmem>>, vector<1x16xf32>,
        %get3A_222 = arith.index_cast %scan3A_155 : i32 to index
        %get3A_223 = arith.constant 64 : index
        %get3A_224 = tpu.vector_load %arg8[%get3A_222, %get3A_223] {strides = array<i32>} : memref<128x128xf32, #tpu.memory_space<vmem>>, vector<1x16xf32>,
        %get3A_225 = vector.shape_cast %get3A_224 : vector<1x16xf32> to vector<16xf32>
        %mul3A_226 = arith.mulf %get3A_225, %div3A_17 : vector<16xf32>
        %add3A_227 = arith.constant 0x4B400000 : f32
        %add3A_228 = vector.broadcast %add3A_227 : f32 to vector<16xf32>
        %add3A_229 = arith.addf %mul3A_226, %add3A_228 : vector<16xf32>
        %sub3A_230 = arith.constant 0x4B400000 : f32
        %sub3A_231 = vector.broadcast %sub3A_230 : f32 to vector<16xf32>
        %sub3A_232 = arith.subf %add3A_229, %sub3A_231 : vector<16xf32>
        %mul3A_233 = arith.mulf %sub3A_232, %mul3A_15 : vector<16xf32>
        %swap3A_234 = arith.index_cast %scan3A_155 : i32 to index
        %swap3A_235 = arith.constant 64 : index
        %swap3A_236 = tpu.vector_load %arg8[%swap3A_234, %swap3A_235] {strides = array<i32>} : memref<128x128xf32, #tpu.memory_space<vmem>>, vector<1x16xf32>,
        %swap3A_237 = vector.shape_cast %swap3A_236 : vector<1x16xf32> to vector<16xf32>
        %swap3A_238 = vector.shape_cast %mul3A_233 : vector<16xf32> to vector<1x16xf32>
        tpu.vector_store %arg8[%swap3A_234, %swap3A_235], %swap3A_238 {strides = array<i32>} : memref<128x128xf32, #tpu.memory_space<vmem>>, vector<1x16xf32>,
        %get3A_239 = arith.index_cast %scan3A_155 : i32 to index
        %get3A_240 = arith.constant 80 : index
        %get3A_241 = tpu.vector_load %arg8[%get3A_239, %get3A_240] {strides = array<i32>} : memref<128x128xf32, #tpu.memory_space<vmem>>, vector<1x16xf32>,
        %get3A_242 = vector.shape_cast %get3A_241 : vector<1x16xf32> to vector<16xf32>
        %mul3A_243 = arith.mulf %get3A_242, %div3A_17 : vector<16xf32>
        %add3A_244 = arith.constant 0x4B400000 : f32
        %add3A_245 = vector.broadcast %add3A_244 : f32 to vector<16xf32>
        %add3A_246 = arith.addf %mul3A_243, %add3A_245 : vector<16xf32>
        %sub3A_247 = arith.constant 0x4B400000 : f32
        %sub3A_248 = vector.broadcast %sub3A_247 : f32 to vector<16xf32>
        %sub3A_249 = arith.subf %add3A_246, %sub3A_248 : vector<16xf32>
        %mul3A_250 = arith.mulf %sub3A_249, %mul3A_15 : vector<16xf32>
        %swap3A_251 = arith.index_cast %scan3A_155 : i32 to index
        %swap3A_252 = arith.constant 80 : index
        %swap3A_253 = tpu.vector_load %arg8[%swap3A_251, %swap3A_252] {strides = array<i32>} : memref<128x128xf32, #tpu.memory_space<vmem>>, vector<1x16xf32>,
        %swap3A_254 = vector.shape_cast %swap3A_253 : vector<1x16xf32> to vector<16xf32>
        %swap3A_255 = vector.shape_cast %mul3A_250 : vector<16xf32> to vector<1x16xf32>
        tpu.vector_store %arg8[%swap3A_251, %swap3A_252], %swap3A_255 {strides = array<i32>} : memref<128x128xf32, #tpu.memory_space<vmem>>, vector<1x16xf32>,
        %get3A_256 = arith.index_cast %scan3A_155 : i32 to index
        %get3A_257 = arith.constant 96 : index
        %get3A_258 = tpu.vector_load %arg8[%get3A_256, %get3A_257] {strides = array<i32>} : memref<128x128xf32, #tpu.memory_space<vmem>>, vector<1x16xf32>,
        %get3A_259 = vector.shape_cast %get3A_258 : vector<1x16xf32> to vector<16xf32>
        %mul3A_260 = arith.mulf %get3A_259, %div3A_17 : vector<16xf32>
        %add3A_261 = arith.constant 0x4B400000 : f32
        %add3A_262 = vector.broadcast %add3A_261 : f32 to vector<16xf32>
        %add3A_263 = arith.addf %mul3A_260, %add3A_262 : vector<16xf32>
        %sub3A_264 = arith.constant 0x4B400000 : f32
        %sub3A_265 = vector.broadcast %sub3A_264 : f32 to vector<16xf32>
        %sub3A_266 = arith.subf %add3A_263, %sub3A_265 : vector<16xf32>
        %mul3A_267 = arith.mulf %sub3A_266, %mul3A_15 : vector<16xf32>
        %swap3A_268 = arith.index_cast %scan3A_155 : i32 to index
        %swap3A_269 = arith.constant 96 : index
        %swap3A_270 = tpu.vector_load %arg8[%swap3A_268, %swap3A_269] {strides = array<i32>} : memref<128x128xf32, #tpu.memory_space<vmem>>, vector<1x16xf32>,
        %swap3A_271 = vector.shape_cast %swap3A_270 : vector<1x16xf32> to vector<16xf32>
        %swap3A_272 = vector.shape_cast %mul3A_267 : vector<16xf32> to vector<1x16xf32>
        tpu.vector_store %arg8[%swap3A_268, %swap3A_269], %swap3A_272 {strides = array<i32>} : memref<128x128xf32, #tpu.memory_space<vmem>>, vector<1x16xf32>,
        %get3A_273 = arith.index_cast %scan3A_155 : i32 to index
        %get3A_274 = arith.constant 112 : index
        %get3A_275 = tpu.vector_load %arg8[%get3A_273, %get3A_274] {strides = array<i32>} : memref<128x128xf32, #tpu.memory_space<vmem>>, vector<1x16xf32>,
        %get3A_276 = vector.shape_cast %get3A_275 : vector<1x16xf32> to vector<16xf32>
        %mul3A_277 = arith.mulf %get3A_276, %div3A_17 : vector<16xf32>
        %add3A_278 = arith.constant 0x4B400000 : f32
        %add3A_279 = vector.broadcast %add3A_278 : f32 to vector<16xf32>
        %add3A_280 = arith.addf %mul3A_277, %add3A_279 : vector<16xf32>
        %sub3A_281 = arith.constant 0x4B400000 : f32
        %sub3A_282 = vector.broadcast %sub3A_281 : f32 to vector<16xf32>
        %sub3A_283 = arith.subf %add3A_280, %sub3A_282 : vector<16xf32>
        %mul3A_284 = arith.mulf %sub3A_283, %mul3A_15 : vector<16xf32>
        %swap3A_285 = arith.index_cast %scan3A_155 : i32 to index
        %swap3A_286 = arith.constant 112 : index
        %swap3A_287 = tpu.vector_load %arg8[%swap3A_285, %swap3A_286] {strides = array<i32>} : memref<128x128xf32, #tpu.memory_space<vmem>>, vector<1x16xf32>,
        %swap3A_288 = vector.shape_cast %swap3A_287 : vector<1x16xf32> to vector<16xf32>
        %swap3A_289 = vector.shape_cast %mul3A_284 : vector<16xf32> to vector<1x16xf32>
        tpu.vector_store %arg8[%swap3A_285, %swap3A_286], %swap3A_289 {strides = array<i32>} : memref<128x128xf32, #tpu.memory_space<vmem>>, vector<1x16xf32>,
        %scan3A_290 = arith.constant 1 : i32
        %scan3A_291 = arith.addi %scan3A_155, %scan3A_290 : i32
        %get3A_292 = arith.index_cast %scan3A_291 : i32 to index
        %get3A_293 = arith.constant 0 : index
        %get3A_294 = tpu.vector_load %arg8[%get3A_292, %get3A_293] {strides = array<i32>} : memref<128x128xf32, #tpu.memory_space<vmem>>, vector<1x16xf32>,
        %get3A_295 = vector.shape_cast %get3A_294 : vector<1x16xf32> to vector<16xf32>
        %mul3A_296 = arith.mulf %get3A_295, %div3A_17 : vector<16xf32>
        %add3A_297 = arith.constant 0x4B400000 : f32
        %add3A_298 = vector.broadcast %add3A_297 : f32 to vector<16xf32>
        %add3A_299 = arith.addf %mul3A_296, %add3A_298 : vector<16xf32>
        %sub3A_300 = arith.constant 0x4B400000 : f32
        %sub3A_301 = vector.broadcast %sub3A_300 : f32 to vector<16xf32>
        %sub3A_302 = arith.subf %add3A_299, %sub3A_301 : vector<16xf32>
        %mul3A_303 = arith.mulf %sub3A_302, %mul3A_15 : vector<16xf32>
        %swap3A_304 = arith.index_cast %scan3A_291 : i32 to index
        %swap3A_305 = arith.constant 0 : index
        %swap3A_306 = tpu.vector_load %arg8[%swap3A_304, %swap3A_305] {strides = array<i32>} : memref<128x128xf32, #tpu.memory_space<vmem>>, vector<1x16xf32>,
        %swap3A_307 = vector.shape_cast %swap3A_306 : vector<1x16xf32> to vector<16xf32>
        %swap3A_308 = vector.shape_cast %mul3A_303 : vector<16xf32> to vector<1x16xf32>
        tpu.vector_store %arg8[%swap3A_304, %swap3A_305], %swap3A_308 {strides = array<i32>} : memref<128x128xf32, #tpu.memory_space<vmem>>, vector<1x16xf32>,
        %get3A_309 = arith.index_cast %scan3A_291 : i32 to index
        %get3A_310 = arith.constant 16 : index
        %get3A_311 = tpu.vector_load %arg8[%get3A_309, %get3A_310] {strides = array<i32>} : memref<128x128xf32, #tpu.memory_space<vmem>>, vector<1x16xf32>,
        %get3A_312 = vector.shape_cast %get3A_311 : vector<1x16xf32> to vector<16xf32>
        %mul3A_313 = arith.mulf %get3A_312, %div3A_17 : vector<16xf32>
        %add3A_314 = arith.constant 0x4B400000 : f32
        %add3A_315 = vector.broadcast %add3A_314 : f32 to vector<16xf32>
        %add3A_316 = arith.addf %mul3A_313, %add3A_315 : vector<16xf32>
        %sub3A_317 = arith.constant 0x4B400000 : f32
        %sub3A_318 = vector.broadcast %sub3A_317 : f32 to vector<16xf32>
        %sub3A_319 = arith.subf %add3A_316, %sub3A_318 : vector<16xf32>
        %mul3A_320 = arith.mulf %sub3A_319, %mul3A_15 : vector<16xf32>
        %swap3A_321 = arith.index_cast %scan3A_291 : i32 to index
        %swap3A_322 = arith.constant 16 : index
        %swap3A_323 = tpu.vector_load %arg8[%swap3A_321, %swap3A_322] {strides = array<i32>} : memref<128x128xf32, #tpu.memory_space<vmem>>, vector<1x16xf32>,
        %swap3A_324 = vector.shape_cast %swap3A_323 : vector<1x16xf32> to vector<16xf32>
        %swap3A_325 = vector.shape_cast %mul3A_320 : vector<16xf32> to vector<1x16xf32>
        tpu.vector_store %arg8[%swap3A_321, %swap3A_322], %swap3A_325 {strides = array<i32>} : memref<128x128xf32, #tpu.memory_space<vmem>>, vector<1x16xf32>,
        %get3A_326 = arith.index_cast %scan3A_291 : i32 to index
        %get3A_327 = arith.constant 32 : index
        %get3A_328 = tpu.vector_load %arg8[%get3A_326, %get3A_327] {strides = array<i32>} : memref<128x128xf32, #tpu.memory_space<vmem>>, vector<1x16xf32>,
        %get3A_329 = vector.shape_cast %get3A_328 : vector<1x16xf32> to vector<16xf32>
        %mul3A_330 = arith.mulf %get3A_329, %div3A_17 : vector<16xf32>
        %add3A_331 = arith.constant 0x4B400000 : f32
        %add3A_332 = vector.broadcast %add3A_331 : f32 to vector<16xf32>
        %add3A_333 = arith.addf %mul3A_330, %add3A_332 : vector<16xf32>
        %sub3A_334 = arith.constant 0x4B400000 : f32
        %sub3A_335 = vector.broadcast %sub3A_334 : f32 to vector<16xf32>
        %sub3A_336 = arith.subf %add3A_333, %sub3A_335 : vector<16xf32>
        %mul3A_337 = arith.mulf %sub3A_336, %mul3A_15 : vector<16xf32>
        %swap3A_338 = arith.index_cast %scan3A_291 : i32 to index
        %swap3A_339 = arith.constant 32 : index
        %swap3A_340 = tpu.vector_load %arg8[%swap3A_338, %swap3A_339] {strides = array<i32>} : memref<128x128xf32, #tpu.memory_space<vmem>>, vector<1x16xf32>,
        %swap3A_341 = vector.shape_cast %swap3A_340 : vector<1x16xf32> to vector<16xf32>
        %swap3A_342 = vector.shape_cast %mul3A_337 : vector<16xf32> to vector<1x16xf32>
        tpu.vector_store %arg8[%swap3A_338, %swap3A_339], %swap3A_342 {strides = array<i32>} : memref<128x128xf32, #tpu.memory_space<vmem>>, vector<1x16xf32>,
        %get3A_343 = arith.index_cast %scan3A_291 : i32 to index
        %get3A_344 = arith.constant 48 : index
        %get3A_345 = tpu.vector_load %arg8[%get3A_343, %get3A_344] {strides = array<i32>} : memref<128x128xf32, #tpu.memory_space<vmem>>, vector<1x16xf32>,
        %get3A_346 = vector.shape_cast %get3A_345 : vector<1x16xf32> to vector<16xf32>
        %mul3A_347 = arith.mulf %get3A_346, %div3A_17 : vector<16xf32>
        %add3A_348 = arith.constant 0x4B400000 : f32
        %add3A_349 = vector.broadcast %add3A_348 : f32 to vector<16xf32>
        %add3A_350 = arith.addf %mul3A_347, %add3A_349 : vector<16xf32>
        %sub3A_351 = arith.constant 0x4B400000 : f32
        %sub3A_352 = vector.broadcast %sub3A_351 : f32 to vector<16xf32>
        %sub3A_353 = arith.subf %add3A_350, %sub3A_352 : vector<16xf32>
        %mul3A_354 = arith.mulf %sub3A_353, %mul3A_15 : vector<16xf32>
        %swap3A_355 = arith.index_cast %scan3A_291 : i32 to index
        %swap3A_356 = arith.constant 48 : index
        %swap3A_357 = tpu.vector_load %arg8[%swap3A_355, %swap3A_356] {strides = array<i32>} : memref<128x128xf32, #tpu.memory_space<vmem>>, vector<1x16xf32>,
        %swap3A_358 = vector.shape_cast %swap3A_357 : vector<1x16xf32> to vector<16xf32>
        %swap3A_359 = vector.shape_cast %mul3A_354 : vector<16xf32> to vector<1x16xf32>
        tpu.vector_store %arg8[%swap3A_355, %swap3A_356], %swap3A_359 {strides = array<i32>} : memref<128x128xf32, #tpu.memory_space<vmem>>, vector<1x16xf32>,
        %get3A_360 = arith.index_cast %scan3A_291 : i32 to index
        %get3A_361 = arith.constant 64 : index
        %get3A_362 = tpu.vector_load %arg8[%get3A_360, %get3A_361] {strides = array<i32>} : memref<128x128xf32, #tpu.memory_space<vmem>>, vector<1x16xf32>,
        %get3A_363 = vector.shape_cast %get3A_362 : vector<1x16xf32> to vector<16xf32>
        %mul3A_364 = arith.mulf %get3A_363, %div3A_17 : vector<16xf32>
        %add3A_365 = arith.constant 0x4B400000 : f32
        %add3A_366 = vector.broadcast %add3A_365 : f32 to vector<16xf32>
        %add3A_367 = arith.addf %mul3A_364, %add3A_366 : vector<16xf32>
        %sub3A_368 = arith.constant 0x4B400000 : f32
        %sub3A_369 = vector.broadcast %sub3A_368 : f32 to vector<16xf32>
        %sub3A_370 = arith.subf %add3A_367, %sub3A_369 : vector<16xf32>
        %mul3A_371 = arith.mulf %sub3A_370, %mul3A_15 : vector<16xf32>
        %swap3A_372 = arith.index_cast %scan3A_291 : i32 to index
        %swap3A_373 = arith.constant 64 : index
        %swap3A_374 = tpu.vector_load %arg8[%swap3A_372, %swap3A_373] {strides = array<i32>} : memref<128x128xf32, #tpu.memory_space<vmem>>, vector<1x16xf32>,
        %swap3A_375 = vector.shape_cast %swap3A_374 : vector<1x16xf32> to vector<16xf32>
        %swap3A_376 = vector.shape_cast %mul3A_371 : vector<16xf32> to vector<1x16xf32>
        tpu.vector_store %arg8[%swap3A_372, %swap3A_373], %swap3A_376 {strides = array<i32>} : memref<128x128xf32, #tpu.memory_space<vmem>>, vector<1x16xf32>,
        %get3A_377 = arith.index_cast %scan3A_291 : i32 to index
        %get3A_378 = arith.constant 80 : index
        %get3A_379 = tpu.vector_load %arg8[%get3A_377, %get3A_378] {strides = array<i32>} : memref<128x128xf32, #tpu.memory_space<vmem>>, vector<1x16xf32>,
        %get3A_380 = vector.shape_cast %get3A_379 : vector<1x16xf32> to vector<16xf32>
        %mul3A_381 = arith.mulf %get3A_380, %div3A_17 : vector<16xf32>
        %add3A_382 = arith.constant 0x4B400000 : f32
        %add3A_383 = vector.broadcast %add3A_382 : f32 to vector<16xf32>
        %add3A_384 = arith.addf %mul3A_381, %add3A_383 : vector<16xf32>
        %sub3A_385 = arith.constant 0x4B400000 : f32
        %sub3A_386 = vector.broadcast %sub3A_385 : f32 to vector<16xf32>
        %sub3A_387 = arith.subf %add3A_384, %sub3A_386 : vector<16xf32>
        %mul3A_388 = arith.mulf %sub3A_387, %mul3A_15 : vector<16xf32>
        %swap3A_389 = arith.index_cast %scan3A_291 : i32 to index
        %swap3A_390 = arith.constant 80 : index
        %swap3A_391 = tpu.vector_load %arg8[%swap3A_389, %swap3A_390] {strides = array<i32>} : memref<128x128xf32, #tpu.memory_space<vmem>>, vector<1x16xf32>,
        %swap3A_392 = vector.shape_cast %swap3A_391 : vector<1x16xf32> to vector<16xf32>
        %swap3A_393 = vector.shape_cast %mul3A_388 : vector<16xf32> to vector<1x16xf32>
        tpu.vector_store %arg8[%swap3A_389, %swap3A_390], %swap3A_393 {strides = array<i32>} : memref<128x128xf32, #tpu.memory_space<vmem>>, vector<1x16xf32>,
        %get3A_394 = arith.index_cast %scan3A_291 : i32 to index
        %get3A_395 = arith.constant 96 : index
        %get3A_396 = tpu.vector_load %arg8[%get3A_394, %get3A_395] {strides = array<i32>} : memref<128x128xf32, #tpu.memory_space<vmem>>, vector<1x16xf32>,
        %get3A_397 = vector.shape_cast %get3A_396 : vector<1x16xf32> to vector<16xf32>
        %mul3A_398 = arith.mulf %get3A_397, %div3A_17 : vector<16xf32>
        %add3A_399 = arith.constant 0x4B400000 : f32
        %add3A_400 = vector.broadcast %add3A_399 : f32 to vector<16xf32>
        %add3A_401 = arith.addf %mul3A_398, %add3A_400 : vector<16xf32>
        %sub3A_402 = arith.constant 0x4B400000 : f32
        %sub3A_403 = vector.broadcast %sub3A_402 : f32 to vector<16xf32>
        %sub3A_404 = arith.subf %add3A_401, %sub3A_403 : vector<16xf32>
        %mul3A_405 = arith.mulf %sub3A_404, %mul3A_15 : vector<16xf32>
        %swap3A_406 = arith.index_cast %scan3A_291 : i32 to index
        %swap3A_407 = arith.constant 96 : index
        %swap3A_408 = tpu.vector_load %arg8[%swap3A_406, %swap3A_407] {strides = array<i32>} : memref<128x128xf32, #tpu.memory_space<vmem>>, vector<1x16xf32>,
        %swap3A_409 = vector.shape_cast %swap3A_408 : vector<1x16xf32> to vector<16xf32>
        %swap3A_410 = vector.shape_cast %mul3A_405 : vector<16xf32> to vector<1x16xf32>
        tpu.vector_store %arg8[%swap3A_406, %swap3A_407], %swap3A_410 {strides = array<i32>} : memref<128x128xf32, #tpu.memory_space<vmem>>, vector<1x16xf32>,
        %get3A_411 = arith.index_cast %scan3A_291 : i32 to index
        %get3A_412 = arith.constant 112 : index
        %get3A_413 = tpu.vector_load %arg8[%get3A_411, %get3A_412] {strides = array<i32>} : memref<128x128xf32, #tpu.memory_space<vmem>>, vector<1x16xf32>,
        %get3A_414 = vector.shape_cast %get3A_413 : vector<1x16xf32> to vector<16xf32>
        %mul3A_415 = arith.mulf %get3A_414, %div3A_17 : vector<16xf32>
        %add3A_416 = arith.constant 0x4B400000 : f32
        %add3A_417 = vector.broadcast %add3A_416 : f32 to vector<16xf32>
        %add3A_418 = arith.addf %mul3A_415, %add3A_417 : vector<16xf32>
        %sub3A_419 = arith.constant 0x4B400000 : f32
        %sub3A_420 = vector.broadcast %sub3A_419 : f32 to vector<16xf32>
        %sub3A_421 = arith.subf %add3A_418, %sub3A_420 : vector<16xf32>
        %mul3A_422 = arith.mulf %sub3A_421, %mul3A_15 : vector<16xf32>
        %swap3A_423 = arith.index_cast %scan3A_291 : i32 to index
        %swap3A_424 = arith.constant 112 : index
        %swap3A_425 = tpu.vector_load %arg8[%swap3A_423, %swap3A_424] {strides = array<i32>} : memref<128x128xf32, #tpu.memory_space<vmem>>, vector<1x16xf32>,
        %swap3A_426 = vector.shape_cast %swap3A_425 : vector<1x16xf32> to vector<16xf32>
        %swap3A_427 = vector.shape_cast %mul3A_422 : vector<16xf32> to vector<1x16xf32>
        tpu.vector_store %arg8[%swap3A_423, %swap3A_424], %swap3A_427 {strides = array<i32>} : memref<128x128xf32, #tpu.memory_space<vmem>>, vector<1x16xf32>,
      }
      %scan3A_108 = arith.constant 128 : i32
      %mul3A_109 = arith.constant 4 : i32
      %mul3A_110 = arith.muli %scan3A_65, %mul3A_109 : i32
      %add3A_111 = arith.constant 2 : i32
      %add3A_112 = arith.addi %mul3A_110, %add3A_111 : i32
      %mul3A_113 = arith.constant 128 : i32
      %mul3A_114 = arith.muli %add3A_112, %mul3A_113 : i32
      %dma_wait3A_115 = tpu.memref_slice %arg6[%mul3A_114] : memref<3328xi32, #tpu.memory_space<vmem>> -> memref<128xi32, #tpu.memory_space<vmem>>
      %dma_wait3A_116 = arith.constant 0 : i32
      %dma_wait3A_117 = arith.constant 0 : i32
      %dma_wait3A_118 = tpu.memref_slice %arg3[%dma_wait3A_116, %dma_wait3A_117] : memref<100000x128xf32, #tpu.memory_space<hbm>> -> memref<100000x128xf32, #tpu.memory_space<hbm>>
      tpu.wait_indirect_dma semaphore(%arg14 : memref<!tpu.dma_semaphore, #tpu.memory_space<semaphore_mem>>) src(%dma_wait3A_118 : memref<100000x128xf32, #tpu.memory_space<hbm>>) dst(%arg9 : memref<128x128xf32, #tpu.memory_space<vmem>>)
      %add3A_119 = arith.constant 2 : i32
      %add3A_120 = arith.addi %add3A_112, %add3A_119 : i32
      %lt3A_121 = arith.constant 26 : i32
      %lt3A_122 = arith.cmpi slt, %add3A_120, %lt3A_121 : i32
      %convert_element_type3A_123 = arith.extui %lt3A_122 : i1 to i32
      %cond3A_124 = arith.constant 0 : i32
      %cond3A_125 = arith.cmpi ne, %convert_element_type3A_123, %cond3A_124 : i32
      scf.if %cond3A_125 {
        %mul3A_155 = arith.constant 128 : i32
        %mul3A_156 = arith.muli %add3A_120, %mul3A_155 : i32
        %dma_start3A_157 = tpu.memref_slice %arg6[%mul3A_156] : memref<3328xi32, #tpu.memory_space<vmem>> -> memref<128xi32, #tpu.memory_space<vmem>>
        %dma_start3A_158 = arith.constant 0 : i32
        %dma_start3A_159 = arith.constant 0 : i32
        %dma_start3A_160 = tpu.memref_slice %arg3[%dma_start3A_158, %dma_start3A_159] : memref<100000x128xf32, #tpu.memory_space<hbm>> -> memref<100000x128xf32, #tpu.memory_space<hbm>>
        tpu.enqueue_indirect_dma source(%dma_start3A_160 : memref<100000x128xf32, #tpu.memory_space<hbm>>) target(%arg7 : memref<128x128xf32, #tpu.memory_space<vmem>>) offsets(%dma_start3A_157 : memref<128xi32, #tpu.memory_space<vmem>>) semaphore(%arg12 : memref<!tpu.dma_semaphore, #tpu.memory_space<semaphore_mem>>)
      } else {
      }
      %scan3A_126 = arith.constant 0 : i32
      %scan3A_127 = arith.constant 0 : i32
      %scan3A_128 = arith.constant 128 : i32
      %scan3A_129 = arith.addi %scan3A_127, %scan3A_128 : i32
      %scan3A_130 = arith.constant 2 : i32
      scf.for %scan3A_155 = %scan3A_127 to %scan3A_129 step %scan3A_130  : i32 {
        %get3A_156 = arith.index_cast %scan3A_155 : i32 to index
        %get3A_157 = arith.constant 0 : index
        %get3A_158 = tpu.vector_load %arg9[%get3A_156, %get3A_157] {strides = array<i32>} : memref<128x128xf32, #tpu.memory_space<vmem>>, vector<1x16xf32>,
        %get3A_159 = vector.shape_cast %get3A_158 : vector<1x16xf32> to vector<16xf32>
        %mul3A_160 = arith.mulf %get3A_159, %div3A_17 : vector<16xf32>
        %add3A_161 = arith.constant 0x4B400000 : f32
        %add3A_162 = vector.broadcast %add3A_161 : f32 to vector<16xf32>
        %add3A_163 = arith.addf %mul3A_160, %add3A_162 : vector<16xf32>
        %sub3A = arith.constant 0x4B400000 : f32
        %sub3A_164 = vector.broadcast %sub3A : f32 to vector<16xf32>
        %sub3A_165 = arith.subf %add3A_163, %sub3A_164 : vector<16xf32>
        %mul3A_166 = arith.mulf %sub3A_165, %mul3A_15 : vector<16xf32>
        %swap3A = arith.index_cast %scan3A_155 : i32 to index
        %swap3A_167 = arith.constant 0 : index
        %swap3A_168 = tpu.vector_load %arg9[%swap3A, %swap3A_167] {strides = array<i32>} : memref<128x128xf32, #tpu.memory_space<vmem>>, vector<1x16xf32>,
        %swap3A_169 = vector.shape_cast %swap3A_168 : vector<1x16xf32> to vector<16xf32>
        %swap3A_170 = vector.shape_cast %mul3A_166 : vector<16xf32> to vector<1x16xf32>
        tpu.vector_store %arg9[%swap3A, %swap3A_167], %swap3A_170 {strides = array<i32>} : memref<128x128xf32, #tpu.memory_space<vmem>>, vector<1x16xf32>,
        %get3A_171 = arith.index_cast %scan3A_155 : i32 to index
        %get3A_172 = arith.constant 16 : index
        %get3A_173 = tpu.vector_load %arg9[%get3A_171, %get3A_172] {strides = array<i32>} : memref<128x128xf32, #tpu.memory_space<vmem>>, vector<1x16xf32>,
        %get3A_174 = vector.shape_cast %get3A_173 : vector<1x16xf32> to vector<16xf32>
        %mul3A_175 = arith.mulf %get3A_174, %div3A_17 : vector<16xf32>
        %add3A_176 = arith.constant 0x4B400000 : f32
        %add3A_177 = vector.broadcast %add3A_176 : f32 to vector<16xf32>
        %add3A_178 = arith.addf %mul3A_175, %add3A_177 : vector<16xf32>
        %sub3A_179 = arith.constant 0x4B400000 : f32
        %sub3A_180 = vector.broadcast %sub3A_179 : f32 to vector<16xf32>
        %sub3A_181 = arith.subf %add3A_178, %sub3A_180 : vector<16xf32>
        %mul3A_182 = arith.mulf %sub3A_181, %mul3A_15 : vector<16xf32>
        %swap3A_183 = arith.index_cast %scan3A_155 : i32 to index
        %swap3A_184 = arith.constant 16 : index
        %swap3A_185 = tpu.vector_load %arg9[%swap3A_183, %swap3A_184] {strides = array<i32>} : memref<128x128xf32, #tpu.memory_space<vmem>>, vector<1x16xf32>,
        %swap3A_186 = vector.shape_cast %swap3A_185 : vector<1x16xf32> to vector<16xf32>
        %swap3A_187 = vector.shape_cast %mul3A_182 : vector<16xf32> to vector<1x16xf32>
        tpu.vector_store %arg9[%swap3A_183, %swap3A_184], %swap3A_187 {strides = array<i32>} : memref<128x128xf32, #tpu.memory_space<vmem>>, vector<1x16xf32>,
        %get3A_188 = arith.index_cast %scan3A_155 : i32 to index
        %get3A_189 = arith.constant 32 : index
        %get3A_190 = tpu.vector_load %arg9[%get3A_188, %get3A_189] {strides = array<i32>} : memref<128x128xf32, #tpu.memory_space<vmem>>, vector<1x16xf32>,
        %get3A_191 = vector.shape_cast %get3A_190 : vector<1x16xf32> to vector<16xf32>
        %mul3A_192 = arith.mulf %get3A_191, %div3A_17 : vector<16xf32>
        %add3A_193 = arith.constant 0x4B400000 : f32
        %add3A_194 = vector.broadcast %add3A_193 : f32 to vector<16xf32>
        %add3A_195 = arith.addf %mul3A_192, %add3A_194 : vector<16xf32>
        %sub3A_196 = arith.constant 0x4B400000 : f32
        %sub3A_197 = vector.broadcast %sub3A_196 : f32 to vector<16xf32>
        %sub3A_198 = arith.subf %add3A_195, %sub3A_197 : vector<16xf32>
        %mul3A_199 = arith.mulf %sub3A_198, %mul3A_15 : vector<16xf32>
        %swap3A_200 = arith.index_cast %scan3A_155 : i32 to index
        %swap3A_201 = arith.constant 32 : index
        %swap3A_202 = tpu.vector_load %arg9[%swap3A_200, %swap3A_201] {strides = array<i32>} : memref<128x128xf32, #tpu.memory_space<vmem>>, vector<1x16xf32>,
        %swap3A_203 = vector.shape_cast %swap3A_202 : vector<1x16xf32> to vector<16xf32>
        %swap3A_204 = vector.shape_cast %mul3A_199 : vector<16xf32> to vector<1x16xf32>
        tpu.vector_store %arg9[%swap3A_200, %swap3A_201], %swap3A_204 {strides = array<i32>} : memref<128x128xf32, #tpu.memory_space<vmem>>, vector<1x16xf32>,
        %get3A_205 = arith.index_cast %scan3A_155 : i32 to index
        %get3A_206 = arith.constant 48 : index
        %get3A_207 = tpu.vector_load %arg9[%get3A_205, %get3A_206] {strides = array<i32>} : memref<128x128xf32, #tpu.memory_space<vmem>>, vector<1x16xf32>,
        %get3A_208 = vector.shape_cast %get3A_207 : vector<1x16xf32> to vector<16xf32>
        %mul3A_209 = arith.mulf %get3A_208, %div3A_17 : vector<16xf32>
        %add3A_210 = arith.constant 0x4B400000 : f32
        %add3A_211 = vector.broadcast %add3A_210 : f32 to vector<16xf32>
        %add3A_212 = arith.addf %mul3A_209, %add3A_211 : vector<16xf32>
        %sub3A_213 = arith.constant 0x4B400000 : f32
        %sub3A_214 = vector.broadcast %sub3A_213 : f32 to vector<16xf32>
        %sub3A_215 = arith.subf %add3A_212, %sub3A_214 : vector<16xf32>
        %mul3A_216 = arith.mulf %sub3A_215, %mul3A_15 : vector<16xf32>
        %swap3A_217 = arith.index_cast %scan3A_155 : i32 to index
        %swap3A_218 = arith.constant 48 : index
        %swap3A_219 = tpu.vector_load %arg9[%swap3A_217, %swap3A_218] {strides = array<i32>} : memref<128x128xf32, #tpu.memory_space<vmem>>, vector<1x16xf32>,
        %swap3A_220 = vector.shape_cast %swap3A_219 : vector<1x16xf32> to vector<16xf32>
        %swap3A_221 = vector.shape_cast %mul3A_216 : vector<16xf32> to vector<1x16xf32>
        tpu.vector_store %arg9[%swap3A_217, %swap3A_218], %swap3A_221 {strides = array<i32>} : memref<128x128xf32, #tpu.memory_space<vmem>>, vector<1x16xf32>,
        %get3A_222 = arith.index_cast %scan3A_155 : i32 to index
        %get3A_223 = arith.constant 64 : index
        %get3A_224 = tpu.vector_load %arg9[%get3A_222, %get3A_223] {strides = array<i32>} : memref<128x128xf32, #tpu.memory_space<vmem>>, vector<1x16xf32>,
        %get3A_225 = vector.shape_cast %get3A_224 : vector<1x16xf32> to vector<16xf32>
        %mul3A_226 = arith.mulf %get3A_225, %div3A_17 : vector<16xf32>
        %add3A_227 = arith.constant 0x4B400000 : f32
        %add3A_228 = vector.broadcast %add3A_227 : f32 to vector<16xf32>
        %add3A_229 = arith.addf %mul3A_226, %add3A_228 : vector<16xf32>
        %sub3A_230 = arith.constant 0x4B400000 : f32
        %sub3A_231 = vector.broadcast %sub3A_230 : f32 to vector<16xf32>
        %sub3A_232 = arith.subf %add3A_229, %sub3A_231 : vector<16xf32>
        %mul3A_233 = arith.mulf %sub3A_232, %mul3A_15 : vector<16xf32>
        %swap3A_234 = arith.index_cast %scan3A_155 : i32 to index
        %swap3A_235 = arith.constant 64 : index
        %swap3A_236 = tpu.vector_load %arg9[%swap3A_234, %swap3A_235] {strides = array<i32>} : memref<128x128xf32, #tpu.memory_space<vmem>>, vector<1x16xf32>,
        %swap3A_237 = vector.shape_cast %swap3A_236 : vector<1x16xf32> to vector<16xf32>
        %swap3A_238 = vector.shape_cast %mul3A_233 : vector<16xf32> to vector<1x16xf32>
        tpu.vector_store %arg9[%swap3A_234, %swap3A_235], %swap3A_238 {strides = array<i32>} : memref<128x128xf32, #tpu.memory_space<vmem>>, vector<1x16xf32>,
        %get3A_239 = arith.index_cast %scan3A_155 : i32 to index
        %get3A_240 = arith.constant 80 : index
        %get3A_241 = tpu.vector_load %arg9[%get3A_239, %get3A_240] {strides = array<i32>} : memref<128x128xf32, #tpu.memory_space<vmem>>, vector<1x16xf32>,
        %get3A_242 = vector.shape_cast %get3A_241 : vector<1x16xf32> to vector<16xf32>
        %mul3A_243 = arith.mulf %get3A_242, %div3A_17 : vector<16xf32>
        %add3A_244 = arith.constant 0x4B400000 : f32
        %add3A_245 = vector.broadcast %add3A_244 : f32 to vector<16xf32>
        %add3A_246 = arith.addf %mul3A_243, %add3A_245 : vector<16xf32>
        %sub3A_247 = arith.constant 0x4B400000 : f32
        %sub3A_248 = vector.broadcast %sub3A_247 : f32 to vector<16xf32>
        %sub3A_249 = arith.subf %add3A_246, %sub3A_248 : vector<16xf32>
        %mul3A_250 = arith.mulf %sub3A_249, %mul3A_15 : vector<16xf32>
        %swap3A_251 = arith.index_cast %scan3A_155 : i32 to index
        %swap3A_252 = arith.constant 80 : index
        %swap3A_253 = tpu.vector_load %arg9[%swap3A_251, %swap3A_252] {strides = array<i32>} : memref<128x128xf32, #tpu.memory_space<vmem>>, vector<1x16xf32>,
        %swap3A_254 = vector.shape_cast %swap3A_253 : vector<1x16xf32> to vector<16xf32>
        %swap3A_255 = vector.shape_cast %mul3A_250 : vector<16xf32> to vector<1x16xf32>
        tpu.vector_store %arg9[%swap3A_251, %swap3A_252], %swap3A_255 {strides = array<i32>} : memref<128x128xf32, #tpu.memory_space<vmem>>, vector<1x16xf32>,
        %get3A_256 = arith.index_cast %scan3A_155 : i32 to index
        %get3A_257 = arith.constant 96 : index
        %get3A_258 = tpu.vector_load %arg9[%get3A_256, %get3A_257] {strides = array<i32>} : memref<128x128xf32, #tpu.memory_space<vmem>>, vector<1x16xf32>,
        %get3A_259 = vector.shape_cast %get3A_258 : vector<1x16xf32> to vector<16xf32>
        %mul3A_260 = arith.mulf %get3A_259, %div3A_17 : vector<16xf32>
        %add3A_261 = arith.constant 0x4B400000 : f32
        %add3A_262 = vector.broadcast %add3A_261 : f32 to vector<16xf32>
        %add3A_263 = arith.addf %mul3A_260, %add3A_262 : vector<16xf32>
        %sub3A_264 = arith.constant 0x4B400000 : f32
        %sub3A_265 = vector.broadcast %sub3A_264 : f32 to vector<16xf32>
        %sub3A_266 = arith.subf %add3A_263, %sub3A_265 : vector<16xf32>
        %mul3A_267 = arith.mulf %sub3A_266, %mul3A_15 : vector<16xf32>
        %swap3A_268 = arith.index_cast %scan3A_155 : i32 to index
        %swap3A_269 = arith.constant 96 : index
        %swap3A_270 = tpu.vector_load %arg9[%swap3A_268, %swap3A_269] {strides = array<i32>} : memref<128x128xf32, #tpu.memory_space<vmem>>, vector<1x16xf32>,
        %swap3A_271 = vector.shape_cast %swap3A_270 : vector<1x16xf32> to vector<16xf32>
        %swap3A_272 = vector.shape_cast %mul3A_267 : vector<16xf32> to vector<1x16xf32>
        tpu.vector_store %arg9[%swap3A_268, %swap3A_269], %swap3A_272 {strides = array<i32>} : memref<128x128xf32, #tpu.memory_space<vmem>>, vector<1x16xf32>,
        %get3A_273 = arith.index_cast %scan3A_155 : i32 to index
        %get3A_274 = arith.constant 112 : index
        %get3A_275 = tpu.vector_load %arg9[%get3A_273, %get3A_274] {strides = array<i32>} : memref<128x128xf32, #tpu.memory_space<vmem>>, vector<1x16xf32>,
        %get3A_276 = vector.shape_cast %get3A_275 : vector<1x16xf32> to vector<16xf32>
        %mul3A_277 = arith.mulf %get3A_276, %div3A_17 : vector<16xf32>
        %add3A_278 = arith.constant 0x4B400000 : f32
        %add3A_279 = vector.broadcast %add3A_278 : f32 to vector<16xf32>
        %add3A_280 = arith.addf %mul3A_277, %add3A_279 : vector<16xf32>
        %sub3A_281 = arith.constant 0x4B400000 : f32
        %sub3A_282 = vector.broadcast %sub3A_281 : f32 to vector<16xf32>
        %sub3A_283 = arith.subf %add3A_280, %sub3A_282 : vector<16xf32>
        %mul3A_284 = arith.mulf %sub3A_283, %mul3A_15 : vector<16xf32>
        %swap3A_285 = arith.index_cast %scan3A_155 : i32 to index
        %swap3A_286 = arith.constant 112 : index
        %swap3A_287 = tpu.vector_load %arg9[%swap3A_285, %swap3A_286] {strides = array<i32>} : memref<128x128xf32, #tpu.memory_space<vmem>>, vector<1x16xf32>,
        %swap3A_288 = vector.shape_cast %swap3A_287 : vector<1x16xf32> to vector<16xf32>
        %swap3A_289 = vector.shape_cast %mul3A_284 : vector<16xf32> to vector<1x16xf32>
        tpu.vector_store %arg9[%swap3A_285, %swap3A_286], %swap3A_289 {strides = array<i32>} : memref<128x128xf32, #tpu.memory_space<vmem>>, vector<1x16xf32>,
        %scan3A_290 = arith.constant 1 : i32
        %scan3A_291 = arith.addi %scan3A_155, %scan3A_290 : i32
        %get3A_292 = arith.index_cast %scan3A_291 : i32 to index
        %get3A_293 = arith.constant 0 : index
        %get3A_294 = tpu.vector_load %arg9[%get3A_292, %get3A_293] {strides = array<i32>} : memref<128x128xf32, #tpu.memory_space<vmem>>, vector<1x16xf32>,
        %get3A_295 = vector.shape_cast %get3A_294 : vector<1x16xf32> to vector<16xf32>
        %mul3A_296 = arith.mulf %get3A_295, %div3A_17 : vector<16xf32>
        %add3A_297 = arith.constant 0x4B400000 : f32
        %add3A_298 = vector.broadcast %add3A_297 : f32 to vector<16xf32>
        %add3A_299 = arith.addf %mul3A_296, %add3A_298 : vector<16xf32>
        %sub3A_300 = arith.constant 0x4B400000 : f32
        %sub3A_301 = vector.broadcast %sub3A_300 : f32 to vector<16xf32>
        %sub3A_302 = arith.subf %add3A_299, %sub3A_301 : vector<16xf32>
        %mul3A_303 = arith.mulf %sub3A_302, %mul3A_15 : vector<16xf32>
        %swap3A_304 = arith.index_cast %scan3A_291 : i32 to index
        %swap3A_305 = arith.constant 0 : index
        %swap3A_306 = tpu.vector_load %arg9[%swap3A_304, %swap3A_305] {strides = array<i32>} : memref<128x128xf32, #tpu.memory_space<vmem>>, vector<1x16xf32>,
        %swap3A_307 = vector.shape_cast %swap3A_306 : vector<1x16xf32> to vector<16xf32>
        %swap3A_308 = vector.shape_cast %mul3A_303 : vector<16xf32> to vector<1x16xf32>
        tpu.vector_store %arg9[%swap3A_304, %swap3A_305], %swap3A_308 {strides = array<i32>} : memref<128x128xf32, #tpu.memory_space<vmem>>, vector<1x16xf32>,
        %get3A_309 = arith.index_cast %scan3A_291 : i32 to index
        %get3A_310 = arith.constant 16 : index
        %get3A_311 = tpu.vector_load %arg9[%get3A_309, %get3A_310] {strides = array<i32>} : memref<128x128xf32, #tpu.memory_space<vmem>>, vector<1x16xf32>,
        %get3A_312 = vector.shape_cast %get3A_311 : vector<1x16xf32> to vector<16xf32>
        %mul3A_313 = arith.mulf %get3A_312, %div3A_17 : vector<16xf32>
        %add3A_314 = arith.constant 0x4B400000 : f32
        %add3A_315 = vector.broadcast %add3A_314 : f32 to vector<16xf32>
        %add3A_316 = arith.addf %mul3A_313, %add3A_315 : vector<16xf32>
        %sub3A_317 = arith.constant 0x4B400000 : f32
        %sub3A_318 = vector.broadcast %sub3A_317 : f32 to vector<16xf32>
        %sub3A_319 = arith.subf %add3A_316, %sub3A_318 : vector<16xf32>
        %mul3A_320 = arith.mulf %sub3A_319, %mul3A_15 : vector<16xf32>
        %swap3A_321 = arith.index_cast %scan3A_291 : i32 to index
        %swap3A_322 = arith.constant 16 : index
        %swap3A_323 = tpu.vector_load %arg9[%swap3A_321, %swap3A_322] {strides = array<i32>} : memref<128x128xf32, #tpu.memory_space<vmem>>, vector<1x16xf32>,
        %swap3A_324 = vector.shape_cast %swap3A_323 : vector<1x16xf32> to vector<16xf32>
        %swap3A_325 = vector.shape_cast %mul3A_320 : vector<16xf32> to vector<1x16xf32>
        tpu.vector_store %arg9[%swap3A_321, %swap3A_322], %swap3A_325 {strides = array<i32>} : memref<128x128xf32, #tpu.memory_space<vmem>>, vector<1x16xf32>,
        %get3A_326 = arith.index_cast %scan3A_291 : i32 to index
        %get3A_327 = arith.constant 32 : index
        %get3A_328 = tpu.vector_load %arg9[%get3A_326, %get3A_327] {strides = array<i32>} : memref<128x128xf32, #tpu.memory_space<vmem>>, vector<1x16xf32>,
        %get3A_329 = vector.shape_cast %get3A_328 : vector<1x16xf32> to vector<16xf32>
        %mul3A_330 = arith.mulf %get3A_329, %div3A_17 : vector<16xf32>
        %add3A_331 = arith.constant 0x4B400000 : f32
        %add3A_332 = vector.broadcast %add3A_331 : f32 to vector<16xf32>
        %add3A_333 = arith.addf %mul3A_330, %add3A_332 : vector<16xf32>
        %sub3A_334 = arith.constant 0x4B400000 : f32
        %sub3A_335 = vector.broadcast %sub3A_334 : f32 to vector<16xf32>
        %sub3A_336 = arith.subf %add3A_333, %sub3A_335 : vector<16xf32>
        %mul3A_337 = arith.mulf %sub3A_336, %mul3A_15 : vector<16xf32>
        %swap3A_338 = arith.index_cast %scan3A_291 : i32 to index
        %swap3A_339 = arith.constant 32 : index
        %swap3A_340 = tpu.vector_load %arg9[%swap3A_338, %swap3A_339] {strides = array<i32>} : memref<128x128xf32, #tpu.memory_space<vmem>>, vector<1x16xf32>,
        %swap3A_341 = vector.shape_cast %swap3A_340 : vector<1x16xf32> to vector<16xf32>
        %swap3A_342 = vector.shape_cast %mul3A_337 : vector<16xf32> to vector<1x16xf32>
        tpu.vector_store %arg9[%swap3A_338, %swap3A_339], %swap3A_342 {strides = array<i32>} : memref<128x128xf32, #tpu.memory_space<vmem>>, vector<1x16xf32>,
        %get3A_343 = arith.index_cast %scan3A_291 : i32 to index
        %get3A_344 = arith.constant 48 : index
        %get3A_345 = tpu.vector_load %arg9[%get3A_343, %get3A_344] {strides = array<i32>} : memref<128x128xf32, #tpu.memory_space<vmem>>, vector<1x16xf32>,
        %get3A_346 = vector.shape_cast %get3A_345 : vector<1x16xf32> to vector<16xf32>
        %mul3A_347 = arith.mulf %get3A_346, %div3A_17 : vector<16xf32>
        %add3A_348 = arith.constant 0x4B400000 : f32
        %add3A_349 = vector.broadcast %add3A_348 : f32 to vector<16xf32>
        %add3A_350 = arith.addf %mul3A_347, %add3A_349 : vector<16xf32>
        %sub3A_351 = arith.constant 0x4B400000 : f32
        %sub3A_352 = vector.broadcast %sub3A_351 : f32 to vector<16xf32>
        %sub3A_353 = arith.subf %add3A_350, %sub3A_352 : vector<16xf32>
        %mul3A_354 = arith.mulf %sub3A_353, %mul3A_15 : vector<16xf32>
        %swap3A_355 = arith.index_cast %scan3A_291 : i32 to index
        %swap3A_356 = arith.constant 48 : index
        %swap3A_357 = tpu.vector_load %arg9[%swap3A_355, %swap3A_356] {strides = array<i32>} : memref<128x128xf32, #tpu.memory_space<vmem>>, vector<1x16xf32>,
        %swap3A_358 = vector.shape_cast %swap3A_357 : vector<1x16xf32> to vector<16xf32>
        %swap3A_359 = vector.shape_cast %mul3A_354 : vector<16xf32> to vector<1x16xf32>
        tpu.vector_store %arg9[%swap3A_355, %swap3A_356], %swap3A_359 {strides = array<i32>} : memref<128x128xf32, #tpu.memory_space<vmem>>, vector<1x16xf32>,
        %get3A_360 = arith.index_cast %scan3A_291 : i32 to index
        %get3A_361 = arith.constant 64 : index
        %get3A_362 = tpu.vector_load %arg9[%get3A_360, %get3A_361] {strides = array<i32>} : memref<128x128xf32, #tpu.memory_space<vmem>>, vector<1x16xf32>,
        %get3A_363 = vector.shape_cast %get3A_362 : vector<1x16xf32> to vector<16xf32>
        %mul3A_364 = arith.mulf %get3A_363, %div3A_17 : vector<16xf32>
        %add3A_365 = arith.constant 0x4B400000 : f32
        %add3A_366 = vector.broadcast %add3A_365 : f32 to vector<16xf32>
        %add3A_367 = arith.addf %mul3A_364, %add3A_366 : vector<16xf32>
        %sub3A_368 = arith.constant 0x4B400000 : f32
        %sub3A_369 = vector.broadcast %sub3A_368 : f32 to vector<16xf32>
        %sub3A_370 = arith.subf %add3A_367, %sub3A_369 : vector<16xf32>
        %mul3A_371 = arith.mulf %sub3A_370, %mul3A_15 : vector<16xf32>
        %swap3A_372 = arith.index_cast %scan3A_291 : i32 to index
        %swap3A_373 = arith.constant 64 : index
        %swap3A_374 = tpu.vector_load %arg9[%swap3A_372, %swap3A_373] {strides = array<i32>} : memref<128x128xf32, #tpu.memory_space<vmem>>, vector<1x16xf32>,
        %swap3A_375 = vector.shape_cast %swap3A_374 : vector<1x16xf32> to vector<16xf32>
        %swap3A_376 = vector.shape_cast %mul3A_371 : vector<16xf32> to vector<1x16xf32>
        tpu.vector_store %arg9[%swap3A_372, %swap3A_373], %swap3A_376 {strides = array<i32>} : memref<128x128xf32, #tpu.memory_space<vmem>>, vector<1x16xf32>,
        %get3A_377 = arith.index_cast %scan3A_291 : i32 to index
        %get3A_378 = arith.constant 80 : index
        %get3A_379 = tpu.vector_load %arg9[%get3A_377, %get3A_378] {strides = array<i32>} : memref<128x128xf32, #tpu.memory_space<vmem>>, vector<1x16xf32>,
        %get3A_380 = vector.shape_cast %get3A_379 : vector<1x16xf32> to vector<16xf32>
        %mul3A_381 = arith.mulf %get3A_380, %div3A_17 : vector<16xf32>
        %add3A_382 = arith.constant 0x4B400000 : f32
        %add3A_383 = vector.broadcast %add3A_382 : f32 to vector<16xf32>
        %add3A_384 = arith.addf %mul3A_381, %add3A_383 : vector<16xf32>
        %sub3A_385 = arith.constant 0x4B400000 : f32
        %sub3A_386 = vector.broadcast %sub3A_385 : f32 to vector<16xf32>
        %sub3A_387 = arith.subf %add3A_384, %sub3A_386 : vector<16xf32>
        %mul3A_388 = arith.mulf %sub3A_387, %mul3A_15 : vector<16xf32>
        %swap3A_389 = arith.index_cast %scan3A_291 : i32 to index
        %swap3A_390 = arith.constant 80 : index
        %swap3A_391 = tpu.vector_load %arg9[%swap3A_389, %swap3A_390] {strides = array<i32>} : memref<128x128xf32, #tpu.memory_space<vmem>>, vector<1x16xf32>,
        %swap3A_392 = vector.shape_cast %swap3A_391 : vector<1x16xf32> to vector<16xf32>
        %swap3A_393 = vector.shape_cast %mul3A_388 : vector<16xf32> to vector<1x16xf32>
        tpu.vector_store %arg9[%swap3A_389, %swap3A_390], %swap3A_393 {strides = array<i32>} : memref<128x128xf32, #tpu.memory_space<vmem>>, vector<1x16xf32>,
        %get3A_394 = arith.index_cast %scan3A_291 : i32 to index
        %get3A_395 = arith.constant 96 : index
        %get3A_396 = tpu.vector_load %arg9[%get3A_394, %get3A_395] {strides = array<i32>} : memref<128x128xf32, #tpu.memory_space<vmem>>, vector<1x16xf32>,
        %get3A_397 = vector.shape_cast %get3A_396 : vector<1x16xf32> to vector<16xf32>
        %mul3A_398 = arith.mulf %get3A_397, %div3A_17 : vector<16xf32>
        %add3A_399 = arith.constant 0x4B400000 : f32
        %add3A_400 = vector.broadcast %add3A_399 : f32 to vector<16xf32>
        %add3A_401 = arith.addf %mul3A_398, %add3A_400 : vector<16xf32>
        %sub3A_402 = arith.constant 0x4B400000 : f32
        %sub3A_403 = vector.broadcast %sub3A_402 : f32 to vector<16xf32>
        %sub3A_404 = arith.subf %add3A_401, %sub3A_403 : vector<16xf32>
        %mul3A_405 = arith.mulf %sub3A_404, %mul3A_15 : vector<16xf32>
        %swap3A_406 = arith.index_cast %scan3A_291 : i32 to index
        %swap3A_407 = arith.constant 96 : index
        %swap3A_408 = tpu.vector_load %arg9[%swap3A_406, %swap3A_407] {strides = array<i32>} : memref<128x128xf32, #tpu.memory_space<vmem>>, vector<1x16xf32>,
        %swap3A_409 = vector.shape_cast %swap3A_408 : vector<1x16xf32> to vector<16xf32>
        %swap3A_410 = vector.shape_cast %mul3A_405 : vector<16xf32> to vector<1x16xf32>
        tpu.vector_store %arg9[%swap3A_406, %swap3A_407], %swap3A_410 {strides = array<i32>} : memref<128x128xf32, #tpu.memory_space<vmem>>, vector<1x16xf32>,
        %get3A_411 = arith.index_cast %scan3A_291 : i32 to index
        %get3A_412 = arith.constant 112 : index
        %get3A_413 = tpu.vector_load %arg9[%get3A_411, %get3A_412] {strides = array<i32>} : memref<128x128xf32, #tpu.memory_space<vmem>>, vector<1x16xf32>,
        %get3A_414 = vector.shape_cast %get3A_413 : vector<1x16xf32> to vector<16xf32>
        %mul3A_415 = arith.mulf %get3A_414, %div3A_17 : vector<16xf32>
        %add3A_416 = arith.constant 0x4B400000 : f32
        %add3A_417 = vector.broadcast %add3A_416 : f32 to vector<16xf32>
        %add3A_418 = arith.addf %mul3A_415, %add3A_417 : vector<16xf32>
        %sub3A_419 = arith.constant 0x4B400000 : f32
        %sub3A_420 = vector.broadcast %sub3A_419 : f32 to vector<16xf32>
        %sub3A_421 = arith.subf %add3A_418, %sub3A_420 : vector<16xf32>
        %mul3A_422 = arith.mulf %sub3A_421, %mul3A_15 : vector<16xf32>
        %swap3A_423 = arith.index_cast %scan3A_291 : i32 to index
        %swap3A_424 = arith.constant 112 : index
        %swap3A_425 = tpu.vector_load %arg9[%swap3A_423, %swap3A_424] {strides = array<i32>} : memref<128x128xf32, #tpu.memory_space<vmem>>, vector<1x16xf32>,
        %swap3A_426 = vector.shape_cast %swap3A_425 : vector<1x16xf32> to vector<16xf32>
        %swap3A_427 = vector.shape_cast %mul3A_422 : vector<16xf32> to vector<1x16xf32>
        tpu.vector_store %arg9[%swap3A_423, %swap3A_424], %swap3A_427 {strides = array<i32>} : memref<128x128xf32, #tpu.memory_space<vmem>>, vector<1x16xf32>,
      }
      %scan3A_131 = arith.constant 128 : i32
      %mul3A_132 = arith.constant 4 : i32
      %mul3A_133 = arith.muli %scan3A_65, %mul3A_132 : i32
      %add3A_134 = arith.constant 3 : i32
      %add3A_135 = arith.addi %mul3A_133, %add3A_134 : i32
      %mul3A_136 = arith.constant 128 : i32
      %mul3A_137 = arith.muli %add3A_135, %mul3A_136 : i32
      %dma_wait3A_138 = tpu.memref_slice %arg6[%mul3A_137] : memref<3328xi32, #tpu.memory_space<vmem>> -> memref<128xi32, #tpu.memory_space<vmem>>
      %dma_wait3A_139 = arith.constant 0 : i32
      %dma_wait3A_140 = arith.constant 0 : i32
      %dma_wait3A_141 = tpu.memref_slice %arg3[%dma_wait3A_139, %dma_wait3A_140] : memref<100000x128xf32, #tpu.memory_space<hbm>> -> memref<100000x128xf32, #tpu.memory_space<hbm>>
      tpu.wait_indirect_dma semaphore(%arg15 : memref<!tpu.dma_semaphore, #tpu.memory_space<semaphore_mem>>) src(%dma_wait3A_141 : memref<100000x128xf32, #tpu.memory_space<hbm>>) dst(%arg10 : memref<128x128xf32, #tpu.memory_space<vmem>>)
      %add3A_142 = arith.constant 2 : i32
      %add3A_143 = arith.addi %add3A_135, %add3A_142 : i32
      %lt3A_144 = arith.constant 26 : i32
      %lt3A_145 = arith.cmpi slt, %add3A_143, %lt3A_144 : i32
      %convert_element_type3A_146 = arith.extui %lt3A_145 : i1 to i32
      %cond3A_147 = arith.constant 0 : i32
      %cond3A_148 = arith.cmpi ne, %convert_element_type3A_146, %cond3A_147 : i32
      scf.if %cond3A_148 {
        %mul3A_155 = arith.constant 128 : i32
        %mul3A_156 = arith.muli %add3A_143, %mul3A_155 : i32
        %dma_start3A_157 = tpu.memref_slice %arg6[%mul3A_156] : memref<3328xi32, #tpu.memory_space<vmem>> -> memref<128xi32, #tpu.memory_space<vmem>>
        %dma_start3A_158 = arith.constant 0 : i32
        %dma_start3A_159 = arith.constant 0 : i32
        %dma_start3A_160 = tpu.memref_slice %arg3[%dma_start3A_158, %dma_start3A_159] : memref<100000x128xf32, #tpu.memory_space<hbm>> -> memref<100000x128xf32, #tpu.memory_space<hbm>>
        tpu.enqueue_indirect_dma source(%dma_start3A_160 : memref<100000x128xf32, #tpu.memory_space<hbm>>) target(%arg8 : memref<128x128xf32, #tpu.memory_space<vmem>>) offsets(%dma_start3A_157 : memref<128xi32, #tpu.memory_space<vmem>>) semaphore(%arg13 : memref<!tpu.dma_semaphore, #tpu.memory_space<semaphore_mem>>)
      } else {
      }
      %scan3A_149 = arith.constant 0 : i32
      %scan3A_150 = arith.constant 0 : i32
      %scan3A_151 = arith.constant 128 : i32
      %scan3A_152 = arith.addi %scan3A_150, %scan3A_151 : i32
      %scan3A_153 = arith.constant 2 : i32
      scf.for %scan3A_155 = %scan3A_150 to %scan3A_152 step %scan3A_153  : i32 {
        %get3A_156 = arith.index_cast %scan3A_155 : i32 to index
        %get3A_157 = arith.constant 0 : index
        %get3A_158 = tpu.vector_load %arg10[%get3A_156, %get3A_157] {strides = array<i32>} : memref<128x128xf32, #tpu.memory_space<vmem>>, vector<1x16xf32>,
        %get3A_159 = vector.shape_cast %get3A_158 : vector<1x16xf32> to vector<16xf32>
        %mul3A_160 = arith.mulf %get3A_159, %div3A_17 : vector<16xf32>
        %add3A_161 = arith.constant 0x4B400000 : f32
        %add3A_162 = vector.broadcast %add3A_161 : f32 to vector<16xf32>
        %add3A_163 = arith.addf %mul3A_160, %add3A_162 : vector<16xf32>
        %sub3A = arith.constant 0x4B400000 : f32
        %sub3A_164 = vector.broadcast %sub3A : f32 to vector<16xf32>
        %sub3A_165 = arith.subf %add3A_163, %sub3A_164 : vector<16xf32>
        %mul3A_166 = arith.mulf %sub3A_165, %mul3A_15 : vector<16xf32>
        %swap3A = arith.index_cast %scan3A_155 : i32 to index
        %swap3A_167 = arith.constant 0 : index
        %swap3A_168 = tpu.vector_load %arg10[%swap3A, %swap3A_167] {strides = array<i32>} : memref<128x128xf32, #tpu.memory_space<vmem>>, vector<1x16xf32>,
        %swap3A_169 = vector.shape_cast %swap3A_168 : vector<1x16xf32> to vector<16xf32>
        %swap3A_170 = vector.shape_cast %mul3A_166 : vector<16xf32> to vector<1x16xf32>
        tpu.vector_store %arg10[%swap3A, %swap3A_167], %swap3A_170 {strides = array<i32>} : memref<128x128xf32, #tpu.memory_space<vmem>>, vector<1x16xf32>,
        %get3A_171 = arith.index_cast %scan3A_155 : i32 to index
        %get3A_172 = arith.constant 16 : index
        %get3A_173 = tpu.vector_load %arg10[%get3A_171, %get3A_172] {strides = array<i32>} : memref<128x128xf32, #tpu.memory_space<vmem>>, vector<1x16xf32>,
        %get3A_174 = vector.shape_cast %get3A_173 : vector<1x16xf32> to vector<16xf32>
        %mul3A_175 = arith.mulf %get3A_174, %div3A_17 : vector<16xf32>
        %add3A_176 = arith.constant 0x4B400000 : f32
        %add3A_177 = vector.broadcast %add3A_176 : f32 to vector<16xf32>
        %add3A_178 = arith.addf %mul3A_175, %add3A_177 : vector<16xf32>
        %sub3A_179 = arith.constant 0x4B400000 : f32
        %sub3A_180 = vector.broadcast %sub3A_179 : f32 to vector<16xf32>
        %sub3A_181 = arith.subf %add3A_178, %sub3A_180 : vector<16xf32>
        %mul3A_182 = arith.mulf %sub3A_181, %mul3A_15 : vector<16xf32>
        %swap3A_183 = arith.index_cast %scan3A_155 : i32 to index
        %swap3A_184 = arith.constant 16 : index
        %swap3A_185 = tpu.vector_load %arg10[%swap3A_183, %swap3A_184] {strides = array<i32>} : memref<128x128xf32, #tpu.memory_space<vmem>>, vector<1x16xf32>,
        %swap3A_186 = vector.shape_cast %swap3A_185 : vector<1x16xf32> to vector<16xf32>
        %swap3A_187 = vector.shape_cast %mul3A_182 : vector<16xf32> to vector<1x16xf32>
        tpu.vector_store %arg10[%swap3A_183, %swap3A_184], %swap3A_187 {strides = array<i32>} : memref<128x128xf32, #tpu.memory_space<vmem>>, vector<1x16xf32>,
        %get3A_188 = arith.index_cast %scan3A_155 : i32 to index
        %get3A_189 = arith.constant 32 : index
        %get3A_190 = tpu.vector_load %arg10[%get3A_188, %get3A_189] {strides = array<i32>} : memref<128x128xf32, #tpu.memory_space<vmem>>, vector<1x16xf32>,
        %get3A_191 = vector.shape_cast %get3A_190 : vector<1x16xf32> to vector<16xf32>
        %mul3A_192 = arith.mulf %get3A_191, %div3A_17 : vector<16xf32>
        %add3A_193 = arith.constant 0x4B400000 : f32
        %add3A_194 = vector.broadcast %add3A_193 : f32 to vector<16xf32>
        %add3A_195 = arith.addf %mul3A_192, %add3A_194 : vector<16xf32>
        %sub3A_196 = arith.constant 0x4B400000 : f32
        %sub3A_197 = vector.broadcast %sub3A_196 : f32 to vector<16xf32>
        %sub3A_198 = arith.subf %add3A_195, %sub3A_197 : vector<16xf32>
        %mul3A_199 = arith.mulf %sub3A_198, %mul3A_15 : vector<16xf32>
        %swap3A_200 = arith.index_cast %scan3A_155 : i32 to index
        %swap3A_201 = arith.constant 32 : index
        %swap3A_202 = tpu.vector_load %arg10[%swap3A_200, %swap3A_201] {strides = array<i32>} : memref<128x128xf32, #tpu.memory_space<vmem>>, vector<1x16xf32>,
        %swap3A_203 = vector.shape_cast %swap3A_202 : vector<1x16xf32> to vector<16xf32>
        %swap3A_204 = vector.shape_cast %mul3A_199 : vector<16xf32> to vector<1x16xf32>
        tpu.vector_store %arg10[%swap3A_200, %swap3A_201], %swap3A_204 {strides = array<i32>} : memref<128x128xf32, #tpu.memory_space<vmem>>, vector<1x16xf32>,
        %get3A_205 = arith.index_cast %scan3A_155 : i32 to index
        %get3A_206 = arith.constant 48 : index
        %get3A_207 = tpu.vector_load %arg10[%get3A_205, %get3A_206] {strides = array<i32>} : memref<128x128xf32, #tpu.memory_space<vmem>>, vector<1x16xf32>,
        %get3A_208 = vector.shape_cast %get3A_207 : vector<1x16xf32> to vector<16xf32>
        %mul3A_209 = arith.mulf %get3A_208, %div3A_17 : vector<16xf32>
        %add3A_210 = arith.constant 0x4B400000 : f32
        %add3A_211 = vector.broadcast %add3A_210 : f32 to vector<16xf32>
        %add3A_212 = arith.addf %mul3A_209, %add3A_211 : vector<16xf32>
        %sub3A_213 = arith.constant 0x4B400000 : f32
        %sub3A_214 = vector.broadcast %sub3A_213 : f32 to vector<16xf32>
        %sub3A_215 = arith.subf %add3A_212, %sub3A_214 : vector<16xf32>
        %mul3A_216 = arith.mulf %sub3A_215, %mul3A_15 : vector<16xf32>
        %swap3A_217 = arith.index_cast %scan3A_155 : i32 to index
        %swap3A_218 = arith.constant 48 : index
        %swap3A_219 = tpu.vector_load %arg10[%swap3A_217, %swap3A_218] {strides = array<i32>} : memref<128x128xf32, #tpu.memory_space<vmem>>, vector<1x16xf32>,
        %swap3A_220 = vector.shape_cast %swap3A_219 : vector<1x16xf32> to vector<16xf32>
        %swap3A_221 = vector.shape_cast %mul3A_216 : vector<16xf32> to vector<1x16xf32>
        tpu.vector_store %arg10[%swap3A_217, %swap3A_218], %swap3A_221 {strides = array<i32>} : memref<128x128xf32, #tpu.memory_space<vmem>>, vector<1x16xf32>,
        %get3A_222 = arith.index_cast %scan3A_155 : i32 to index
        %get3A_223 = arith.constant 64 : index
        %get3A_224 = tpu.vector_load %arg10[%get3A_222, %get3A_223] {strides = array<i32>} : memref<128x128xf32, #tpu.memory_space<vmem>>, vector<1x16xf32>,
        %get3A_225 = vector.shape_cast %get3A_224 : vector<1x16xf32> to vector<16xf32>
        %mul3A_226 = arith.mulf %get3A_225, %div3A_17 : vector<16xf32>
        %add3A_227 = arith.constant 0x4B400000 : f32
        %add3A_228 = vector.broadcast %add3A_227 : f32 to vector<16xf32>
        %add3A_229 = arith.addf %mul3A_226, %add3A_228 : vector<16xf32>
        %sub3A_230 = arith.constant 0x4B400000 : f32
        %sub3A_231 = vector.broadcast %sub3A_230 : f32 to vector<16xf32>
        %sub3A_232 = arith.subf %add3A_229, %sub3A_231 : vector<16xf32>
        %mul3A_233 = arith.mulf %sub3A_232, %mul3A_15 : vector<16xf32>
        %swap3A_234 = arith.index_cast %scan3A_155 : i32 to index
        %swap3A_235 = arith.constant 64 : index
        %swap3A_236 = tpu.vector_load %arg10[%swap3A_234, %swap3A_235] {strides = array<i32>} : memref<128x128xf32, #tpu.memory_space<vmem>>, vector<1x16xf32>,
        %swap3A_237 = vector.shape_cast %swap3A_236 : vector<1x16xf32> to vector<16xf32>
        %swap3A_238 = vector.shape_cast %mul3A_233 : vector<16xf32> to vector<1x16xf32>
        tpu.vector_store %arg10[%swap3A_234, %swap3A_235], %swap3A_238 {strides = array<i32>} : memref<128x128xf32, #tpu.memory_space<vmem>>, vector<1x16xf32>,
        %get3A_239 = arith.index_cast %scan3A_155 : i32 to index
        %get3A_240 = arith.constant 80 : index
        %get3A_241 = tpu.vector_load %arg10[%get3A_239, %get3A_240] {strides = array<i32>} : memref<128x128xf32, #tpu.memory_space<vmem>>, vector<1x16xf32>,
        %get3A_242 = vector.shape_cast %get3A_241 : vector<1x16xf32> to vector<16xf32>
        %mul3A_243 = arith.mulf %get3A_242, %div3A_17 : vector<16xf32>
        %add3A_244 = arith.constant 0x4B400000 : f32
        %add3A_245 = vector.broadcast %add3A_244 : f32 to vector<16xf32>
        %add3A_246 = arith.addf %mul3A_243, %add3A_245 : vector<16xf32>
        %sub3A_247 = arith.constant 0x4B400000 : f32
        %sub3A_248 = vector.broadcast %sub3A_247 : f32 to vector<16xf32>
        %sub3A_249 = arith.subf %add3A_246, %sub3A_248 : vector<16xf32>
        %mul3A_250 = arith.mulf %sub3A_249, %mul3A_15 : vector<16xf32>
        %swap3A_251 = arith.index_cast %scan3A_155 : i32 to index
        %swap3A_252 = arith.constant 80 : index
        %swap3A_253 = tpu.vector_load %arg10[%swap3A_251, %swap3A_252] {strides = array<i32>} : memref<128x128xf32, #tpu.memory_space<vmem>>, vector<1x16xf32>,
        %swap3A_254 = vector.shape_cast %swap3A_253 : vector<1x16xf32> to vector<16xf32>
        %swap3A_255 = vector.shape_cast %mul3A_250 : vector<16xf32> to vector<1x16xf32>
        tpu.vector_store %arg10[%swap3A_251, %swap3A_252], %swap3A_255 {strides = array<i32>} : memref<128x128xf32, #tpu.memory_space<vmem>>, vector<1x16xf32>,
        %get3A_256 = arith.index_cast %scan3A_155 : i32 to index
        %get3A_257 = arith.constant 96 : index
        %get3A_258 = tpu.vector_load %arg10[%get3A_256, %get3A_257] {strides = array<i32>} : memref<128x128xf32, #tpu.memory_space<vmem>>, vector<1x16xf32>,
        %get3A_259 = vector.shape_cast %get3A_258 : vector<1x16xf32> to vector<16xf32>
        %mul3A_260 = arith.mulf %get3A_259, %div3A_17 : vector<16xf32>
        %add3A_261 = arith.constant 0x4B400000 : f32
        %add3A_262 = vector.broadcast %add3A_261 : f32 to vector<16xf32>
        %add3A_263 = arith.addf %mul3A_260, %add3A_262 : vector<16xf32>
        %sub3A_264 = arith.constant 0x4B400000 : f32
        %sub3A_265 = vector.broadcast %sub3A_264 : f32 to vector<16xf32>
        %sub3A_266 = arith.subf %add3A_263, %sub3A_265 : vector<16xf32>
        %mul3A_267 = arith.mulf %sub3A_266, %mul3A_15 : vector<16xf32>
        %swap3A_268 = arith.index_cast %scan3A_155 : i32 to index
        %swap3A_269 = arith.constant 96 : index
        %swap3A_270 = tpu.vector_load %arg10[%swap3A_268, %swap3A_269] {strides = array<i32>} : memref<128x128xf32, #tpu.memory_space<vmem>>, vector<1x16xf32>,
        %swap3A_271 = vector.shape_cast %swap3A_270 : vector<1x16xf32> to vector<16xf32>
        %swap3A_272 = vector.shape_cast %mul3A_267 : vector<16xf32> to vector<1x16xf32>
        tpu.vector_store %arg10[%swap3A_268, %swap3A_269], %swap3A_272 {strides = array<i32>} : memref<128x128xf32, #tpu.memory_space<vmem>>, vector<1x16xf32>,
        %get3A_273 = arith.index_cast %scan3A_155 : i32 to index
        %get3A_274 = arith.constant 112 : index
        %get3A_275 = tpu.vector_load %arg10[%get3A_273, %get3A_274] {strides = array<i32>} : memref<128x128xf32, #tpu.memory_space<vmem>>, vector<1x16xf32>,
        %get3A_276 = vector.shape_cast %get3A_275 : vector<1x16xf32> to vector<16xf32>
        %mul3A_277 = arith.mulf %get3A_276, %div3A_17 : vector<16xf32>
        %add3A_278 = arith.constant 0x4B400000 : f32
        %add3A_279 = vector.broadcast %add3A_278 : f32 to vector<16xf32>
        %add3A_280 = arith.addf %mul3A_277, %add3A_279 : vector<16xf32>
        %sub3A_281 = arith.constant 0x4B400000 : f32
        %sub3A_282 = vector.broadcast %sub3A_281 : f32 to vector<16xf32>
        %sub3A_283 = arith.subf %add3A_280, %sub3A_282 : vector<16xf32>
        %mul3A_284 = arith.mulf %sub3A_283, %mul3A_15 : vector<16xf32>
        %swap3A_285 = arith.index_cast %scan3A_155 : i32 to index
        %swap3A_286 = arith.constant 112 : index
        %swap3A_287 = tpu.vector_load %arg10[%swap3A_285, %swap3A_286] {strides = array<i32>} : memref<128x128xf32, #tpu.memory_space<vmem>>, vector<1x16xf32>,
        %swap3A_288 = vector.shape_cast %swap3A_287 : vector<1x16xf32> to vector<16xf32>
        %swap3A_289 = vector.shape_cast %mul3A_284 : vector<16xf32> to vector<1x16xf32>
        tpu.vector_store %arg10[%swap3A_285, %swap3A_286], %swap3A_289 {strides = array<i32>} : memref<128x128xf32, #tpu.memory_space<vmem>>, vector<1x16xf32>,
        %scan3A_290 = arith.constant 1 : i32
        %scan3A_291 = arith.addi %scan3A_155, %scan3A_290 : i32
        %get3A_292 = arith.index_cast %scan3A_291 : i32 to index
        %get3A_293 = arith.constant 0 : index
        %get3A_294 = tpu.vector_load %arg10[%get3A_292, %get3A_293] {strides = array<i32>} : memref<128x128xf32, #tpu.memory_space<vmem>>, vector<1x16xf32>,
        %get3A_295 = vector.shape_cast %get3A_294 : vector<1x16xf32> to vector<16xf32>
        %mul3A_296 = arith.mulf %get3A_295, %div3A_17 : vector<16xf32>
        %add3A_297 = arith.constant 0x4B400000 : f32
        %add3A_298 = vector.broadcast %add3A_297 : f32 to vector<16xf32>
        %add3A_299 = arith.addf %mul3A_296, %add3A_298 : vector<16xf32>
        %sub3A_300 = arith.constant 0x4B400000 : f32
        %sub3A_301 = vector.broadcast %sub3A_300 : f32 to vector<16xf32>
        %sub3A_302 = arith.subf %add3A_299, %sub3A_301 : vector<16xf32>
        %mul3A_303 = arith.mulf %sub3A_302, %mul3A_15 : vector<16xf32>
        %swap3A_304 = arith.index_cast %scan3A_291 : i32 to index
        %swap3A_305 = arith.constant 0 : index
        %swap3A_306 = tpu.vector_load %arg10[%swap3A_304, %swap3A_305] {strides = array<i32>} : memref<128x128xf32, #tpu.memory_space<vmem>>, vector<1x16xf32>,
        %swap3A_307 = vector.shape_cast %swap3A_306 : vector<1x16xf32> to vector<16xf32>
        %swap3A_308 = vector.shape_cast %mul3A_303 : vector<16xf32> to vector<1x16xf32>
        tpu.vector_store %arg10[%swap3A_304, %swap3A_305], %swap3A_308 {strides = array<i32>} : memref<128x128xf32, #tpu.memory_space<vmem>>, vector<1x16xf32>,
        %get3A_309 = arith.index_cast %scan3A_291 : i32 to index
        %get3A_310 = arith.constant 16 : index
        %get3A_311 = tpu.vector_load %arg10[%get3A_309, %get3A_310] {strides = array<i32>} : memref<128x128xf32, #tpu.memory_space<vmem>>, vector<1x16xf32>,
        %get3A_312 = vector.shape_cast %get3A_311 : vector<1x16xf32> to vector<16xf32>
        %mul3A_313 = arith.mulf %get3A_312, %div3A_17 : vector<16xf32>
        %add3A_314 = arith.constant 0x4B400000 : f32
        %add3A_315 = vector.broadcast %add3A_314 : f32 to vector<16xf32>
        %add3A_316 = arith.addf %mul3A_313, %add3A_315 : vector<16xf32>
        %sub3A_317 = arith.constant 0x4B400000 : f32
        %sub3A_318 = vector.broadcast %sub3A_317 : f32 to vector<16xf32>
        %sub3A_319 = arith.subf %add3A_316, %sub3A_318 : vector<16xf32>
        %mul3A_320 = arith.mulf %sub3A_319, %mul3A_15 : vector<16xf32>
        %swap3A_321 = arith.index_cast %scan3A_291 : i32 to index
        %swap3A_322 = arith.constant 16 : index
        %swap3A_323 = tpu.vector_load %arg10[%swap3A_321, %swap3A_322] {strides = array<i32>} : memref<128x128xf32, #tpu.memory_space<vmem>>, vector<1x16xf32>,
        %swap3A_324 = vector.shape_cast %swap3A_323 : vector<1x16xf32> to vector<16xf32>
        %swap3A_325 = vector.shape_cast %mul3A_320 : vector<16xf32> to vector<1x16xf32>
        tpu.vector_store %arg10[%swap3A_321, %swap3A_322], %swap3A_325 {strides = array<i32>} : memref<128x128xf32, #tpu.memory_space<vmem>>, vector<1x16xf32>,
        %get3A_326 = arith.index_cast %scan3A_291 : i32 to index
        %get3A_327 = arith.constant 32 : index
        %get3A_328 = tpu.vector_load %arg10[%get3A_326, %get3A_327] {strides = array<i32>} : memref<128x128xf32, #tpu.memory_space<vmem>>, vector<1x16xf32>,
        %get3A_329 = vector.shape_cast %get3A_328 : vector<1x16xf32> to vector<16xf32>
        %mul3A_330 = arith.mulf %get3A_329, %div3A_17 : vector<16xf32>
        %add3A_331 = arith.constant 0x4B400000 : f32
        %add3A_332 = vector.broadcast %add3A_331 : f32 to vector<16xf32>
        %add3A_333 = arith.addf %mul3A_330, %add3A_332 : vector<16xf32>
        %sub3A_334 = arith.constant 0x4B400000 : f32
        %sub3A_335 = vector.broadcast %sub3A_334 : f32 to vector<16xf32>
        %sub3A_336 = arith.subf %add3A_333, %sub3A_335 : vector<16xf32>
        %mul3A_337 = arith.mulf %sub3A_336, %mul3A_15 : vector<16xf32>
        %swap3A_338 = arith.index_cast %scan3A_291 : i32 to index
        %swap3A_339 = arith.constant 32 : index
        %swap3A_340 = tpu.vector_load %arg10[%swap3A_338, %swap3A_339] {strides = array<i32>} : memref<128x128xf32, #tpu.memory_space<vmem>>, vector<1x16xf32>,
        %swap3A_341 = vector.shape_cast %swap3A_340 : vector<1x16xf32> to vector<16xf32>
        %swap3A_342 = vector.shape_cast %mul3A_337 : vector<16xf32> to vector<1x16xf32>
        tpu.vector_store %arg10[%swap3A_338, %swap3A_339], %swap3A_342 {strides = array<i32>} : memref<128x128xf32, #tpu.memory_space<vmem>>, vector<1x16xf32>,
        %get3A_343 = arith.index_cast %scan3A_291 : i32 to index
        %get3A_344 = arith.constant 48 : index
        %get3A_345 = tpu.vector_load %arg10[%get3A_343, %get3A_344] {strides = array<i32>} : memref<128x128xf32, #tpu.memory_space<vmem>>, vector<1x16xf32>,
        %get3A_346 = vector.shape_cast %get3A_345 : vector<1x16xf32> to vector<16xf32>
        %mul3A_347 = arith.mulf %get3A_346, %div3A_17 : vector<16xf32>
        %add3A_348 = arith.constant 0x4B400000 : f32
        %add3A_349 = vector.broadcast %add3A_348 : f32 to vector<16xf32>
        %add3A_350 = arith.addf %mul3A_347, %add3A_349 : vector<16xf32>
        %sub3A_351 = arith.constant 0x4B400000 : f32
        %sub3A_352 = vector.broadcast %sub3A_351 : f32 to vector<16xf32>
        %sub3A_353 = arith.subf %add3A_350, %sub3A_352 : vector<16xf32>
        %mul3A_354 = arith.mulf %sub3A_353, %mul3A_15 : vector<16xf32>
        %swap3A_355 = arith.index_cast %scan3A_291 : i32 to index
        %swap3A_356 = arith.constant 48 : index
        %swap3A_357 = tpu.vector_load %arg10[%swap3A_355, %swap3A_356] {strides = array<i32>} : memref<128x128xf32, #tpu.memory_space<vmem>>, vector<1x16xf32>,
        %swap3A_358 = vector.shape_cast %swap3A_357 : vector<1x16xf32> to vector<16xf32>
        %swap3A_359 = vector.shape_cast %mul3A_354 : vector<16xf32> to vector<1x16xf32>
        tpu.vector_store %arg10[%swap3A_355, %swap3A_356], %swap3A_359 {strides = array<i32>} : memref<128x128xf32, #tpu.memory_space<vmem>>, vector<1x16xf32>,
        %get3A_360 = arith.index_cast %scan3A_291 : i32 to index
        %get3A_361 = arith.constant 64 : index
        %get3A_362 = tpu.vector_load %arg10[%get3A_360, %get3A_361] {strides = array<i32>} : memref<128x128xf32, #tpu.memory_space<vmem>>, vector<1x16xf32>,
        %get3A_363 = vector.shape_cast %get3A_362 : vector<1x16xf32> to vector<16xf32>
        %mul3A_364 = arith.mulf %get3A_363, %div3A_17 : vector<16xf32>
        %add3A_365 = arith.constant 0x4B400000 : f32
        %add3A_366 = vector.broadcast %add3A_365 : f32 to vector<16xf32>
        %add3A_367 = arith.addf %mul3A_364, %add3A_366 : vector<16xf32>
        %sub3A_368 = arith.constant 0x4B400000 : f32
        %sub3A_369 = vector.broadcast %sub3A_368 : f32 to vector<16xf32>
        %sub3A_370 = arith.subf %add3A_367, %sub3A_369 : vector<16xf32>
        %mul3A_371 = arith.mulf %sub3A_370, %mul3A_15 : vector<16xf32>
        %swap3A_372 = arith.index_cast %scan3A_291 : i32 to index
        %swap3A_373 = arith.constant 64 : index
        %swap3A_374 = tpu.vector_load %arg10[%swap3A_372, %swap3A_373] {strides = array<i32>} : memref<128x128xf32, #tpu.memory_space<vmem>>, vector<1x16xf32>,
        %swap3A_375 = vector.shape_cast %swap3A_374 : vector<1x16xf32> to vector<16xf32>
        %swap3A_376 = vector.shape_cast %mul3A_371 : vector<16xf32> to vector<1x16xf32>
        tpu.vector_store %arg10[%swap3A_372, %swap3A_373], %swap3A_376 {strides = array<i32>} : memref<128x128xf32, #tpu.memory_space<vmem>>, vector<1x16xf32>,
        %get3A_377 = arith.index_cast %scan3A_291 : i32 to index
        %get3A_378 = arith.constant 80 : index
        %get3A_379 = tpu.vector_load %arg10[%get3A_377, %get3A_378] {strides = array<i32>} : memref<128x128xf32, #tpu.memory_space<vmem>>, vector<1x16xf32>,
        %get3A_380 = vector.shape_cast %get3A_379 : vector<1x16xf32> to vector<16xf32>
        %mul3A_381 = arith.mulf %get3A_380, %div3A_17 : vector<16xf32>
        %add3A_382 = arith.constant 0x4B400000 : f32
        %add3A_383 = vector.broadcast %add3A_382 : f32 to vector<16xf32>
        %add3A_384 = arith.addf %mul3A_381, %add3A_383 : vector<16xf32>
        %sub3A_385 = arith.constant 0x4B400000 : f32
        %sub3A_386 = vector.broadcast %sub3A_385 : f32 to vector<16xf32>
        %sub3A_387 = arith.subf %add3A_384, %sub3A_386 : vector<16xf32>
        %mul3A_388 = arith.mulf %sub3A_387, %mul3A_15 : vector<16xf32>
        %swap3A_389 = arith.index_cast %scan3A_291 : i32 to index
        %swap3A_390 = arith.constant 80 : index
        %swap3A_391 = tpu.vector_load %arg10[%swap3A_389, %swap3A_390] {strides = array<i32>} : memref<128x128xf32, #tpu.memory_space<vmem>>, vector<1x16xf32>,
        %swap3A_392 = vector.shape_cast %swap3A_391 : vector<1x16xf32> to vector<16xf32>
        %swap3A_393 = vector.shape_cast %mul3A_388 : vector<16xf32> to vector<1x16xf32>
        tpu.vector_store %arg10[%swap3A_389, %swap3A_390], %swap3A_393 {strides = array<i32>} : memref<128x128xf32, #tpu.memory_space<vmem>>, vector<1x16xf32>,
        %get3A_394 = arith.index_cast %scan3A_291 : i32 to index
        %get3A_395 = arith.constant 96 : index
        %get3A_396 = tpu.vector_load %arg10[%get3A_394, %get3A_395] {strides = array<i32>} : memref<128x128xf32, #tpu.memory_space<vmem>>, vector<1x16xf32>,
        %get3A_397 = vector.shape_cast %get3A_396 : vector<1x16xf32> to vector<16xf32>
        %mul3A_398 = arith.mulf %get3A_397, %div3A_17 : vector<16xf32>
        %add3A_399 = arith.constant 0x4B400000 : f32
        %add3A_400 = vector.broadcast %add3A_399 : f32 to vector<16xf32>
        %add3A_401 = arith.addf %mul3A_398, %add3A_400 : vector<16xf32>
        %sub3A_402 = arith.constant 0x4B400000 : f32
        %sub3A_403 = vector.broadcast %sub3A_402 : f32 to vector<16xf32>
        %sub3A_404 = arith.subf %add3A_401, %sub3A_403 : vector<16xf32>
        %mul3A_405 = arith.mulf %sub3A_404, %mul3A_15 : vector<16xf32>
        %swap3A_406 = arith.index_cast %scan3A_291 : i32 to index
        %swap3A_407 = arith.constant 96 : index
        %swap3A_408 = tpu.vector_load %arg10[%swap3A_406, %swap3A_407] {strides = array<i32>} : memref<128x128xf32, #tpu.memory_space<vmem>>, vector<1x16xf32>,
        %swap3A_409 = vector.shape_cast %swap3A_408 : vector<1x16xf32> to vector<16xf32>
        %swap3A_410 = vector.shape_cast %mul3A_405 : vector<16xf32> to vector<1x16xf32>
        tpu.vector_store %arg10[%swap3A_406, %swap3A_407], %swap3A_410 {strides = array<i32>} : memref<128x128xf32, #tpu.memory_space<vmem>>, vector<1x16xf32>,
        %get3A_411 = arith.index_cast %scan3A_291 : i32 to index
        %get3A_412 = arith.constant 112 : index
        %get3A_413 = tpu.vector_load %arg10[%get3A_411, %get3A_412] {strides = array<i32>} : memref<128x128xf32, #tpu.memory_space<vmem>>, vector<1x16xf32>,
        %get3A_414 = vector.shape_cast %get3A_413 : vector<1x16xf32> to vector<16xf32>
        %mul3A_415 = arith.mulf %get3A_414, %div3A_17 : vector<16xf32>
        %add3A_416 = arith.constant 0x4B400000 : f32
        %add3A_417 = vector.broadcast %add3A_416 : f32 to vector<16xf32>
        %add3A_418 = arith.addf %mul3A_415, %add3A_417 : vector<16xf32>
        %sub3A_419 = arith.constant 0x4B400000 : f32
        %sub3A_420 = vector.broadcast %sub3A_419 : f32 to vector<16xf32>
        %sub3A_421 = arith.subf %add3A_418, %sub3A_420 : vector<16xf32>
        %mul3A_422 = arith.mulf %sub3A_421, %mul3A_15 : vector<16xf32>
        %swap3A_423 = arith.index_cast %scan3A_291 : i32 to index
        %swap3A_424 = arith.constant 112 : index
        %swap3A_425 = tpu.vector_load %arg10[%swap3A_423, %swap3A_424] {strides = array<i32>} : memref<128x128xf32, #tpu.memory_space<vmem>>, vector<1x16xf32>,
        %swap3A_426 = vector.shape_cast %swap3A_425 : vector<1x16xf32> to vector<16xf32>
        %swap3A_427 = vector.shape_cast %mul3A_422 : vector<16xf32> to vector<1x16xf32>
        tpu.vector_store %arg10[%swap3A_423, %swap3A_424], %swap3A_427 {strides = array<i32>} : memref<128x128xf32, #tpu.memory_space<vmem>>, vector<1x16xf32>,
      }
      %scan3A_154 = arith.constant 128 : i32
    }
    %scan3A_31 = arith.constant 6 : i32
    %dma_wait3A = arith.constant 3072 : i32
    %dma_wait3A_32 = tpu.memref_slice %arg6[%dma_wait3A] : memref<3328xi32, #tpu.memory_space<vmem>> -> memref<128xi32, #tpu.memory_space<vmem>>
    %dma_wait3A_33 = arith.constant 0 : i32
    %dma_wait3A_34 = arith.constant 0 : i32
    %dma_wait3A_35 = tpu.memref_slice %arg3[%dma_wait3A_33, %dma_wait3A_34] : memref<100000x128xf32, #tpu.memory_space<hbm>> -> memref<100000x128xf32, #tpu.memory_space<hbm>>
    tpu.wait_indirect_dma semaphore(%arg12 : memref<!tpu.dma_semaphore, #tpu.memory_space<semaphore_mem>>) src(%dma_wait3A_35 : memref<100000x128xf32, #tpu.memory_space<hbm>>) dst(%arg7 : memref<128x128xf32, #tpu.memory_space<vmem>>)
    %scan3A_36 = arith.constant 0 : i32
    %scan3A_37 = arith.constant 0 : i32
    %scan3A_38 = arith.constant 128 : i32
    %scan3A_39 = arith.addi %scan3A_37, %scan3A_38 : i32
    %scan3A_40 = arith.constant 2 : i32
    scf.for %scan3A_65 = %scan3A_37 to %scan3A_39 step %scan3A_40  : i32 {
      %get3A_66 = arith.index_cast %scan3A_65 : i32 to index
      %get3A_67 = arith.constant 0 : index
      %get3A_68 = tpu.vector_load %arg7[%get3A_66, %get3A_67] {strides = array<i32>} : memref<128x128xf32, #tpu.memory_space<vmem>>, vector<1x16xf32>,
      %get3A_69 = vector.shape_cast %get3A_68 : vector<1x16xf32> to vector<16xf32>
      %mul3A_70 = arith.mulf %get3A_69, %div3A_17 : vector<16xf32>
      %add3A_71 = arith.constant 0x4B400000 : f32
      %add3A_72 = vector.broadcast %add3A_71 : f32 to vector<16xf32>
      %add3A_73 = arith.addf %mul3A_70, %add3A_72 : vector<16xf32>
      %sub3A = arith.constant 0x4B400000 : f32
      %sub3A_74 = vector.broadcast %sub3A : f32 to vector<16xf32>
      %sub3A_75 = arith.subf %add3A_73, %sub3A_74 : vector<16xf32>
      %mul3A_76 = arith.mulf %sub3A_75, %mul3A_15 : vector<16xf32>
      %swap3A = arith.index_cast %scan3A_65 : i32 to index
      %swap3A_77 = arith.constant 0 : index
      %swap3A_78 = tpu.vector_load %arg7[%swap3A, %swap3A_77] {strides = array<i32>} : memref<128x128xf32, #tpu.memory_space<vmem>>, vector<1x16xf32>,
      %swap3A_79 = vector.shape_cast %swap3A_78 : vector<1x16xf32> to vector<16xf32>
      %swap3A_80 = vector.shape_cast %mul3A_76 : vector<16xf32> to vector<1x16xf32>
      tpu.vector_store %arg7[%swap3A, %swap3A_77], %swap3A_80 {strides = array<i32>} : memref<128x128xf32, #tpu.memory_space<vmem>>, vector<1x16xf32>,
      %get3A_81 = arith.index_cast %scan3A_65 : i32 to index
      %get3A_82 = arith.constant 16 : index
      %get3A_83 = tpu.vector_load %arg7[%get3A_81, %get3A_82] {strides = array<i32>} : memref<128x128xf32, #tpu.memory_space<vmem>>, vector<1x16xf32>,
      %get3A_84 = vector.shape_cast %get3A_83 : vector<1x16xf32> to vector<16xf32>
      %mul3A_85 = arith.mulf %get3A_84, %div3A_17 : vector<16xf32>
      %add3A_86 = arith.constant 0x4B400000 : f32
      %add3A_87 = vector.broadcast %add3A_86 : f32 to vector<16xf32>
      %add3A_88 = arith.addf %mul3A_85, %add3A_87 : vector<16xf32>
      %sub3A_89 = arith.constant 0x4B400000 : f32
      %sub3A_90 = vector.broadcast %sub3A_89 : f32 to vector<16xf32>
      %sub3A_91 = arith.subf %add3A_88, %sub3A_90 : vector<16xf32>
      %mul3A_92 = arith.mulf %sub3A_91, %mul3A_15 : vector<16xf32>
      %swap3A_93 = arith.index_cast %scan3A_65 : i32 to index
      %swap3A_94 = arith.constant 16 : index
      %swap3A_95 = tpu.vector_load %arg7[%swap3A_93, %swap3A_94] {strides = array<i32>} : memref<128x128xf32, #tpu.memory_space<vmem>>, vector<1x16xf32>,
      %swap3A_96 = vector.shape_cast %swap3A_95 : vector<1x16xf32> to vector<16xf32>
      %swap3A_97 = vector.shape_cast %mul3A_92 : vector<16xf32> to vector<1x16xf32>
      tpu.vector_store %arg7[%swap3A_93, %swap3A_94], %swap3A_97 {strides = array<i32>} : memref<128x128xf32, #tpu.memory_space<vmem>>, vector<1x16xf32>,
      %get3A_98 = arith.index_cast %scan3A_65 : i32 to index
      %get3A_99 = arith.constant 32 : index
      %get3A_100 = tpu.vector_load %arg7[%get3A_98, %get3A_99] {strides = array<i32>} : memref<128x128xf32, #tpu.memory_space<vmem>>, vector<1x16xf32>,
      %get3A_101 = vector.shape_cast %get3A_100 : vector<1x16xf32> to vector<16xf32>
      %mul3A_102 = arith.mulf %get3A_101, %div3A_17 : vector<16xf32>
      %add3A_103 = arith.constant 0x4B400000 : f32
      %add3A_104 = vector.broadcast %add3A_103 : f32 to vector<16xf32>
      %add3A_105 = arith.addf %mul3A_102, %add3A_104 : vector<16xf32>
      %sub3A_106 = arith.constant 0x4B400000 : f32
      %sub3A_107 = vector.broadcast %sub3A_106 : f32 to vector<16xf32>
      %sub3A_108 = arith.subf %add3A_105, %sub3A_107 : vector<16xf32>
      %mul3A_109 = arith.mulf %sub3A_108, %mul3A_15 : vector<16xf32>
      %swap3A_110 = arith.index_cast %scan3A_65 : i32 to index
      %swap3A_111 = arith.constant 32 : index
      %swap3A_112 = tpu.vector_load %arg7[%swap3A_110, %swap3A_111] {strides = array<i32>} : memref<128x128xf32, #tpu.memory_space<vmem>>, vector<1x16xf32>,
      %swap3A_113 = vector.shape_cast %swap3A_112 : vector<1x16xf32> to vector<16xf32>
      %swap3A_114 = vector.shape_cast %mul3A_109 : vector<16xf32> to vector<1x16xf32>
      tpu.vector_store %arg7[%swap3A_110, %swap3A_111], %swap3A_114 {strides = array<i32>} : memref<128x128xf32, #tpu.memory_space<vmem>>, vector<1x16xf32>,
      %get3A_115 = arith.index_cast %scan3A_65 : i32 to index
      %get3A_116 = arith.constant 48 : index
      %get3A_117 = tpu.vector_load %arg7[%get3A_115, %get3A_116] {strides = array<i32>} : memref<128x128xf32, #tpu.memory_space<vmem>>, vector<1x16xf32>,
      %get3A_118 = vector.shape_cast %get3A_117 : vector<1x16xf32> to vector<16xf32>
      %mul3A_119 = arith.mulf %get3A_118, %div3A_17 : vector<16xf32>
      %add3A_120 = arith.constant 0x4B400000 : f32
      %add3A_121 = vector.broadcast %add3A_120 : f32 to vector<16xf32>
      %add3A_122 = arith.addf %mul3A_119, %add3A_121 : vector<16xf32>
      %sub3A_123 = arith.constant 0x4B400000 : f32
      %sub3A_124 = vector.broadcast %sub3A_123 : f32 to vector<16xf32>
      %sub3A_125 = arith.subf %add3A_122, %sub3A_124 : vector<16xf32>
      %mul3A_126 = arith.mulf %sub3A_125, %mul3A_15 : vector<16xf32>
      %swap3A_127 = arith.index_cast %scan3A_65 : i32 to index
      %swap3A_128 = arith.constant 48 : index
      %swap3A_129 = tpu.vector_load %arg7[%swap3A_127, %swap3A_128] {strides = array<i32>} : memref<128x128xf32, #tpu.memory_space<vmem>>, vector<1x16xf32>,
      %swap3A_130 = vector.shape_cast %swap3A_129 : vector<1x16xf32> to vector<16xf32>
      %swap3A_131 = vector.shape_cast %mul3A_126 : vector<16xf32> to vector<1x16xf32>
      tpu.vector_store %arg7[%swap3A_127, %swap3A_128], %swap3A_131 {strides = array<i32>} : memref<128x128xf32, #tpu.memory_space<vmem>>, vector<1x16xf32>,
      %get3A_132 = arith.index_cast %scan3A_65 : i32 to index
      %get3A_133 = arith.constant 64 : index
      %get3A_134 = tpu.vector_load %arg7[%get3A_132, %get3A_133] {strides = array<i32>} : memref<128x128xf32, #tpu.memory_space<vmem>>, vector<1x16xf32>,
      %get3A_135 = vector.shape_cast %get3A_134 : vector<1x16xf32> to vector<16xf32>
      %mul3A_136 = arith.mulf %get3A_135, %div3A_17 : vector<16xf32>
      %add3A_137 = arith.constant 0x4B400000 : f32
      %add3A_138 = vector.broadcast %add3A_137 : f32 to vector<16xf32>
      %add3A_139 = arith.addf %mul3A_136, %add3A_138 : vector<16xf32>
      %sub3A_140 = arith.constant 0x4B400000 : f32
      %sub3A_141 = vector.broadcast %sub3A_140 : f32 to vector<16xf32>
      %sub3A_142 = arith.subf %add3A_139, %sub3A_141 : vector<16xf32>
      %mul3A_143 = arith.mulf %sub3A_142, %mul3A_15 : vector<16xf32>
      %swap3A_144 = arith.index_cast %scan3A_65 : i32 to index
      %swap3A_145 = arith.constant 64 : index
      %swap3A_146 = tpu.vector_load %arg7[%swap3A_144, %swap3A_145] {strides = array<i32>} : memref<128x128xf32, #tpu.memory_space<vmem>>, vector<1x16xf32>,
      %swap3A_147 = vector.shape_cast %swap3A_146 : vector<1x16xf32> to vector<16xf32>
      %swap3A_148 = vector.shape_cast %mul3A_143 : vector<16xf32> to vector<1x16xf32>
      tpu.vector_store %arg7[%swap3A_144, %swap3A_145], %swap3A_148 {strides = array<i32>} : memref<128x128xf32, #tpu.memory_space<vmem>>, vector<1x16xf32>,
      %get3A_149 = arith.index_cast %scan3A_65 : i32 to index
      %get3A_150 = arith.constant 80 : index
      %get3A_151 = tpu.vector_load %arg7[%get3A_149, %get3A_150] {strides = array<i32>} : memref<128x128xf32, #tpu.memory_space<vmem>>, vector<1x16xf32>,
      %get3A_152 = vector.shape_cast %get3A_151 : vector<1x16xf32> to vector<16xf32>
      %mul3A_153 = arith.mulf %get3A_152, %div3A_17 : vector<16xf32>
      %add3A_154 = arith.constant 0x4B400000 : f32
      %add3A_155 = vector.broadcast %add3A_154 : f32 to vector<16xf32>
      %add3A_156 = arith.addf %mul3A_153, %add3A_155 : vector<16xf32>
      %sub3A_157 = arith.constant 0x4B400000 : f32
      %sub3A_158 = vector.broadcast %sub3A_157 : f32 to vector<16xf32>
      %sub3A_159 = arith.subf %add3A_156, %sub3A_158 : vector<16xf32>
      %mul3A_160 = arith.mulf %sub3A_159, %mul3A_15 : vector<16xf32>
      %swap3A_161 = arith.index_cast %scan3A_65 : i32 to index
      %swap3A_162 = arith.constant 80 : index
      %swap3A_163 = tpu.vector_load %arg7[%swap3A_161, %swap3A_162] {strides = array<i32>} : memref<128x128xf32, #tpu.memory_space<vmem>>, vector<1x16xf32>,
      %swap3A_164 = vector.shape_cast %swap3A_163 : vector<1x16xf32> to vector<16xf32>
      %swap3A_165 = vector.shape_cast %mul3A_160 : vector<16xf32> to vector<1x16xf32>
      tpu.vector_store %arg7[%swap3A_161, %swap3A_162], %swap3A_165 {strides = array<i32>} : memref<128x128xf32, #tpu.memory_space<vmem>>, vector<1x16xf32>,
      %get3A_166 = arith.index_cast %scan3A_65 : i32 to index
      %get3A_167 = arith.constant 96 : index
      %get3A_168 = tpu.vector_load %arg7[%get3A_166, %get3A_167] {strides = array<i32>} : memref<128x128xf32, #tpu.memory_space<vmem>>, vector<1x16xf32>,
      %get3A_169 = vector.shape_cast %get3A_168 : vector<1x16xf32> to vector<16xf32>
      %mul3A_170 = arith.mulf %get3A_169, %div3A_17 : vector<16xf32>
      %add3A_171 = arith.constant 0x4B400000 : f32
      %add3A_172 = vector.broadcast %add3A_171 : f32 to vector<16xf32>
      %add3A_173 = arith.addf %mul3A_170, %add3A_172 : vector<16xf32>
      %sub3A_174 = arith.constant 0x4B400000 : f32
      %sub3A_175 = vector.broadcast %sub3A_174 : f32 to vector<16xf32>
      %sub3A_176 = arith.subf %add3A_173, %sub3A_175 : vector<16xf32>
      %mul3A_177 = arith.mulf %sub3A_176, %mul3A_15 : vector<16xf32>
      %swap3A_178 = arith.index_cast %scan3A_65 : i32 to index
      %swap3A_179 = arith.constant 96 : index
      %swap3A_180 = tpu.vector_load %arg7[%swap3A_178, %swap3A_179] {strides = array<i32>} : memref<128x128xf32, #tpu.memory_space<vmem>>, vector<1x16xf32>,
      %swap3A_181 = vector.shape_cast %swap3A_180 : vector<1x16xf32> to vector<16xf32>
      %swap3A_182 = vector.shape_cast %mul3A_177 : vector<16xf32> to vector<1x16xf32>
      tpu.vector_store %arg7[%swap3A_178, %swap3A_179], %swap3A_182 {strides = array<i32>} : memref<128x128xf32, #tpu.memory_space<vmem>>, vector<1x16xf32>,
      %get3A_183 = arith.index_cast %scan3A_65 : i32 to index
      %get3A_184 = arith.constant 112 : index
      %get3A_185 = tpu.vector_load %arg7[%get3A_183, %get3A_184] {strides = array<i32>} : memref<128x128xf32, #tpu.memory_space<vmem>>, vector<1x16xf32>,
      %get3A_186 = vector.shape_cast %get3A_185 : vector<1x16xf32> to vector<16xf32>
      %mul3A_187 = arith.mulf %get3A_186, %div3A_17 : vector<16xf32>
      %add3A_188 = arith.constant 0x4B400000 : f32
      %add3A_189 = vector.broadcast %add3A_188 : f32 to vector<16xf32>
      %add3A_190 = arith.addf %mul3A_187, %add3A_189 : vector<16xf32>
      %sub3A_191 = arith.constant 0x4B400000 : f32
      %sub3A_192 = vector.broadcast %sub3A_191 : f32 to vector<16xf32>
      %sub3A_193 = arith.subf %add3A_190, %sub3A_192 : vector<16xf32>
      %mul3A_194 = arith.mulf %sub3A_193, %mul3A_15 : vector<16xf32>
      %swap3A_195 = arith.index_cast %scan3A_65 : i32 to index
      %swap3A_196 = arith.constant 112 : index
      %swap3A_197 = tpu.vector_load %arg7[%swap3A_195, %swap3A_196] {strides = array<i32>} : memref<128x128xf32, #tpu.memory_space<vmem>>, vector<1x16xf32>,
      %swap3A_198 = vector.shape_cast %swap3A_197 : vector<1x16xf32> to vector<16xf32>
      %swap3A_199 = vector.shape_cast %mul3A_194 : vector<16xf32> to vector<1x16xf32>
      tpu.vector_store %arg7[%swap3A_195, %swap3A_196], %swap3A_199 {strides = array<i32>} : memref<128x128xf32, #tpu.memory_space<vmem>>, vector<1x16xf32>,
      %scan3A_200 = arith.constant 1 : i32
      %scan3A_201 = arith.addi %scan3A_65, %scan3A_200 : i32
      %get3A_202 = arith.index_cast %scan3A_201 : i32 to index
      %get3A_203 = arith.constant 0 : index
      %get3A_204 = tpu.vector_load %arg7[%get3A_202, %get3A_203] {strides = array<i32>} : memref<128x128xf32, #tpu.memory_space<vmem>>, vector<1x16xf32>,
      %get3A_205 = vector.shape_cast %get3A_204 : vector<1x16xf32> to vector<16xf32>
      %mul3A_206 = arith.mulf %get3A_205, %div3A_17 : vector<16xf32>
      %add3A_207 = arith.constant 0x4B400000 : f32
      %add3A_208 = vector.broadcast %add3A_207 : f32 to vector<16xf32>
      %add3A_209 = arith.addf %mul3A_206, %add3A_208 : vector<16xf32>
      %sub3A_210 = arith.constant 0x4B400000 : f32
      %sub3A_211 = vector.broadcast %sub3A_210 : f32 to vector<16xf32>
      %sub3A_212 = arith.subf %add3A_209, %sub3A_211 : vector<16xf32>
      %mul3A_213 = arith.mulf %sub3A_212, %mul3A_15 : vector<16xf32>
      %swap3A_214 = arith.index_cast %scan3A_201 : i32 to index
      %swap3A_215 = arith.constant 0 : index
      %swap3A_216 = tpu.vector_load %arg7[%swap3A_214, %swap3A_215] {strides = array<i32>} : memref<128x128xf32, #tpu.memory_space<vmem>>, vector<1x16xf32>,
      %swap3A_217 = vector.shape_cast %swap3A_216 : vector<1x16xf32> to vector<16xf32>
      %swap3A_218 = vector.shape_cast %mul3A_213 : vector<16xf32> to vector<1x16xf32>
      tpu.vector_store %arg7[%swap3A_214, %swap3A_215], %swap3A_218 {strides = array<i32>} : memref<128x128xf32, #tpu.memory_space<vmem>>, vector<1x16xf32>,
      %get3A_219 = arith.index_cast %scan3A_201 : i32 to index
      %get3A_220 = arith.constant 16 : index
      %get3A_221 = tpu.vector_load %arg7[%get3A_219, %get3A_220] {strides = array<i32>} : memref<128x128xf32, #tpu.memory_space<vmem>>, vector<1x16xf32>,
      %get3A_222 = vector.shape_cast %get3A_221 : vector<1x16xf32> to vector<16xf32>
      %mul3A_223 = arith.mulf %get3A_222, %div3A_17 : vector<16xf32>
      %add3A_224 = arith.constant 0x4B400000 : f32
      %add3A_225 = vector.broadcast %add3A_224 : f32 to vector<16xf32>
      %add3A_226 = arith.addf %mul3A_223, %add3A_225 : vector<16xf32>
      %sub3A_227 = arith.constant 0x4B400000 : f32
      %sub3A_228 = vector.broadcast %sub3A_227 : f32 to vector<16xf32>
      %sub3A_229 = arith.subf %add3A_226, %sub3A_228 : vector<16xf32>
      %mul3A_230 = arith.mulf %sub3A_229, %mul3A_15 : vector<16xf32>
      %swap3A_231 = arith.index_cast %scan3A_201 : i32 to index
      %swap3A_232 = arith.constant 16 : index
      %swap3A_233 = tpu.vector_load %arg7[%swap3A_231, %swap3A_232] {strides = array<i32>} : memref<128x128xf32, #tpu.memory_space<vmem>>, vector<1x16xf32>,
      %swap3A_234 = vector.shape_cast %swap3A_233 : vector<1x16xf32> to vector<16xf32>
      %swap3A_235 = vector.shape_cast %mul3A_230 : vector<16xf32> to vector<1x16xf32>
      tpu.vector_store %arg7[%swap3A_231, %swap3A_232], %swap3A_235 {strides = array<i32>} : memref<128x128xf32, #tpu.memory_space<vmem>>, vector<1x16xf32>,
      %get3A_236 = arith.index_cast %scan3A_201 : i32 to index
      %get3A_237 = arith.constant 32 : index
      %get3A_238 = tpu.vector_load %arg7[%get3A_236, %get3A_237] {strides = array<i32>} : memref<128x128xf32, #tpu.memory_space<vmem>>, vector<1x16xf32>,
      %get3A_239 = vector.shape_cast %get3A_238 : vector<1x16xf32> to vector<16xf32>
      %mul3A_240 = arith.mulf %get3A_239, %div3A_17 : vector<16xf32>
      %add3A_241 = arith.constant 0x4B400000 : f32
      %add3A_242 = vector.broadcast %add3A_241 : f32 to vector<16xf32>
      %add3A_243 = arith.addf %mul3A_240, %add3A_242 : vector<16xf32>
      %sub3A_244 = arith.constant 0x4B400000 : f32
      %sub3A_245 = vector.broadcast %sub3A_244 : f32 to vector<16xf32>
      %sub3A_246 = arith.subf %add3A_243, %sub3A_245 : vector<16xf32>
      %mul3A_247 = arith.mulf %sub3A_246, %mul3A_15 : vector<16xf32>
      %swap3A_248 = arith.index_cast %scan3A_201 : i32 to index
      %swap3A_249 = arith.constant 32 : index
      %swap3A_250 = tpu.vector_load %arg7[%swap3A_248, %swap3A_249] {strides = array<i32>} : memref<128x128xf32, #tpu.memory_space<vmem>>, vector<1x16xf32>,
      %swap3A_251 = vector.shape_cast %swap3A_250 : vector<1x16xf32> to vector<16xf32>
      %swap3A_252 = vector.shape_cast %mul3A_247 : vector<16xf32> to vector<1x16xf32>
      tpu.vector_store %arg7[%swap3A_248, %swap3A_249], %swap3A_252 {strides = array<i32>} : memref<128x128xf32, #tpu.memory_space<vmem>>, vector<1x16xf32>,
      %get3A_253 = arith.index_cast %scan3A_201 : i32 to index
      %get3A_254 = arith.constant 48 : index
      %get3A_255 = tpu.vector_load %arg7[%get3A_253, %get3A_254] {strides = array<i32>} : memref<128x128xf32, #tpu.memory_space<vmem>>, vector<1x16xf32>,
      %get3A_256 = vector.shape_cast %get3A_255 : vector<1x16xf32> to vector<16xf32>
      %mul3A_257 = arith.mulf %get3A_256, %div3A_17 : vector<16xf32>
      %add3A_258 = arith.constant 0x4B400000 : f32
      %add3A_259 = vector.broadcast %add3A_258 : f32 to vector<16xf32>
      %add3A_260 = arith.addf %mul3A_257, %add3A_259 : vector<16xf32>
      %sub3A_261 = arith.constant 0x4B400000 : f32
      %sub3A_262 = vector.broadcast %sub3A_261 : f32 to vector<16xf32>
      %sub3A_263 = arith.subf %add3A_260, %sub3A_262 : vector<16xf32>
      %mul3A_264 = arith.mulf %sub3A_263, %mul3A_15 : vector<16xf32>
      %swap3A_265 = arith.index_cast %scan3A_201 : i32 to index
      %swap3A_266 = arith.constant 48 : index
      %swap3A_267 = tpu.vector_load %arg7[%swap3A_265, %swap3A_266] {strides = array<i32>} : memref<128x128xf32, #tpu.memory_space<vmem>>, vector<1x16xf32>,
      %swap3A_268 = vector.shape_cast %swap3A_267 : vector<1x16xf32> to vector<16xf32>
      %swap3A_269 = vector.shape_cast %mul3A_264 : vector<16xf32> to vector<1x16xf32>
      tpu.vector_store %arg7[%swap3A_265, %swap3A_266], %swap3A_269 {strides = array<i32>} : memref<128x128xf32, #tpu.memory_space<vmem>>, vector<1x16xf32>,
      %get3A_270 = arith.index_cast %scan3A_201 : i32 to index
      %get3A_271 = arith.constant 64 : index
      %get3A_272 = tpu.vector_load %arg7[%get3A_270, %get3A_271] {strides = array<i32>} : memref<128x128xf32, #tpu.memory_space<vmem>>, vector<1x16xf32>,
      %get3A_273 = vector.shape_cast %get3A_272 : vector<1x16xf32> to vector<16xf32>
      %mul3A_274 = arith.mulf %get3A_273, %div3A_17 : vector<16xf32>
      %add3A_275 = arith.constant 0x4B400000 : f32
      %add3A_276 = vector.broadcast %add3A_275 : f32 to vector<16xf32>
      %add3A_277 = arith.addf %mul3A_274, %add3A_276 : vector<16xf32>
      %sub3A_278 = arith.constant 0x4B400000 : f32
      %sub3A_279 = vector.broadcast %sub3A_278 : f32 to vector<16xf32>
      %sub3A_280 = arith.subf %add3A_277, %sub3A_279 : vector<16xf32>
      %mul3A_281 = arith.mulf %sub3A_280, %mul3A_15 : vector<16xf32>
      %swap3A_282 = arith.index_cast %scan3A_201 : i32 to index
      %swap3A_283 = arith.constant 64 : index
      %swap3A_284 = tpu.vector_load %arg7[%swap3A_282, %swap3A_283] {strides = array<i32>} : memref<128x128xf32, #tpu.memory_space<vmem>>, vector<1x16xf32>,
      %swap3A_285 = vector.shape_cast %swap3A_284 : vector<1x16xf32> to vector<16xf32>
      %swap3A_286 = vector.shape_cast %mul3A_281 : vector<16xf32> to vector<1x16xf32>
      tpu.vector_store %arg7[%swap3A_282, %swap3A_283], %swap3A_286 {strides = array<i32>} : memref<128x128xf32, #tpu.memory_space<vmem>>, vector<1x16xf32>,
      %get3A_287 = arith.index_cast %scan3A_201 : i32 to index
      %get3A_288 = arith.constant 80 : index
      %get3A_289 = tpu.vector_load %arg7[%get3A_287, %get3A_288] {strides = array<i32>} : memref<128x128xf32, #tpu.memory_space<vmem>>, vector<1x16xf32>,
      %get3A_290 = vector.shape_cast %get3A_289 : vector<1x16xf32> to vector<16xf32>
      %mul3A_291 = arith.mulf %get3A_290, %div3A_17 : vector<16xf32>
      %add3A_292 = arith.constant 0x4B400000 : f32
      %add3A_293 = vector.broadcast %add3A_292 : f32 to vector<16xf32>
      %add3A_294 = arith.addf %mul3A_291, %add3A_293 : vector<16xf32>
      %sub3A_295 = arith.constant 0x4B400000 : f32
      %sub3A_296 = vector.broadcast %sub3A_295 : f32 to vector<16xf32>
      %sub3A_297 = arith.subf %add3A_294, %sub3A_296 : vector<16xf32>
      %mul3A_298 = arith.mulf %sub3A_297, %mul3A_15 : vector<16xf32>
      %swap3A_299 = arith.index_cast %scan3A_201 : i32 to index
      %swap3A_300 = arith.constant 80 : index
      %swap3A_301 = tpu.vector_load %arg7[%swap3A_299, %swap3A_300] {strides = array<i32>} : memref<128x128xf32, #tpu.memory_space<vmem>>, vector<1x16xf32>,
      %swap3A_302 = vector.shape_cast %swap3A_301 : vector<1x16xf32> to vector<16xf32>
      %swap3A_303 = vector.shape_cast %mul3A_298 : vector<16xf32> to vector<1x16xf32>
      tpu.vector_store %arg7[%swap3A_299, %swap3A_300], %swap3A_303 {strides = array<i32>} : memref<128x128xf32, #tpu.memory_space<vmem>>, vector<1x16xf32>,
      %get3A_304 = arith.index_cast %scan3A_201 : i32 to index
      %get3A_305 = arith.constant 96 : index
      %get3A_306 = tpu.vector_load %arg7[%get3A_304, %get3A_305] {strides = array<i32>} : memref<128x128xf32, #tpu.memory_space<vmem>>, vector<1x16xf32>,
      %get3A_307 = vector.shape_cast %get3A_306 : vector<1x16xf32> to vector<16xf32>
      %mul3A_308 = arith.mulf %get3A_307, %div3A_17 : vector<16xf32>
      %add3A_309 = arith.constant 0x4B400000 : f32
      %add3A_310 = vector.broadcast %add3A_309 : f32 to vector<16xf32>
      %add3A_311 = arith.addf %mul3A_308, %add3A_310 : vector<16xf32>
      %sub3A_312 = arith.constant 0x4B400000 : f32
      %sub3A_313 = vector.broadcast %sub3A_312 : f32 to vector<16xf32>
      %sub3A_314 = arith.subf %add3A_311, %sub3A_313 : vector<16xf32>
      %mul3A_315 = arith.mulf %sub3A_314, %mul3A_15 : vector<16xf32>
      %swap3A_316 = arith.index_cast %scan3A_201 : i32 to index
      %swap3A_317 = arith.constant 96 : index
      %swap3A_318 = tpu.vector_load %arg7[%swap3A_316, %swap3A_317] {strides = array<i32>} : memref<128x128xf32, #tpu.memory_space<vmem>>, vector<1x16xf32>,
      %swap3A_319 = vector.shape_cast %swap3A_318 : vector<1x16xf32> to vector<16xf32>
      %swap3A_320 = vector.shape_cast %mul3A_315 : vector<16xf32> to vector<1x16xf32>
      tpu.vector_store %arg7[%swap3A_316, %swap3A_317], %swap3A_320 {strides = array<i32>} : memref<128x128xf32, #tpu.memory_space<vmem>>, vector<1x16xf32>,
      %get3A_321 = arith.index_cast %scan3A_201 : i32 to index
      %get3A_322 = arith.constant 112 : index
      %get3A_323 = tpu.vector_load %arg7[%get3A_321, %get3A_322] {strides = array<i32>} : memref<128x128xf32, #tpu.memory_space<vmem>>, vector<1x16xf32>,
      %get3A_324 = vector.shape_cast %get3A_323 : vector<1x16xf32> to vector<16xf32>
      %mul3A_325 = arith.mulf %get3A_324, %div3A_17 : vector<16xf32>
      %add3A_326 = arith.constant 0x4B400000 : f32
      %add3A_327 = vector.broadcast %add3A_326 : f32 to vector<16xf32>
      %add3A_328 = arith.addf %mul3A_325, %add3A_327 : vector<16xf32>
      %sub3A_329 = arith.constant 0x4B400000 : f32
      %sub3A_330 = vector.broadcast %sub3A_329 : f32 to vector<16xf32>
      %sub3A_331 = arith.subf %add3A_328, %sub3A_330 : vector<16xf32>
      %mul3A_332 = arith.mulf %sub3A_331, %mul3A_15 : vector<16xf32>
      %swap3A_333 = arith.index_cast %scan3A_201 : i32 to index
      %swap3A_334 = arith.constant 112 : index
      %swap3A_335 = tpu.vector_load %arg7[%swap3A_333, %swap3A_334] {strides = array<i32>} : memref<128x128xf32, #tpu.memory_space<vmem>>, vector<1x16xf32>,
      %swap3A_336 = vector.shape_cast %swap3A_335 : vector<1x16xf32> to vector<16xf32>
      %swap3A_337 = vector.shape_cast %mul3A_332 : vector<16xf32> to vector<1x16xf32>
      tpu.vector_store %arg7[%swap3A_333, %swap3A_334], %swap3A_337 {strides = array<i32>} : memref<128x128xf32, #tpu.memory_space<vmem>>, vector<1x16xf32>,
    }
    %scan3A_41 = arith.constant 128 : i32
    %dma_wait3A_42 = arith.constant 3200 : i32
    %dma_wait3A_43 = tpu.memref_slice %arg6[%dma_wait3A_42] : memref<3328xi32, #tpu.memory_space<vmem>> -> memref<128xi32, #tpu.memory_space<vmem>>
    %dma_wait3A_44 = arith.constant 0 : i32
    %dma_wait3A_45 = arith.constant 0 : i32
    %dma_wait3A_46 = tpu.memref_slice %arg3[%dma_wait3A_44, %dma_wait3A_45] : memref<100000x128xf32, #tpu.memory_space<hbm>> -> memref<100000x128xf32, #tpu.memory_space<hbm>>
    tpu.wait_indirect_dma semaphore(%arg13 : memref<!tpu.dma_semaphore, #tpu.memory_space<semaphore_mem>>) src(%dma_wait3A_46 : memref<100000x128xf32, #tpu.memory_space<hbm>>) dst(%arg8 : memref<128x128xf32, #tpu.memory_space<vmem>>)
    %scan3A_47 = arith.constant 0 : i32
    %scan3A_48 = arith.constant 0 : i32
    %scan3A_49 = arith.constant 128 : i32
    %scan3A_50 = arith.addi %scan3A_48, %scan3A_49 : i32
    %scan3A_51 = arith.constant 2 : i32
    scf.for %scan3A_65 = %scan3A_48 to %scan3A_50 step %scan3A_51  : i32 {
      %get3A_66 = arith.index_cast %scan3A_65 : i32 to index
      %get3A_67 = arith.constant 0 : index
      %get3A_68 = tpu.vector_load %arg8[%get3A_66, %get3A_67] {strides = array<i32>} : memref<128x128xf32, #tpu.memory_space<vmem>>, vector<1x16xf32>,
      %get3A_69 = vector.shape_cast %get3A_68 : vector<1x16xf32> to vector<16xf32>
      %mul3A_70 = arith.mulf %get3A_69, %div3A_17 : vector<16xf32>
      %add3A_71 = arith.constant 0x4B400000 : f32
      %add3A_72 = vector.broadcast %add3A_71 : f32 to vector<16xf32>
      %add3A_73 = arith.addf %mul3A_70, %add3A_72 : vector<16xf32>
      %sub3A = arith.constant 0x4B400000 : f32
      %sub3A_74 = vector.broadcast %sub3A : f32 to vector<16xf32>
      %sub3A_75 = arith.subf %add3A_73, %sub3A_74 : vector<16xf32>
      %mul3A_76 = arith.mulf %sub3A_75, %mul3A_15 : vector<16xf32>
      %swap3A = arith.index_cast %scan3A_65 : i32 to index
      %swap3A_77 = arith.constant 0 : index
      %swap3A_78 = tpu.vector_load %arg8[%swap3A, %swap3A_77] {strides = array<i32>} : memref<128x128xf32, #tpu.memory_space<vmem>>, vector<1x16xf32>,
      %swap3A_79 = vector.shape_cast %swap3A_78 : vector<1x16xf32> to vector<16xf32>
      %swap3A_80 = vector.shape_cast %mul3A_76 : vector<16xf32> to vector<1x16xf32>
      tpu.vector_store %arg8[%swap3A, %swap3A_77], %swap3A_80 {strides = array<i32>} : memref<128x128xf32, #tpu.memory_space<vmem>>, vector<1x16xf32>,
      %get3A_81 = arith.index_cast %scan3A_65 : i32 to index
      %get3A_82 = arith.constant 16 : index
      %get3A_83 = tpu.vector_load %arg8[%get3A_81, %get3A_82] {strides = array<i32>} : memref<128x128xf32, #tpu.memory_space<vmem>>, vector<1x16xf32>,
      %get3A_84 = vector.shape_cast %get3A_83 : vector<1x16xf32> to vector<16xf32>
      %mul3A_85 = arith.mulf %get3A_84, %div3A_17 : vector<16xf32>
      %add3A_86 = arith.constant 0x4B400000 : f32
      %add3A_87 = vector.broadcast %add3A_86 : f32 to vector<16xf32>
      %add3A_88 = arith.addf %mul3A_85, %add3A_87 : vector<16xf32>
      %sub3A_89 = arith.constant 0x4B400000 : f32
      %sub3A_90 = vector.broadcast %sub3A_89 : f32 to vector<16xf32>
      %sub3A_91 = arith.subf %add3A_88, %sub3A_90 : vector<16xf32>
      %mul3A_92 = arith.mulf %sub3A_91, %mul3A_15 : vector<16xf32>
      %swap3A_93 = arith.index_cast %scan3A_65 : i32 to index
      %swap3A_94 = arith.constant 16 : index
      %swap3A_95 = tpu.vector_load %arg8[%swap3A_93, %swap3A_94] {strides = array<i32>} : memref<128x128xf32, #tpu.memory_space<vmem>>, vector<1x16xf32>,
      %swap3A_96 = vector.shape_cast %swap3A_95 : vector<1x16xf32> to vector<16xf32>
      %swap3A_97 = vector.shape_cast %mul3A_92 : vector<16xf32> to vector<1x16xf32>
      tpu.vector_store %arg8[%swap3A_93, %swap3A_94], %swap3A_97 {strides = array<i32>} : memref<128x128xf32, #tpu.memory_space<vmem>>, vector<1x16xf32>,
      %get3A_98 = arith.index_cast %scan3A_65 : i32 to index
      %get3A_99 = arith.constant 32 : index
      %get3A_100 = tpu.vector_load %arg8[%get3A_98, %get3A_99] {strides = array<i32>} : memref<128x128xf32, #tpu.memory_space<vmem>>, vector<1x16xf32>,
      %get3A_101 = vector.shape_cast %get3A_100 : vector<1x16xf32> to vector<16xf32>
      %mul3A_102 = arith.mulf %get3A_101, %div3A_17 : vector<16xf32>
      %add3A_103 = arith.constant 0x4B400000 : f32
      %add3A_104 = vector.broadcast %add3A_103 : f32 to vector<16xf32>
      %add3A_105 = arith.addf %mul3A_102, %add3A_104 : vector<16xf32>
      %sub3A_106 = arith.constant 0x4B400000 : f32
      %sub3A_107 = vector.broadcast %sub3A_106 : f32 to vector<16xf32>
      %sub3A_108 = arith.subf %add3A_105, %sub3A_107 : vector<16xf32>
      %mul3A_109 = arith.mulf %sub3A_108, %mul3A_15 : vector<16xf32>
      %swap3A_110 = arith.index_cast %scan3A_65 : i32 to index
      %swap3A_111 = arith.constant 32 : index
      %swap3A_112 = tpu.vector_load %arg8[%swap3A_110, %swap3A_111] {strides = array<i32>} : memref<128x128xf32, #tpu.memory_space<vmem>>, vector<1x16xf32>,
      %swap3A_113 = vector.shape_cast %swap3A_112 : vector<1x16xf32> to vector<16xf32>
      %swap3A_114 = vector.shape_cast %mul3A_109 : vector<16xf32> to vector<1x16xf32>
      tpu.vector_store %arg8[%swap3A_110, %swap3A_111], %swap3A_114 {strides = array<i32>} : memref<128x128xf32, #tpu.memory_space<vmem>>, vector<1x16xf32>,
      %get3A_115 = arith.index_cast %scan3A_65 : i32 to index
      %get3A_116 = arith.constant 48 : index
      %get3A_117 = tpu.vector_load %arg8[%get3A_115, %get3A_116] {strides = array<i32>} : memref<128x128xf32, #tpu.memory_space<vmem>>, vector<1x16xf32>,
      %get3A_118 = vector.shape_cast %get3A_117 : vector<1x16xf32> to vector<16xf32>
      %mul3A_119 = arith.mulf %get3A_118, %div3A_17 : vector<16xf32>
      %add3A_120 = arith.constant 0x4B400000 : f32
      %add3A_121 = vector.broadcast %add3A_120 : f32 to vector<16xf32>
      %add3A_122 = arith.addf %mul3A_119, %add3A_121 : vector<16xf32>
      %sub3A_123 = arith.constant 0x4B400000 : f32
      %sub3A_124 = vector.broadcast %sub3A_123 : f32 to vector<16xf32>
      %sub3A_125 = arith.subf %add3A_122, %sub3A_124 : vector<16xf32>
      %mul3A_126 = arith.mulf %sub3A_125, %mul3A_15 : vector<16xf32>
      %swap3A_127 = arith.index_cast %scan3A_65 : i32 to index
      %swap3A_128 = arith.constant 48 : index
      %swap3A_129 = tpu.vector_load %arg8[%swap3A_127, %swap3A_128] {strides = array<i32>} : memref<128x128xf32, #tpu.memory_space<vmem>>, vector<1x16xf32>,
      %swap3A_130 = vector.shape_cast %swap3A_129 : vector<1x16xf32> to vector<16xf32>
      %swap3A_131 = vector.shape_cast %mul3A_126 : vector<16xf32> to vector<1x16xf32>
      tpu.vector_store %arg8[%swap3A_127, %swap3A_128], %swap3A_131 {strides = array<i32>} : memref<128x128xf32, #tpu.memory_space<vmem>>, vector<1x16xf32>,
      %get3A_132 = arith.index_cast %scan3A_65 : i32 to index
      %get3A_133 = arith.constant 64 : index
      %get3A_134 = tpu.vector_load %arg8[%get3A_132, %get3A_133] {strides = array<i32>} : memref<128x128xf32, #tpu.memory_space<vmem>>, vector<1x16xf32>,
      %get3A_135 = vector.shape_cast %get3A_134 : vector<1x16xf32> to vector<16xf32>
      %mul3A_136 = arith.mulf %get3A_135, %div3A_17 : vector<16xf32>
      %add3A_137 = arith.constant 0x4B400000 : f32
      %add3A_138 = vector.broadcast %add3A_137 : f32 to vector<16xf32>
      %add3A_139 = arith.addf %mul3A_136, %add3A_138 : vector<16xf32>
      %sub3A_140 = arith.constant 0x4B400000 : f32
      %sub3A_141 = vector.broadcast %sub3A_140 : f32 to vector<16xf32>
      %sub3A_142 = arith.subf %add3A_139, %sub3A_141 : vector<16xf32>
      %mul3A_143 = arith.mulf %sub3A_142, %mul3A_15 : vector<16xf32>
      %swap3A_144 = arith.index_cast %scan3A_65 : i32 to index
      %swap3A_145 = arith.constant 64 : index
      %swap3A_146 = tpu.vector_load %arg8[%swap3A_144, %swap3A_145] {strides = array<i32>} : memref<128x128xf32, #tpu.memory_space<vmem>>, vector<1x16xf32>,
      %swap3A_147 = vector.shape_cast %swap3A_146 : vector<1x16xf32> to vector<16xf32>
      %swap3A_148 = vector.shape_cast %mul3A_143 : vector<16xf32> to vector<1x16xf32>
      tpu.vector_store %arg8[%swap3A_144, %swap3A_145], %swap3A_148 {strides = array<i32>} : memref<128x128xf32, #tpu.memory_space<vmem>>, vector<1x16xf32>,
      %get3A_149 = arith.index_cast %scan3A_65 : i32 to index
      %get3A_150 = arith.constant 80 : index
      %get3A_151 = tpu.vector_load %arg8[%get3A_149, %get3A_150] {strides = array<i32>} : memref<128x128xf32, #tpu.memory_space<vmem>>, vector<1x16xf32>,
      %get3A_152 = vector.shape_cast %get3A_151 : vector<1x16xf32> to vector<16xf32>
      %mul3A_153 = arith.mulf %get3A_152, %div3A_17 : vector<16xf32>
      %add3A_154 = arith.constant 0x4B400000 : f32
      %add3A_155 = vector.broadcast %add3A_154 : f32 to vector<16xf32>
      %add3A_156 = arith.addf %mul3A_153, %add3A_155 : vector<16xf32>
      %sub3A_157 = arith.constant 0x4B400000 : f32
      %sub3A_158 = vector.broadcast %sub3A_157 : f32 to vector<16xf32>
      %sub3A_159 = arith.subf %add3A_156, %sub3A_158 : vector<16xf32>
      %mul3A_160 = arith.mulf %sub3A_159, %mul3A_15 : vector<16xf32>
      %swap3A_161 = arith.index_cast %scan3A_65 : i32 to index
      %swap3A_162 = arith.constant 80 : index
      %swap3A_163 = tpu.vector_load %arg8[%swap3A_161, %swap3A_162] {strides = array<i32>} : memref<128x128xf32, #tpu.memory_space<vmem>>, vector<1x16xf32>,
      %swap3A_164 = vector.shape_cast %swap3A_163 : vector<1x16xf32> to vector<16xf32>
      %swap3A_165 = vector.shape_cast %mul3A_160 : vector<16xf32> to vector<1x16xf32>
      tpu.vector_store %arg8[%swap3A_161, %swap3A_162], %swap3A_165 {strides = array<i32>} : memref<128x128xf32, #tpu.memory_space<vmem>>, vector<1x16xf32>,
      %get3A_166 = arith.index_cast %scan3A_65 : i32 to index
      %get3A_167 = arith.constant 96 : index
      %get3A_168 = tpu.vector_load %arg8[%get3A_166, %get3A_167] {strides = array<i32>} : memref<128x128xf32, #tpu.memory_space<vmem>>, vector<1x16xf32>,
      %get3A_169 = vector.shape_cast %get3A_168 : vector<1x16xf32> to vector<16xf32>
      %mul3A_170 = arith.mulf %get3A_169, %div3A_17 : vector<16xf32>
      %add3A_171 = arith.constant 0x4B400000 : f32
      %add3A_172 = vector.broadcast %add3A_171 : f32 to vector<16xf32>
      %add3A_173 = arith.addf %mul3A_170, %add3A_172 : vector<16xf32>
      %sub3A_174 = arith.constant 0x4B400000 : f32
      %sub3A_175 = vector.broadcast %sub3A_174 : f32 to vector<16xf32>
      %sub3A_176 = arith.subf %add3A_173, %sub3A_175 : vector<16xf32>
      %mul3A_177 = arith.mulf %sub3A_176, %mul3A_15 : vector<16xf32>
      %swap3A_178 = arith.index_cast %scan3A_65 : i32 to index
      %swap3A_179 = arith.constant 96 : index
      %swap3A_180 = tpu.vector_load %arg8[%swap3A_178, %swap3A_179] {strides = array<i32>} : memref<128x128xf32, #tpu.memory_space<vmem>>, vector<1x16xf32>,
      %swap3A_181 = vector.shape_cast %swap3A_180 : vector<1x16xf32> to vector<16xf32>
      %swap3A_182 = vector.shape_cast %mul3A_177 : vector<16xf32> to vector<1x16xf32>
      tpu.vector_store %arg8[%swap3A_178, %swap3A_179], %swap3A_182 {strides = array<i32>} : memref<128x128xf32, #tpu.memory_space<vmem>>, vector<1x16xf32>,
      %get3A_183 = arith.index_cast %scan3A_65 : i32 to index
      %get3A_184 = arith.constant 112 : index
      %get3A_185 = tpu.vector_load %arg8[%get3A_183, %get3A_184] {strides = array<i32>} : memref<128x128xf32, #tpu.memory_space<vmem>>, vector<1x16xf32>,
      %get3A_186 = vector.shape_cast %get3A_185 : vector<1x16xf32> to vector<16xf32>
      %mul3A_187 = arith.mulf %get3A_186, %div3A_17 : vector<16xf32>
      %add3A_188 = arith.constant 0x4B400000 : f32
      %add3A_189 = vector.broadcast %add3A_188 : f32 to vector<16xf32>
      %add3A_190 = arith.addf %mul3A_187, %add3A_189 : vector<16xf32>
      %sub3A_191 = arith.constant 0x4B400000 : f32
      %sub3A_192 = vector.broadcast %sub3A_191 : f32 to vector<16xf32>
      %sub3A_193 = arith.subf %add3A_190, %sub3A_192 : vector<16xf32>
      %mul3A_194 = arith.mulf %sub3A_193, %mul3A_15 : vector<16xf32>
      %swap3A_195 = arith.index_cast %scan3A_65 : i32 to index
      %swap3A_196 = arith.constant 112 : index
      %swap3A_197 = tpu.vector_load %arg8[%swap3A_195, %swap3A_196] {strides = array<i32>} : memref<128x128xf32, #tpu.memory_space<vmem>>, vector<1x16xf32>,
      %swap3A_198 = vector.shape_cast %swap3A_197 : vector<1x16xf32> to vector<16xf32>
      %swap3A_199 = vector.shape_cast %mul3A_194 : vector<16xf32> to vector<1x16xf32>
      tpu.vector_store %arg8[%swap3A_195, %swap3A_196], %swap3A_199 {strides = array<i32>} : memref<128x128xf32, #tpu.memory_space<vmem>>, vector<1x16xf32>,
      %scan3A_200 = arith.constant 1 : i32
      %scan3A_201 = arith.addi %scan3A_65, %scan3A_200 : i32
      %get3A_202 = arith.index_cast %scan3A_201 : i32 to index
      %get3A_203 = arith.constant 0 : index
      %get3A_204 = tpu.vector_load %arg8[%get3A_202, %get3A_203] {strides = array<i32>} : memref<128x128xf32, #tpu.memory_space<vmem>>, vector<1x16xf32>,
      %get3A_205 = vector.shape_cast %get3A_204 : vector<1x16xf32> to vector<16xf32>
      %mul3A_206 = arith.mulf %get3A_205, %div3A_17 : vector<16xf32>
      %add3A_207 = arith.constant 0x4B400000 : f32
      %add3A_208 = vector.broadcast %add3A_207 : f32 to vector<16xf32>
      %add3A_209 = arith.addf %mul3A_206, %add3A_208 : vector<16xf32>
      %sub3A_210 = arith.constant 0x4B400000 : f32
      %sub3A_211 = vector.broadcast %sub3A_210 : f32 to vector<16xf32>
      %sub3A_212 = arith.subf %add3A_209, %sub3A_211 : vector<16xf32>
      %mul3A_213 = arith.mulf %sub3A_212, %mul3A_15 : vector<16xf32>
      %swap3A_214 = arith.index_cast %scan3A_201 : i32 to index
      %swap3A_215 = arith.constant 0 : index
      %swap3A_216 = tpu.vector_load %arg8[%swap3A_214, %swap3A_215] {strides = array<i32>} : memref<128x128xf32, #tpu.memory_space<vmem>>, vector<1x16xf32>,
      %swap3A_217 = vector.shape_cast %swap3A_216 : vector<1x16xf32> to vector<16xf32>
      %swap3A_218 = vector.shape_cast %mul3A_213 : vector<16xf32> to vector<1x16xf32>
      tpu.vector_store %arg8[%swap3A_214, %swap3A_215], %swap3A_218 {strides = array<i32>} : memref<128x128xf32, #tpu.memory_space<vmem>>, vector<1x16xf32>,
      %get3A_219 = arith.index_cast %scan3A_201 : i32 to index
      %get3A_220 = arith.constant 16 : index
      %get3A_221 = tpu.vector_load %arg8[%get3A_219, %get3A_220] {strides = array<i32>} : memref<128x128xf32, #tpu.memory_space<vmem>>, vector<1x16xf32>,
      %get3A_222 = vector.shape_cast %get3A_221 : vector<1x16xf32> to vector<16xf32>
      %mul3A_223 = arith.mulf %get3A_222, %div3A_17 : vector<16xf32>
      %add3A_224 = arith.constant 0x4B400000 : f32
      %add3A_225 = vector.broadcast %add3A_224 : f32 to vector<16xf32>
      %add3A_226 = arith.addf %mul3A_223, %add3A_225 : vector<16xf32>
      %sub3A_227 = arith.constant 0x4B400000 : f32
      %sub3A_228 = vector.broadcast %sub3A_227 : f32 to vector<16xf32>
      %sub3A_229 = arith.subf %add3A_226, %sub3A_228 : vector<16xf32>
      %mul3A_230 = arith.mulf %sub3A_229, %mul3A_15 : vector<16xf32>
      %swap3A_231 = arith.index_cast %scan3A_201 : i32 to index
      %swap3A_232 = arith.constant 16 : index
      %swap3A_233 = tpu.vector_load %arg8[%swap3A_231, %swap3A_232] {strides = array<i32>} : memref<128x128xf32, #tpu.memory_space<vmem>>, vector<1x16xf32>,
      %swap3A_234 = vector.shape_cast %swap3A_233 : vector<1x16xf32> to vector<16xf32>
      %swap3A_235 = vector.shape_cast %mul3A_230 : vector<16xf32> to vector<1x16xf32>
      tpu.vector_store %arg8[%swap3A_231, %swap3A_232], %swap3A_235 {strides = array<i32>} : memref<128x128xf32, #tpu.memory_space<vmem>>, vector<1x16xf32>,
      %get3A_236 = arith.index_cast %scan3A_201 : i32 to index
      %get3A_237 = arith.constant 32 : index
      %get3A_238 = tpu.vector_load %arg8[%get3A_236, %get3A_237] {strides = array<i32>} : memref<128x128xf32, #tpu.memory_space<vmem>>, vector<1x16xf32>,
      %get3A_239 = vector.shape_cast %get3A_238 : vector<1x16xf32> to vector<16xf32>
      %mul3A_240 = arith.mulf %get3A_239, %div3A_17 : vector<16xf32>
      %add3A_241 = arith.constant 0x4B400000 : f32
      %add3A_242 = vector.broadcast %add3A_241 : f32 to vector<16xf32>
      %add3A_243 = arith.addf %mul3A_240, %add3A_242 : vector<16xf32>
      %sub3A_244 = arith.constant 0x4B400000 : f32
      %sub3A_245 = vector.broadcast %sub3A_244 : f32 to vector<16xf32>
      %sub3A_246 = arith.subf %add3A_243, %sub3A_245 : vector<16xf32>
      %mul3A_247 = arith.mulf %sub3A_246, %mul3A_15 : vector<16xf32>
      %swap3A_248 = arith.index_cast %scan3A_201 : i32 to index
      %swap3A_249 = arith.constant 32 : index
      %swap3A_250 = tpu.vector_load %arg8[%swap3A_248, %swap3A_249] {strides = array<i32>} : memref<128x128xf32, #tpu.memory_space<vmem>>, vector<1x16xf32>,
      %swap3A_251 = vector.shape_cast %swap3A_250 : vector<1x16xf32> to vector<16xf32>
      %swap3A_252 = vector.shape_cast %mul3A_247 : vector<16xf32> to vector<1x16xf32>
      tpu.vector_store %arg8[%swap3A_248, %swap3A_249], %swap3A_252 {strides = array<i32>} : memref<128x128xf32, #tpu.memory_space<vmem>>, vector<1x16xf32>,
      %get3A_253 = arith.index_cast %scan3A_201 : i32 to index
      %get3A_254 = arith.constant 48 : index
      %get3A_255 = tpu.vector_load %arg8[%get3A_253, %get3A_254] {strides = array<i32>} : memref<128x128xf32, #tpu.memory_space<vmem>>, vector<1x16xf32>,
      %get3A_256 = vector.shape_cast %get3A_255 : vector<1x16xf32> to vector<16xf32>
      %mul3A_257 = arith.mulf %get3A_256, %div3A_17 : vector<16xf32>
      %add3A_258 = arith.constant 0x4B400000 : f32
      %add3A_259 = vector.broadcast %add3A_258 : f32 to vector<16xf32>
      %add3A_260 = arith.addf %mul3A_257, %add3A_259 : vector<16xf32>
      %sub3A_261 = arith.constant 0x4B400000 : f32
      %sub3A_262 = vector.broadcast %sub3A_261 : f32 to vector<16xf32>
      %sub3A_263 = arith.subf %add3A_260, %sub3A_262 : vector<16xf32>
      %mul3A_264 = arith.mulf %sub3A_263, %mul3A_15 : vector<16xf32>
      %swap3A_265 = arith.index_cast %scan3A_201 : i32 to index
      %swap3A_266 = arith.constant 48 : index
      %swap3A_267 = tpu.vector_load %arg8[%swap3A_265, %swap3A_266] {strides = array<i32>} : memref<128x128xf32, #tpu.memory_space<vmem>>, vector<1x16xf32>,
      %swap3A_268 = vector.shape_cast %swap3A_267 : vector<1x16xf32> to vector<16xf32>
      %swap3A_269 = vector.shape_cast %mul3A_264 : vector<16xf32> to vector<1x16xf32>
      tpu.vector_store %arg8[%swap3A_265, %swap3A_266], %swap3A_269 {strides = array<i32>} : memref<128x128xf32, #tpu.memory_space<vmem>>, vector<1x16xf32>,
      %get3A_270 = arith.index_cast %scan3A_201 : i32 to index
      %get3A_271 = arith.constant 64 : index
      %get3A_272 = tpu.vector_load %arg8[%get3A_270, %get3A_271] {strides = array<i32>} : memref<128x128xf32, #tpu.memory_space<vmem>>, vector<1x16xf32>,
      %get3A_273 = vector.shape_cast %get3A_272 : vector<1x16xf32> to vector<16xf32>
      %mul3A_274 = arith.mulf %get3A_273, %div3A_17 : vector<16xf32>
      %add3A_275 = arith.constant 0x4B400000 : f32
      %add3A_276 = vector.broadcast %add3A_275 : f32 to vector<16xf32>
      %add3A_277 = arith.addf %mul3A_274, %add3A_276 : vector<16xf32>
      %sub3A_278 = arith.constant 0x4B400000 : f32
      %sub3A_279 = vector.broadcast %sub3A_278 : f32 to vector<16xf32>
      %sub3A_280 = arith.subf %add3A_277, %sub3A_279 : vector<16xf32>
      %mul3A_281 = arith.mulf %sub3A_280, %mul3A_15 : vector<16xf32>
      %swap3A_282 = arith.index_cast %scan3A_201 : i32 to index
      %swap3A_283 = arith.constant 64 : index
      %swap3A_284 = tpu.vector_load %arg8[%swap3A_282, %swap3A_283] {strides = array<i32>} : memref<128x128xf32, #tpu.memory_space<vmem>>, vector<1x16xf32>,
      %swap3A_285 = vector.shape_cast %swap3A_284 : vector<1x16xf32> to vector<16xf32>
      %swap3A_286 = vector.shape_cast %mul3A_281 : vector<16xf32> to vector<1x16xf32>
      tpu.vector_store %arg8[%swap3A_282, %swap3A_283], %swap3A_286 {strides = array<i32>} : memref<128x128xf32, #tpu.memory_space<vmem>>, vector<1x16xf32>,
      %get3A_287 = arith.index_cast %scan3A_201 : i32 to index
      %get3A_288 = arith.constant 80 : index
      %get3A_289 = tpu.vector_load %arg8[%get3A_287, %get3A_288] {strides = array<i32>} : memref<128x128xf32, #tpu.memory_space<vmem>>, vector<1x16xf32>,
      %get3A_290 = vector.shape_cast %get3A_289 : vector<1x16xf32> to vector<16xf32>
      %mul3A_291 = arith.mulf %get3A_290, %div3A_17 : vector<16xf32>
      %add3A_292 = arith.constant 0x4B400000 : f32
      %add3A_293 = vector.broadcast %add3A_292 : f32 to vector<16xf32>
      %add3A_294 = arith.addf %mul3A_291, %add3A_293 : vector<16xf32>
      %sub3A_295 = arith.constant 0x4B400000 : f32
      %sub3A_296 = vector.broadcast %sub3A_295 : f32 to vector<16xf32>
      %sub3A_297 = arith.subf %add3A_294, %sub3A_296 : vector<16xf32>
      %mul3A_298 = arith.mulf %sub3A_297, %mul3A_15 : vector<16xf32>
      %swap3A_299 = arith.index_cast %scan3A_201 : i32 to index
      %swap3A_300 = arith.constant 80 : index
      %swap3A_301 = tpu.vector_load %arg8[%swap3A_299, %swap3A_300] {strides = array<i32>} : memref<128x128xf32, #tpu.memory_space<vmem>>, vector<1x16xf32>,
      %swap3A_302 = vector.shape_cast %swap3A_301 : vector<1x16xf32> to vector<16xf32>
      %swap3A_303 = vector.shape_cast %mul3A_298 : vector<16xf32> to vector<1x16xf32>
      tpu.vector_store %arg8[%swap3A_299, %swap3A_300], %swap3A_303 {strides = array<i32>} : memref<128x128xf32, #tpu.memory_space<vmem>>, vector<1x16xf32>,
      %get3A_304 = arith.index_cast %scan3A_201 : i32 to index
      %get3A_305 = arith.constant 96 : index
      %get3A_306 = tpu.vector_load %arg8[%get3A_304, %get3A_305] {strides = array<i32>} : memref<128x128xf32, #tpu.memory_space<vmem>>, vector<1x16xf32>,
      %get3A_307 = vector.shape_cast %get3A_306 : vector<1x16xf32> to vector<16xf32>
      %mul3A_308 = arith.mulf %get3A_307, %div3A_17 : vector<16xf32>
      %add3A_309 = arith.constant 0x4B400000 : f32
      %add3A_310 = vector.broadcast %add3A_309 : f32 to vector<16xf32>
      %add3A_311 = arith.addf %mul3A_308, %add3A_310 : vector<16xf32>
      %sub3A_312 = arith.constant 0x4B400000 : f32
      %sub3A_313 = vector.broadcast %sub3A_312 : f32 to vector<16xf32>
      %sub3A_314 = arith.subf %add3A_311, %sub3A_313 : vector<16xf32>
      %mul3A_315 = arith.mulf %sub3A_314, %mul3A_15 : vector<16xf32>
      %swap3A_316 = arith.index_cast %scan3A_201 : i32 to index
      %swap3A_317 = arith.constant 96 : index
      %swap3A_318 = tpu.vector_load %arg8[%swap3A_316, %swap3A_317] {strides = array<i32>} : memref<128x128xf32, #tpu.memory_space<vmem>>, vector<1x16xf32>,
      %swap3A_319 = vector.shape_cast %swap3A_318 : vector<1x16xf32> to vector<16xf32>
      %swap3A_320 = vector.shape_cast %mul3A_315 : vector<16xf32> to vector<1x16xf32>
      tpu.vector_store %arg8[%swap3A_316, %swap3A_317], %swap3A_320 {strides = array<i32>} : memref<128x128xf32, #tpu.memory_space<vmem>>, vector<1x16xf32>,
      %get3A_321 = arith.index_cast %scan3A_201 : i32 to index
      %get3A_322 = arith.constant 112 : index
      %get3A_323 = tpu.vector_load %arg8[%get3A_321, %get3A_322] {strides = array<i32>} : memref<128x128xf32, #tpu.memory_space<vmem>>, vector<1x16xf32>,
      %get3A_324 = vector.shape_cast %get3A_323 : vector<1x16xf32> to vector<16xf32>
      %mul3A_325 = arith.mulf %get3A_324, %div3A_17 : vector<16xf32>
      %add3A_326 = arith.constant 0x4B400000 : f32
      %add3A_327 = vector.broadcast %add3A_326 : f32 to vector<16xf32>
      %add3A_328 = arith.addf %mul3A_325, %add3A_327 : vector<16xf32>
      %sub3A_329 = arith.constant 0x4B400000 : f32
      %sub3A_330 = vector.broadcast %sub3A_329 : f32 to vector<16xf32>
      %sub3A_331 = arith.subf %add3A_328, %sub3A_330 : vector<16xf32>
      %mul3A_332 = arith.mulf %sub3A_331, %mul3A_15 : vector<16xf32>
      %swap3A_333 = arith.index_cast %scan3A_201 : i32 to index
      %swap3A_334 = arith.constant 112 : index
      %swap3A_335 = tpu.vector_load %arg8[%swap3A_333, %swap3A_334] {strides = array<i32>} : memref<128x128xf32, #tpu.memory_space<vmem>>, vector<1x16xf32>,
      %swap3A_336 = vector.shape_cast %swap3A_335 : vector<1x16xf32> to vector<16xf32>
      %swap3A_337 = vector.shape_cast %mul3A_332 : vector<16xf32> to vector<1x16xf32>
      tpu.vector_store %arg8[%swap3A_333, %swap3A_334], %swap3A_337 {strides = array<i32>} : memref<128x128xf32, #tpu.memory_space<vmem>>, vector<1x16xf32>,
    }
    %scan3A_52 = arith.constant 128 : i32
    %add3A_53 = arith.constant 0 : i32
    %add3A_54 = arith.addi %mul3A_4, %add3A_53 : i32
    %dma_start3A_55 = arith.constant 0 : i32
    %dma_start3A_56 = tpu.memref_slice %arg5[%add3A_54, %dma_start3A_55] : memref<106496x128xf32, #tpu.memory_space<hbm>> -> memref<128x128xf32, #tpu.memory_space<hbm>>
    %dma_start3A_57 = arith.constant 0 : i32
    %dma_start3A_58 = tpu.memref_slice %arg5[%add3A_54, %dma_start3A_57] : memref<106496x128xf32, #tpu.memory_space<hbm>> -> memref<128x128xf32, #tpu.memory_space<hbm>>
    tpu.enqueue_dma source(%arg7 : memref<128x128xf32, #tpu.memory_space<vmem>>) target(%dma_start3A_58 : memref<128x128xf32, #tpu.memory_space<hbm>>) target_semaphore(%arg16 : memref<!tpu.dma_semaphore, #tpu.memory_space<semaphore_mem>>)
    %add3A_59 = arith.constant 0 : i32
    %add3A_60 = arith.addi %mul3A_4, %add3A_59 : i32
    %dma_wait3A_61 = arith.constant 0 : i32
    %dma_wait3A_62 = tpu.memref_slice %arg5[%add3A_60, %dma_wait3A_61] : memref<106496x128xf32, #tpu.memory_space<hbm>> -> memref<128x128xf32, #tpu.memory_space<hbm>>
    %dma_wait3A_63 = arith.constant 0 : i32
    %dma_wait3A_64 = tpu.memref_slice %arg5[%add3A_60, %dma_wait3A_63] : memref<106496x128xf32, #tpu.memory_space<hbm>> -> memref<128x128xf32, #tpu.memory_space<hbm>>
    tpu.wait_dma2 semaphore(%arg16 : memref<!tpu.dma_semaphore, #tpu.memory_space<semaphore_mem>>) src(%arg7 : memref<128x128xf32, #tpu.memory_space<vmem>>) dst(%dma_wait3A_64 : memref<128x128xf32, #tpu.memory_space<hbm>>)
    return
  }
}

module attributes {stable_mosaic.version = 14 : i64} {
  func.func @_absmax_body(%arg0: i32, %arg1: memref<25000x128xf32, #tpu.memory_space<vmem>>, %arg2: memref<8x128xf32, #tpu.memory_space<vmem>>) attributes {dimension_semantics = [#tpu.dimension_semantics<arbitrary>], iteration_bounds = array<i64: 4>, scalar_prefetch = 0 : i64, scratch_operands = 0 : i64, tpu.core_type = #tpu.core_type<tc>, window_params = [{transform_indices = @transform_0, window_bounds = array<i64: 25000, 128>}, {pipeline_mode = #tpu.pipeline_mode<synchronous>, transform_indices = @transform_1, window_bounds = array<i64: 8, 128>}]} {
    %get3A = arith.constant 0 : index
    %get3A_0 = arith.constant 0 : index
    %get3A_1 = vector.load %arg1[%get3A, %get3A_0] : memref<25000x128xf32, #tpu.memory_space<vmem>>, vector<25000x128xf32>
    %abs3A = math.absf %get3A_1 : vector<25000x128xf32>
    %reduce_max3A = vector.shape_cast %abs3A : vector<25000x128xf32> to vector<1x25000x128xf32>
    %reduce_max3A_2 = arith.constant dense<0xFF800000> : vector<1xf32>
    %reduce_max3A_3 = vector.multi_reduction <maximumf>, %reduce_max3A, %reduce_max3A_2 [1, 2] : vector<1x25000x128xf32> to vector<1xf32>
    %reduce_max3A_4 = vector.shape_cast %reduce_max3A_3 : vector<1xf32> to vector<1x1x1xf32>
    %reduce_max3A_5 = vector.extract %reduce_max3A_4[0, 0, 0] : f32 from vector<1x1x1xf32>
    %eq3A = arith.constant 0 : i32
    %eq3A_6 = arith.cmpi eq, %arg0, %eq3A : i32
    %convert_element_type3A = arith.extui %eq3A_6 : i1 to i32
    %cond3A = arith.constant 0 : i32
    %cond3A_7 = arith.cmpi ne, %convert_element_type3A, %cond3A : i32
    scf.if %cond3A_7 {
      %broadcast_in_dim3A = vector.broadcast %reduce_max3A_5 : f32 to vector<8x128xf32>
      %swap3A = arith.constant 0 : index
      %swap3A_12 = arith.constant 0 : index
      %swap3A_13 = vector.load %arg2[%swap3A, %swap3A_12] : memref<8x128xf32, #tpu.memory_space<vmem>>, vector<8x128xf32>
      tpu.vector_store %arg2[%swap3A, %swap3A_12], %broadcast_in_dim3A {strides = array<i32>} : memref<8x128xf32, #tpu.memory_space<vmem>>, vector<8x128xf32>,
    } else {
    }
    %ne3A = arith.constant 0 : i32
    %ne3A_8 = arith.cmpi ne, %arg0, %ne3A : i32
    %convert_element_type3A_9 = arith.extui %ne3A_8 : i1 to i32
    %cond3A_10 = arith.constant 0 : i32
    %cond3A_11 = arith.cmpi ne, %convert_element_type3A_9, %cond3A_10 : i32
    scf.if %cond3A_11 {
      %get3A_12 = arith.constant 0 : index
      %get3A_13 = arith.constant 0 : index
      %get3A_14 = vector.load %arg2[%get3A_12, %get3A_13] : memref<8x128xf32, #tpu.memory_space<vmem>>, vector<8x128xf32>
      %max3A = vector.broadcast %reduce_max3A_5 : f32 to vector<8x128xf32>
      %max3A_15 = arith.maximumf %get3A_14, %max3A : vector<8x128xf32>
      %swap3A = arith.constant 0 : index
      %swap3A_16 = arith.constant 0 : index
      %swap3A_17 = vector.load %arg2[%swap3A, %swap3A_16] : memref<8x128xf32, #tpu.memory_space<vmem>>, vector<8x128xf32>
      tpu.vector_store %arg2[%swap3A, %swap3A_16], %max3A_15 {strides = array<i32>} : memref<8x128xf32, #tpu.memory_space<vmem>>, vector<8x128xf32>,
    } else {
    }
    return
  }
  func.func @transform_0(%arg0: i32) -> (i32, i32) {
    %c0_i32 = arith.constant 0 : i32
    %c0_i32_0 = arith.constant 0 : i32
    return %arg0, %c0_i32 : i32, i32
  }
  func.func @transform_1(%arg0: i32) -> (i32, i32) {
    %c0_i32 = arith.constant 0 : i32
    %c0_i32_0 = arith.constant 0 : i32
    %c0_i32_1 = arith.constant 0 : i32
    return %c0_i32, %c0_i32_0 : i32, i32
  }
}

</mosaic_0001>

<sc_bundles>
// kernel: kernel.4.cloned.1.call-start
scs
__scs_entry_jumppad:
0x0: {  	(pc) =	sbr.rel $0x88, $3  }
0x1: {  	(tag) =	ssettag $0x0;
	lr =	simm.s32 $0x1  }
0x2: {  	[smem:$0x3F9F] =	sst lr;
	_ =	strace $0xD0000000  }
0x3: {  	_ = 	snop  }
0x4: {  	_ = 	snop  }
0x5: {  	_ = 	snop  }
0x6: {  	_ = 	snop  }
0x7: {  	_ = 	snop  }
__scs_overlays_trampoline_lowered:
0x8: {  	[smem:$0x3FAE] =	sst s0  }
0x9: {  	[smem:$0x3FAF] =	sst s1  }
0xa: {  	[smem:$0x3FB0] =	sst s2  }
0xb: {  	[smem:$0x3FB1] =	sst s3  }
0xc: {  	[smem:$0x3FB2] =	sst s4  }
0xd: {  	[smem:$0x3FB3] =	sst s5  }
0xe: {  	[smem:$0x3FB4] =	sst s6  }
0xf: {  	[smem:$0x3FB5] =	sst s7  }
0x10: {  	[smem:$0x3FB6] =	sst s8  }
0x11: {  	[smem:$0x3FB7] =	sst s9;
	s0 =	simm.s32 @!p0 $0x0  }
0x12: {  	s1 =	sld [smem:$0x3F9D];
	s0 =	simm.s32 @p0 $0x1  }
0x13: {  	[smem:$0x3FB8] =	sst s0;
	s0 =	simm.s32 @!p1 $0x0  }
0x14: {  	s2 =	sld [smem:$0x3F9C];
	s0 =	simm.s32 @p1 $0x1  }
0x15: {  	[smem:$0x3FB9] =	sst s0;
	s0 =	simm.s32 @!p2 $0x0  }
0x16: {  	s3 =	sld [smem:$0x3FDB];
	s0 =	simm.s32 @p2 $0x1  }
0x17: {  	s4 =	simm.s32 $0x1BF5;
	[smem:$0x3FBB] =	sst s0  }
0x18: {  	s0 =	sld [smem:$0x3F9E];
	_ =	swait.ge [sflag:s4], $0x0  }
0x19: {  	s7 =	sld [smem:$0x3F9F]  }
0x1a: {  	s8 =	sadd.s32 $0xFFFFE003, lr  }
0x1b: {  	s9 =	sadd.s32 $0xFFFFFEF7, lr;
	s5 =	simm.s32 $0xFFFFFFFF;
	p2 =	slt.u32 s8, $0xFFFFF086  }
0x1c: {  	p1 =	slt.u32 s9, $0xF7A;
	s5 =	simm.s32 @!p2 $0x0  }
0x1d: {  	s5 =	simm.s32 @p1 $0x1;
	p0 =	seq.s32 s7, s2  }
0x1e: {  	s7 =	smul.u32 @!p0 $0xF7A, s2;
	p2 =	seq.s32 @!p0 s5, $0x0  }
0x1f: {  	s9 =	smul.u32 $0xF7A, s1;
	s8 =	simm.s32 @!p0 $0x1BF5;
	p2 =	por !p2, p0  }
0x20: {  	[sflag:s8] =	ssyncset.s32 @!p0 $0xFFFFF086;
	s6 =	sadd.s32 @!p0 s3, s7;
	s7 =	simm.s32 @!p0 $0x108  }
0x21: {  	s3 =	sadd.s32 s3, s9;
	s6 =	sadd.s32 @!p0 $0x88, s6;
	s7 =	simm.s32 @p2 $0x1082  }
0x22: {  	[simem:s7], [sflag:s8] =	dma.local @!p0 [hbm:s6], $0xF7A  }
0x23: {  	s9 =	sor.u32 $0xD0000000, s2;
	s6 =	simm.s32 $0x108;
	_ =	swait.ge @!p0 [sflag:s8], $0x0  }
0x24: {  	s3 =	sadd.s32 $0x88, s3;
	s6 =	simm.s32 @!p1 $0x1082;
	[sflag:s4] =	ssyncset.s32 $0xFFFFF086  }
0x25: {  	[simem:s6], [sflag:s4] =	dma.local [hbm:s3], $0xF7A  }
0x26: {  	[smem:$0x3F9F] =	sst s1;
	(tag) =	ssettag s2;
	_ =	strace s9  }
0x27: {  	s1 =	sld [smem:$0x3FAF]  }
0x28: {  	s2 =	sld [smem:$0x3FB0]  }
0x29: {  	s4 =	sld [smem:$0x3FB2]  }
0x2a: {  	p0 =	seq.s32 s5, $0x0;
	s5 =	sld [smem:$0x3FB3]  }
0x2b: {  	s6 =	sld [smem:$0x3FB4]  }
0x2c: {  	s7 =	sld [smem:$0x3FB5]  }
0x2d: {  	s3 =	simm.s32 $0x108;
	s8 =	sld [smem:$0x3FB6]  }
0x2e: {  	s3 =	simm.s32 @!p0 $0x1082;
	s9 =	sld [smem:$0x3FB7]  }
0x2f: {  	lr =	sadd.s32 s0, s3;
	s0 =	sld [smem:$0x3FAE]  }
0x30: {  	s3 =	sld [smem:$0x3FB1]  }
0x31: {  	[smem:$0x3FBA] =	sst s10  }
0x32: {  	s10 =	sld [smem:$0x3FB8];
	_ =	sdelay $0x3  }
0x33: {  	p0 =	seq.s32 s10, $0x1;
	s10 =	sld [smem:$0x3FBA];
	_ =	sdelay $0x3  }
0x34: {  	[smem:$0x3FBA] =	sst s10  }
0x35: {  	s10 =	sld [smem:$0x3FB9];
	_ =	sdelay $0x3  }
0x36: {  	p1 =	seq.s32 s10, $0x1;
	s10 =	sld [smem:$0x3FBA];
	_ =	sdelay $0x3  }
0x37: {  	[smem:$0x3FBA] =	sst s10  }
0x38: {  	s10 =	sld [smem:$0x3FBB]  }
0x39: {  	_ = 	snop;
	(pc) =	sbr.ind lr, $3  }
0x3a: {  	_ = 	snop  }
0x3b: {  	_ = 	snop  }
0x3c: {  	p2 =	seq.s32 s10, $0x1;
	s10 =	sld [smem:$0x3FBA]  }
0x3d: {  	_ =	shalt  }
0x3e: {  	_ =	shalt  }
0x3f: {  	_ =	shalt  }
0x40: {  	_ =	shalt  }
0x41: {  	_ =	shalt  }
0x42: {  	_ =	shalt  }
0x43: {  	_ =	shalt  }
0x44: {  	_ =	shalt  }
0x45: {  	_ =	shalt  }
0x46: {  	_ =	shalt  }
0x47: {  	_ =	shalt  }
0x48: {  	_ =	shalt  }
0x49: {  	_ =	shalt  }
0x4a: {  	_ =	shalt  }
0x4b: {  	_ =	shalt  }
0x4c: {  	_ =	shalt  }
0x4d: {  	_ =	shalt  }
0x4e: {  	_ =	shalt  }
0x4f: {  	_ =	shalt  }
0x50: {  	_ =	shalt  }
0x51: {  	_ =	shalt  }
0x52: {  	_ =	shalt  }
0x53: {  	_ =	shalt  }
0x54: {  	_ =	shalt  }
0x55: {  	_ =	shalt  }
0x56: {  	_ =	shalt  }
0x57: {  	_ =	shalt  }
0x58: {  	_ =	shalt  }
0x59: {  	_ =	shalt  }
0x5a: {  	_ =	shalt  }
0x5b: {  	_ =	shalt  }
0x5c: {  	_ =	shalt  }
0x5d: {  	_ =	shalt  }
0x5e: {  	_ =	shalt  }
0x5f: {  	_ =	shalt  }
0x60: {  	_ =	shalt  }
0x61: {  	_ =	shalt  }
0x62: {  	_ =	shalt  }
0x63: {  	_ =	shalt  }
0x64: {  	_ =	shalt  }
0x65: {  	_ =	shalt  }
0x66: {  	_ =	shalt  }
0x67: {  	_ =	shalt  }
0x68: {  	_ =	shalt  }
0x69: {  	_ =	shalt  }
0x6a: {  	_ =	shalt  }
0x6b: {  	_ =	shalt  }
0x6c: {  	_ =	shalt  }
0x6d: {  	_ =	shalt  }
0x6e: {  	_ =	shalt  }
0x6f: {  	_ =	shalt  }
0x70: {  	_ =	shalt  }
0x71: {  	_ =	shalt  }
0x72: {  	_ =	shalt  }
0x73: {  	_ =	shalt  }
0x74: {  	_ =	shalt  }
0x75: {  	_ =	shalt  }
0x76: {  	_ =	shalt  }
0x77: {  	_ =	shalt  }
0x78: {  	_ =	shalt  }
0x79: {  	_ =	shalt  }
0x7a: {  	_ =	shalt  }
0x7b: {  	_ =	shalt  }
0x7c: {  	_ =	shalt  }
0x7d: {  	_ =	shalt  }
0x7e: {  	_ =	shalt  }
0x7f: {  	_ =	shalt  }
0x80: {  	_ =	shalt  }
0x81: {  	_ =	shalt  }
0x82: {  	_ =	shalt  }
0x83: {  	_ =	shalt  }
0x84: {  	_ =	shalt  }
0x85: {  	_ =	shalt  }
0x86: {  	_ =	shalt  }
0x87: {  	_ =	shalt  }
.Lfunc_end0:
.L_simem_size_0:
called_computation_lowered:
.L_overlay_start_0:
0x88: {  	s2 =	sld [smem:$0x3FD9]  }
0x89: {  	s3 =	sld [smem:$0x3FFE];
	_ =	sdelay $0x1  }
0x8a: {  	s1 =	srdreg.scid  }
0x8b: {  	s0 =	sand.u32 $0x1, s1  }
0x8c: {  	s17 =	sshll.u32 s0, $0xA;
	s2 =	sadd.s32 s3, s2  }
0x8d: {  	s2 =	sadd.s32 s2, s17  }
0x8e: {  	[smem:$0x3FC6] =	sst s2  }
0x8f: {  	_ = 	snop  }
0x90: {  	s2 =	sld [smem:$0x3FC8]  }
0x91: {  	s18 =	sld [smem:$0x3FD0];
	(tm) =	ssettm $0x1  }
0x92: {  	s4 =	sld [smem:$0x3FFB];
	_ =	sdelay $0x3  }
0x93: {  	_ =	strace s4  }
0x94: {  	s4 =	sld [smem:$0x3FFC];
	_ =	sdelay $0x3  }
0x95: {  	_ =	strace s4  }
0x96: {  	s4 =	sld [smem:$0x3FFD];
	_ =	sdelay $0x3  }
0x97: {  	_ =	strace s4  }
0x98: {  	_ =	strace $0x8FFFFFFF  }
0x99: {  	s19 =	sld [smem:$0x3FDB];
	_ =	sdelay $0x1  }
0x9a: {  	s5 =	simm.s32 $_scs_section_size  }
0x9b: {  	s6 =	simm.s32 $_size__tile_overlayer_lowered;
	s7 =	simm.s32 $_tile_overlayer_lowered  }
0x9c: {  	s22 =	simm.s32 $0x1BFF;
	s21 =	sshll.u32 s7, $0x1;
	s4 =	sadd.s32 s5, s19  }
0x9d: {  	s8 =	simm.s32 $0x0;
	s20 =	sshll.u32 s6, $0x1;
	s6 =	sadd.s32 s21, s4  }
0x9e: {  	[timem:s8], [sflag:s22] =	dma.local [hbm:s6], s20  }
0x9f: {  	_ =	swait.ge [sflag:s22], s20  }
0xa0: {  	s5 =	ssub.s32 $0x0, s20;
	[sflag:s22] =	ssyncset.done $0x0  }
0xa1: {  	[sflag:s22] =	ssyncadd.s32 s5;
	_ =	sdelay $0x1  }
0xa2: {  	s23 =	simm.s32 $0x1B8B  }
0xa3: {  	_ =	swait.ge [sflag:s23], $0x1  }
0xa4: {  	[sflag:s23] =	ssyncset.done $0x0  }
0xa5: {  	s25 =	simm.s32 $0x1B8E;
	s24 =	sld [smem:$0x3FFE];
	[sflag:s23] =	ssyncadd.s32 $0xFFFFFFFF  }
0xa6: {  	s26 =	simm.s32 $execute0_lowered;
	[smem:$0x3FD2] =	sst s25  }
0xa7: {  	s6 =	sshll.u32 s26, $0x1;
	_ =	strace $0x80000046;
	[dreg:$0x1] =	wrdreg $0xFFFFFFFF  }
0xa8: {  	s28 =	simm.s32 $_size_execute0_lowered;
	s4 =	sadd.s32 s4, s6;
	[dreg:$0x0] =	wrdreg $0x0  }
0xa9: {  	s6 =	sshll.u32 s28, $0x1;
	[dreg:$0x2] =	wrdreg s4  }
0xaa: {  	[dreg:$0x3] =	wrdreg s6  }
0xab: {  	[dreg:$0x4] =	wrdreg $0xC0  }
0xac: {  	_ =	task [dreg:s8], $0x5FFFF  }
0xad: {  	[dreg:$0x1] =	wrdreg $0xFFFFFFFF  }
0xae: {  	[dreg:$0x0] =	wrdreg $0x60  }
0xaf: {  	[dreg:$0x2] =	wrdreg s24  }
0xb0: {  	[dreg:$0x3] =	wrdreg s2  }
0xb1: {  	[dreg:$0x4] =	wrdreg s18  }
0xb2: {  	[dreg:$0x5] =	wrdreg $0x9  }
0xb3: {  	_ =	task.clear_ibuf [dreg:s8], $0x6FFFF;
	_ =	strace $0x90000046  }
0xb4: {  	s29 =	simm.s32 $0x9;
	_ =	strace $0x80000048  }
0xb5: {  	_ =	swait.ge [sflag:s29], $0x1  }
0xb6: {  	[sflag:s29] =	ssyncadd.s32 $0xFFFFFFFF  }
0xb7: {  	_ =	strace $0x90000048  }
0xb8: {  	_ =	sfence  }
0xb9: {  	s30 =	sld [smem:$0x0];
	_ =	sdelay $0x2  }
0xba: {  	s31 =	sshll.u32 s1, $0xD;
	s1 =	sshrl.u32 s1, $0x2  }
0xbb: {  	s3 =	sand.u32 $0x4000, s31;
	s1 =	sadd.s32 s1, s30  }
0xbc: {  	s0 =	sor.u32 s3, s0;
	s1 =	sshll.u32 s1, $0x11  }
0xbd: {  	s0 =	sor.u32 s1, s0  }
0xbe: {  	s0 =	sadd.s32 $0x8F2B, s0  }
0xbf: {  	[sflag:s0] =	ssyncadd.remote.s32 $0x1  }
0xc0: {  	_ =	sfence.sel $0xFFFF  }
0xc1: {  	[dreg:$0x0] =	wrdreg $0xFFFFFFFF;
	(pc) =	sbr.abs _section_cstart, $3  }
0xc2: {  	[dreg:$0x1] =	wrdreg $0xFFFFFFFF  }
0xc3: {  	_ =	task.clear_ibuf [dreg:s8], $0x2FFFF;
	_ =	strace $0x9FFFFFFF  }
0xc4: {  	(tm) =	ssettm $0x7FFFFFFF  }
0xc5: {  	_ =	shalt  }
tec
execute0_lowered:
.L_overlay_start_1:
0x0: {  	(tag) =	ssettag $0x1  }
0x1: {  	s4 =	rddreg [dreg:$0x0]  }
0x2: {  	s2 =	rddreg [dreg:$0x1];
	s1 =	srdreg.scid  }
0x3: {  	s0 =	stileid.u32;
	s6 =	rddreg [dreg:$0x2]  }
0x4: {  	s3 =	simm.s32 $0x0;
	s10 =	simm.s32 $0x80;
	s11 =	simm.s32 $0xD00  }
0x5: {  	s12 =	simm.s32 $0x4D00;
	s13 =	simm.s32 $0x1;
	s14 =	simm.s32 $0x8D00  }
0x6: {  	s15 =	simm.s32 $0x2;
	s16 =	simm.s32 $0xCD00;
	s17 =	simm.s32 $0x3  }
0x7: {  	s18 =	simm.s32 $0x4;
	s5 =	sand.u32 $0x1, s1;
	s7 =	sshll.u32 s0, $0x1  }
0x8: {  	s19 =	simm.s32 $0x5;
	s20 =	simm.s32 $0x0;
	s7 =	sor.u32 s5, s7  }
0x9: {  	s1 =	rddreg [dreg:$0x3];
	s5 =	ssub.s32 $0x2, s5;
	s8 =	smul.u32 $0x1A0, s7  }
0xa: {  	[smem:$0x7FF] =	sst s3;
	s9 =	sshrl.u32 s5, $0x1;
	s7 =	smul.u32 $0xD000, s7  }
0xb: {  	_ =	strace $0x80000047;
	s9 =	ssub.s32 s5, s9;
	s8 =	sadd.s32 s8, s4  }
0xc: {  	s4 =	sadd.s32 $0x600, s4;
	s6 =	sadd.s32 s6, s7;
	s7 =	smax.u32 s9, $0x1  }
0xd: {  	s9 =	simm.s32 $0x10D00;
	s5 =	sadd.s32 $0x800, s8;
	s8 =	simm.s32 $0x6  }
.LBB2_1:
0xe: {  	[tilespmem:s3], [sflag:$0x6] =	stream.linear.gather [hbm4b:s5+s3], $0xD00, $0x38;
	[tilespmem:$0x10D80] =	vst v63  }
0xf: {  	_ =	swait.ge [sflag:s8], $0xD00  }
0x10: {  	[sflag:s8] =	ssyncset.done $0x0  }
0x11: {  	[sflag:s8] =	ssyncadd.s32 $0xFFFFF300  }
0x12: {  	[tilespmem:s9], [sflag:$0x6] =	stream.linear.gather [hbm4b:s4+s3], $0x80, $0x38;
	[tilespmem:$0x10D80] =	vst v63  }
0x13: {  	_ =	swait.ge [sflag:s8], $0x80  }
0x14: {  	[sflag:s8] =	ssyncset.done $0x0  }
0x15: {  	[sflag:s8] =	ssyncadd.s32 $0xFFFFFF80  }
0x16: {  	v0 =	vld [tilespmem:$0x10D00];
	_ =	sdelay $0x4  }
0x17: {  	v0 =	vmax.f32 v0, $9.999999740e-06  }
0x18: {  	(erf) = vrcp.f32 v0;
	_ =	sdelay $0x8  }
0x19: {  	[tilespmem:s11], [sflag:$0x1] =	stream.indirect.gather [hbm4b:s2+s10], $0x80, s3, s10, $0xb8;
	v1 =	vpop (erf);
	[tilespmem:$0x10D80] =	vst v63  }
0x1a: {  	s21 =	simm.s32 $0x0;
	v1 =	vmul.f32 $1.270000000e+02, v1  }
0x1b: {  	[tilespmem:s12], [sflag:$0x2] =	stream.indirect.gather [hbm4b:s2+s10], $0x80, s10, s10, $0xb8;
	v0 =	vmul.f32 $7.874015710e-03, v0;
	[tilespmem:$0x10D80] =	vst v63  }
.LBB2_2:
0x1c: {  	_ =	swait.ge [sflag:s13], $0x4000;
	s22 =	sshll.u32 s21, $0xB  }
0x1d: {  	[sflag:s13] =	ssyncset.done $0x0;
	s22 =	sshra.s32 s22, $0x2  }
0x1e: {  	[sflag:s13] =	ssyncadd.s32 $0xFFFFC000;
	s23 =	sor.u32 $0x100, s22  }
0x1f: {  	[tilespmem:s14], [sflag:$0x3] =	stream.indirect.gather [hbm4b:s2+s10], $0x80, s23, s10, $0xb8;
	[tilespmem:$0x10D80] =	vst v63  }
0x20: {  	s23 =	simm.s32 $0xD80  }
0x21: {  	v2 =	vld [tilespmem:s23+$0xFFFFFF80]  }
0x22: {  	v3 =	vld [tilespmem:s23+$0xFFFFFF90]  }
0x23: {  	v4 =	vld [tilespmem:s23+$0xFFFFFFA0]  }
0x24: {  	v5 =	vld [tilespmem:s23+$0xFFFFFFF0]  }
0x25: {  	v6 =	vld [tilespmem:s23+$0xFFFFFFB0]  }
0x26: {  	v7 =	vld [tilespmem:s23+$0xFFFFFFC0]  }
0x27: {  	v8 =	vld [tilespmem:s23+$0xFFFFFFD0]  }
0x28: {  	v9 =	vld [tilespmem:s23+$0xFFFFFFE0];
	v2 =	vmul.f32 v2, v1  }
0x29: {  	v3 =	vmul.f32 v3, v1;
	v4 =	vmul.f32 v4, v1  }
0x2a: {  	v11 =	vld [tilespmem:s23+$0x0];
	v5 =	vmul.f32 v5, v1;
	v6 =	vmul.f32 v6, v1;
	v2 =	vadd.f32 $1.258291200e+07, v2  }
0x2b: {  	v7 =	vmul.f32 v7, v1;
	v3 =	vadd.f32 $1.258291200e+07, v3;
	v4 =	vadd.f32 $1.258291200e+07, v4  }
0x2c: {  	v8 =	vmul.f32 v8, v1;
	v10 =	vadd.f32 $-1.258291200e+07, v2;
	v2 =	vadd.f32 $1.258291200e+07, v5;
	v5 =	vld [tilespmem:s23+$0x10]  }
0x2d: {  	v9 =	vmul.f32 v9, v1;
	v6 =	vadd.f32 $1.258291200e+07, v6;
	v7 =	vadd.f32 $1.258291200e+07, v7  }
0x2e: {  	v12 =	vld [tilespmem:s23+$0x20];
	v8 =	vadd.f32 $1.258291200e+07, v8;
	v3 =	vadd.f32 $-1.258291200e+07, v3  }
0x2f: {  	v13 =	vld [tilespmem:s23+$0x30];
	v11 =	vmul.f32 v11, v1;
	v9 =	vadd.f32 $1.258291200e+07, v9;
	v4 =	vadd.f32 $-1.258291200e+07, v4  }
0x30: {  	v6 =	vadd.f32 $-1.258291200e+07, v6;
	v10 =	vmul.f32 v10, v0;
	v3 =	vmul.f32 v3, v0  }
0x31: {  	v14 =	vld [tilespmem:s23+$0x40];
	v7 =	vadd.f32 $-1.258291200e+07, v7;
	v4 =	vmul.f32 v4, v0;
	v5 =	vmul.f32 v5, v1  }
0x32: {  	v16 =	vld [tilespmem:s23+$0x50];
	v15 =	vmul.f32 v6, v0;
	v6 =	vadd.f32 $-1.258291200e+07, v8;
	v8 =	vadd.f32 $1.258291200e+07, v11;
	[tilespmem:s23+$0xFFFFFF80] =	vst v10  }
0x33: {  	v11 =	vmul.f32 v7, v0;
	v7 =	vadd.f32 $-1.258291200e+07, v9;
	[tilespmem:s23+$0xFFFFFF90] =	vst v3;
	v3 =	vld [tilespmem:s23+$0x60];
	v9 =	vadd.f32 $1.258291200e+07, v5  }
0x34: {  	v13 =	vmul.f32 v13, v1;
	v8 =	vadd.f32 $-1.258291200e+07, v8;
	v10 =	vmul.f32 v12, v1;
	[tilespmem:s23+$0xFFFFFFA0] =	vst v4;
	v4 =	vld [tilespmem:s23+$0x70]  }
0x35: {  	v5 =	vmul.f32 v6, v0;
	v6 =	vmul.f32 v7, v0;
	v12 =	vadd.f32 $-1.258291200e+07, v9  }
0x36: {  	[tilespmem:s23+$0xFFFFFFB0] =	vst v15;
	v7 =	vmul.f32 v8, v0;
	v9 =	vadd.f32 $1.258291200e+07, v10;
	v10 =	vmul.f32 v14, v1  }
0x37: {  	s24 =	simm.s32 $0x0;
	s25 =	simm.s32 $0xE80;
	[tilespmem:s23+$0xFFFFFFC0] =	vst v11;
	v11 =	vadd.f32 $1.258291200e+07, v13;
	v8 =	vmul.f32 v12, v0;
	v12 =	vmul.f32 v16, v1  }
.LBB2_3:
0x38: {  	v13 =	vld [tilespmem:s25+$0xFFFFFF80];
	[tilespmem:s23+$0xFFFFFFD0] =	vst v5;
	v5 =	vadd.f32 $-1.258291200e+07, v9;
	v9 =	vadd.f32 $1.258291200e+07, v10;
	v3 =	vmul.f32 v3, v1  }
0x39: {  	v10 =	vld [tilespmem:s25+$0xFFFFFF90];
	[tilespmem:s23+$0xFFFFFFE0] =	vst v6;
	v6 =	vadd.f32 $-1.258291200e+07, v11;
	v11 =	vadd.f32 $1.258291200e+07, v12;
	v4 =	vmul.f32 v4, v1  }
0x3a: {  	v12 =	vld [tilespmem:s25+$0xFFFFFFA0];
	[tilespmem:s23+$0x0] =	vst v7;
	v5 =	vmul.f32 v5, v0;
	v7 =	vadd.f32 $-1.258291200e+07, v9;
	v3 =	vadd.f32 $1.258291200e+07, v3  }
0x3b: {  	v9 =	vld [tilespmem:s25+$0xFFFFFFF0];
	[tilespmem:s23+$0x10] =	vst v8;
	v6 =	vmul.f32 v6, v0;
	v8 =	vadd.f32 $-1.258291200e+07, v11;
	v4 =	vadd.f32 $1.258291200e+07, v4  }
0x3c: {  	v2 =	vadd.f32 $-1.258291200e+07, v2;
	[tilespmem:s23+$0x20] =	vst v5;
	v5 =	vmul.f32 v7, v0;
	v3 =	vadd.f32 $-1.258291200e+07, v3  }
0x3d: {  	v7 =	vmul.f32 v13, v1;
	v11 =	vld [tilespmem:s25+$0xFFFFFFB0];
	[tilespmem:s23+$0x30] =	vst v6;
	v6 =	vmul.f32 v8, v0;
	v4 =	vadd.f32 $-1.258291200e+07, v4  }
0x3e: {  	v8 =	vmul.f32 v10, v1;
	v10 =	vld [tilespmem:s25+$0xFFFFFFC0];
	[tilespmem:s23+$0x40] =	vst v5;
	v3 =	vmul.f32 v3, v0  }
0x3f: {  	v5 =	vadd.f32 $1.258291200e+07, v7;
	v7 =	vmul.f32 v12, v1;
	v12 =	vld [tilespmem:s25+$0xFFFFFFD0];
	[tilespmem:s23+$0x50] =	vst v6;
	v4 =	vmul.f32 v4, v0  }
0x40: {  	v13 =	vmul.f32 v2, v0;
	v6 =	vadd.f32 $1.258291200e+07, v8;
	v8 =	vld [tilespmem:s25+$0xFFFFFFE0];
	v9 =	vmul.f32 v9, v1;
	[tilespmem:s23+$0x60] =	vst v3  }
0x41: {  	v3 =	vadd.f32 $-1.258291200e+07, v5;
	v5 =	vadd.f32 $1.258291200e+07, v7;
	v7 =	vld [tilespmem:s25+$0x0];
	[tilespmem:s23+$0x70] =	vst v4  }
0x42: {  	v4 =	vadd.f32 $-1.258291200e+07, v6;
	v6 =	vmul.f32 v11, v1;
	v2 =	vadd.f32 $1.258291200e+07, v9;
	v9 =	vld [tilespmem:s25+$0x10];
	[tilespmem:s23+$0xFFFFFFF0] =	vst v13;
	s23 =	smov.u32 s25  }
0x43: {  	v3 =	vmul.f32 v3, v0;
	v5 =	vadd.f32 $-1.258291200e+07, v5;
	v10 =	vmul.f32 v10, v1  }
0x44: {  	v4 =	vmul.f32 v4, v0;
	v6 =	vadd.f32 $1.258291200e+07, v6;
	v11 =	vmul.f32 v12, v1  }
0x45: {  	v12 =	vmul.f32 v5, v0;
	v5 =	vadd.f32 $1.258291200e+07, v10;
	v8 =	vmul.f32 v8, v1;
	v10 =	vld [tilespmem:s25+$0x20]  }
0x46: {  	v6 =	vadd.f32 $-1.258291200e+07, v6;
	v11 =	vadd.f32 $1.258291200e+07, v11;
	v7 =	vmul.f32 v7, v1;
	v13 =	vld [tilespmem:s25+$0x30]  }
0x47: {  	s24 =	sadd.s32 $0x2, s24;
	v5 =	vadd.f32 $-1.258291200e+07, v5;
	v8 =	vadd.f32 $1.258291200e+07, v8;
	v9 =	vmul.f32 v9, v1;
	v14 =	vld [tilespmem:s25+$0x40]  }
0x48: {  	p0 =	slt.u32 s24, $0x7E;
	v15 =	vmul.f32 v6, v0;
	v6 =	vadd.f32 $-1.258291200e+07, v11;
	v7 =	vadd.f32 $1.258291200e+07, v7;
	v16 =	vld [tilespmem:s25+$0x50]  }
.Ltmp0:
0x49: {  	[tilespmem:s25+$0xFFFFFF80] =	vst v3;
	v11 =	vmul.f32 v5, v0;
	v8 =	vadd.f32 $-1.258291200e+07, v8;
	v9 =	vadd.f32 $1.258291200e+07, v9;
	v3 =	vld [tilespmem:s25+$0x60];
	(pc) =	sbr.rel @p0 .LBB2_3-.Ltmp0, $4  }
0x4a: {  	[tilespmem:s25+$0xFFFFFF90] =	vst v4;
	v5 =	vmul.f32 v6, v0;
	v7 =	vadd.f32 $-1.258291200e+07, v7;
	v10 =	vmul.f32 v10, v1;
	v4 =	vld [tilespmem:s25+$0x70]  }
0x4b: {  	[tilespmem:s25+$0xFFFFFFA0] =	vst v12;
	v6 =	vmul.f32 v8, v0;
	v8 =	vadd.f32 $-1.258291200e+07, v9;
	v12 =	vmul.f32 v13, v1  }
0x4c: {  	[tilespmem:s25+$0xFFFFFFB0] =	vst v15;
	v7 =	vmul.f32 v7, v0;
	v9 =	vadd.f32 $1.258291200e+07, v10;
	v10 =	vmul.f32 v14, v1  }
0x4d: {  	s25 =	sadd.s32 $0x100, s25;
	[tilespmem:s23+$0xFFFFFFC0] =	vst v11;
	v8 =	vmul.f32 v8, v0;
	v11 =	vadd.f32 $1.258291200e+07, v12;
	v12 =	vmul.f32 v16, v1  }
0x4e: {  	[tilespmem:s23+$0xFFFFFFD0] =	vst v5;
	v5 =	vadd.f32 $-1.258291200e+07, v9;
	v9 =	vadd.f32 $1.258291200e+07, v10  }
0x4f: {  	v3 =	vmul.f32 v3, v1;
	[tilespmem:s23+$0xFFFFFFE0] =	vst v6;
	v2 =	vadd.f32 $-1.258291200e+07, v2;
	v6 =	vadd.f32 $-1.258291200e+07, v11  }
0x50: {  	[tilespmem:s23+$0x0] =	vst v7;
	v10 =	vadd.f32 $1.258291200e+07, v12;
	v4 =	vmul.f32 v4, v1;
	v5 =	vmul.f32 v5, v0  }
0x51: {  	[tilespmem:s23+$0x10] =	vst v8;
	v7 =	vadd.f32 $-1.258291200e+07, v9;
	v3 =	vadd.f32 $1.258291200e+07, v3;
	v2 =	vmul.f32 v2, v0  }
0x52: {  	v6 =	vmul.f32 v6, v0;
	v8 =	vadd.f32 $-1.258291200e+07, v10;
	v4 =	vadd.f32 $1.258291200e+07, v4;
	[tilespmem:s23+$0x20] =	vst v5  }
0x53: {  	v5 =	vmul.f32 v7, v0;
	v3 =	vadd.f32 $-1.258291200e+07, v3;
	[tilespmem:s23+$0xFFFFFFF0] =	vst v2  }
0x54: {  	[tilespmem:s23+$0x30] =	vst v6;
	v6 =	vmul.f32 v8, v0;
	v4 =	vadd.f32 $-1.258291200e+07, v4  }
0x55: {  	[tilespmem:s23+$0x40] =	vst v5;
	v3 =	vmul.f32 v3, v0  }
0x56: {  	[tilespmem:s23+$0x50] =	vst v6;
	v4 =	vmul.f32 v4, v0  }
0x57: {  	[tilespmem:s23+$0x60] =	vst v3  }
0x58: {  	[tilespmem:s23+$0x70] =	vst v4  }
0x59: {  	_ =	swait.ge [sflag:s15], $0x4000  }
0x5a: {  	[sflag:s15] =	ssyncset.done $0x0  }
0x5b: {  	s31 =	sadd.s32 $0x180, s22;
	s23 =	simm.s32 $0x4D80;
	[sflag:s15] =	ssyncadd.s32 $0xFFFFC000  }
0x5c: {  	[tilespmem:s16], [sflag:$0x4] =	stream.indirect.gather [hbm4b:s2+s10], $0x80, s31, s10, $0xb8;
	[tilespmem:$0x10D80] =	vst v63  }
0x5d: {  	v2 =	vld [tilespmem:s23+$0xFFFFFF80]  }
0x5e: {  	v3 =	vld [tilespmem:s23+$0xFFFFFF90]  }
0x5f: {  	v4 =	vld [tilespmem:s23+$0xFFFFFFA0]  }
0x60: {  	v5 =	vld [tilespmem:s23+$0xFFFFFFF0]  }
0x61: {  	v6 =	vld [tilespmem:s23+$0xFFFFFFB0]  }
0x62: {  	v7 =	vld [tilespmem:s23+$0xFFFFFFC0]  }
0x63: {  	v8 =	vld [tilespmem:s23+$0xFFFFFFD0]  }
0x64: {  	v9 =	vld [tilespmem:s23+$0xFFFFFFE0];
	v2 =	vmul.f32 v2, v1  }
0x65: {  	v3 =	vmul.f32 v3, v1;
	v4 =	vmul.f32 v4, v1  }
0x66: {  	v11 =	vld [tilespmem:s23+$0x0];
	v5 =	vmul.f32 v5, v1;
	v6 =	vmul.f32 v6, v1;
	v2 =	vadd.f32 $1.258291200e+07, v2  }
0x67: {  	v7 =	vmul.f32 v7, v1;
	v3 =	vadd.f32 $1.258291200e+07, v3;
	v4 =	vadd.f32 $1.258291200e+07, v4  }
0x68: {  	v8 =	vmul.f32 v8, v1;
	v10 =	vadd.f32 $-1.258291200e+07, v2;
	v2 =	vadd.f32 $1.258291200e+07, v5;
	v5 =	vld [tilespmem:s23+$0x10]  }
0x69: {  	v9 =	vmul.f32 v9, v1;
	v6 =	vadd.f32 $1.258291200e+07, v6;
	v7 =	vadd.f32 $1.258291200e+07, v7  }
0x6a: {  	v12 =	vld [tilespmem:s23+$0x20];
	v8 =	vadd.f32 $1.258291200e+07, v8;
	v3 =	vadd.f32 $-1.258291200e+07, v3  }
0x6b: {  	v13 =	vld [tilespmem:s23+$0x30];
	v11 =	vmul.f32 v11, v1;
	v9 =	vadd.f32 $1.258291200e+07, v9;
	v4 =	vadd.f32 $-1.258291200e+07, v4  }
0x6c: {  	v6 =	vadd.f32 $-1.258291200e+07, v6;
	v10 =	vmul.f32 v10, v0;
	v3 =	vmul.f32 v3, v0  }
0x6d: {  	v14 =	vld [tilespmem:s23+$0x40];
	v7 =	vadd.f32 $-1.258291200e+07, v7;
	v4 =	vmul.f32 v4, v0;
	v5 =	vmul.f32 v5, v1  }
0x6e: {  	v16 =	vld [tilespmem:s23+$0x50];
	v15 =	vmul.f32 v6, v0;
	v6 =	vadd.f32 $-1.258291200e+07, v8;
	v8 =	vadd.f32 $1.258291200e+07, v11;
	[tilespmem:s23+$0xFFFFFF80] =	vst v10  }
0x6f: {  	v11 =	vmul.f32 v7, v0;
	v7 =	vadd.f32 $-1.258291200e+07, v9;
	[tilespmem:s23+$0xFFFFFF90] =	vst v3;
	v3 =	vld [tilespmem:s23+$0x60];
	v9 =	vadd.f32 $1.258291200e+07, v5  }
0x70: {  	v13 =	vmul.f32 v13, v1;
	v8 =	vadd.f32 $-1.258291200e+07, v8;
	v10 =	vmul.f32 v12, v1;
	[tilespmem:s23+$0xFFFFFFA0] =	vst v4;
	v4 =	vld [tilespmem:s23+$0x70]  }
0x71: {  	v5 =	vmul.f32 v6, v0;
	v6 =	vmul.f32 v7, v0;
	v12 =	vadd.f32 $-1.258291200e+07, v9  }
0x72: {  	[tilespmem:s23+$0xFFFFFFB0] =	vst v15;
	v7 =	vmul.f32 v8, v0;
	v9 =	vadd.f32 $1.258291200e+07, v10;
	v10 =	vmul.f32 v14, v1  }
0x73: {  	s24 =	simm.s32 $0x0;
	s25 =	simm.s32 $0x4E80;
	[tilespmem:s23+$0xFFFFFFC0] =	vst v11;
	v11 =	vadd.f32 $1.258291200e+07, v13;
	v8 =	vmul.f32 v12, v0;
	v12 =	vmul.f32 v16, v1  }
.LBB2_5:
0x74: {  	v13 =	vld [tilespmem:s25+$0xFFFFFF80];
	[tilespmem:s23+$0xFFFFFFD0] =	vst v5;
	v5 =	vadd.f32 $-1.258291200e+07, v9;
	v9 =	vadd.f32 $1.258291200e+07, v10;
	v3 =	vmul.f32 v3, v1  }
0x75: {  	v10 =	vld [tilespmem:s25+$0xFFFFFF90];
	[tilespmem:s23+$0xFFFFFFE0] =	vst v6;
	v6 =	vadd.f32 $-1.258291200e+07, v11;
	v11 =	vadd.f32 $1.258291200e+07, v12;
	v4 =	vmul.f32 v4, v1  }
0x76: {  	v12 =	vld [tilespmem:s25+$0xFFFFFFA0];
	[tilespmem:s23+$0x0] =	vst v7;
	v5 =	vmul.f32 v5, v0;
	v7 =	vadd.f32 $-1.258291200e+07, v9;
	v3 =	vadd.f32 $1.258291200e+07, v3  }
0x77: {  	v9 =	vld [tilespmem:s25+$0xFFFFFFF0];
	[tilespmem:s23+$0x10] =	vst v8;
	v6 =	vmul.f32 v6, v0;
	v8 =	vadd.f32 $-1.258291200e+07, v11;
	v4 =	vadd.f32 $1.258291200e+07, v4  }
0x78: {  	v2 =	vadd.f32 $-1.258291200e+07, v2;
	[tilespmem:s23+$0x20] =	vst v5;
	v5 =	vmul.f32 v7, v0;
	v3 =	vadd.f32 $-1.258291200e+07, v3  }
0x79: {  	v7 =	vmul.f32 v13, v1;
	v11 =	vld [tilespmem:s25+$0xFFFFFFB0];
	[tilespmem:s23+$0x30] =	vst v6;
	v6 =	vmul.f32 v8, v0;
	v4 =	vadd.f32 $-1.258291200e+07, v4  }
0x7a: {  	v8 =	vmul.f32 v10, v1;
	v10 =	vld [tilespmem:s25+$0xFFFFFFC0];
	[tilespmem:s23+$0x40] =	vst v5;
	v3 =	vmul.f32 v3, v0  }
0x7b: {  	v5 =	vadd.f32 $1.258291200e+07, v7;
	v7 =	vmul.f32 v12, v1;
	v12 =	vld [tilespmem:s25+$0xFFFFFFD0];
	[tilespmem:s23+$0x50] =	vst v6;
	v4 =	vmul.f32 v4, v0  }
0x7c: {  	v13 =	vmul.f32 v2, v0;
	v6 =	vadd.f32 $1.258291200e+07, v8;
	v8 =	vld [tilespmem:s25+$0xFFFFFFE0];
	v9 =	vmul.f32 v9, v1;
	[tilespmem:s23+$0x60] =	vst v3  }
0x7d: {  	v3 =	vadd.f32 $-1.258291200e+07, v5;
	v5 =	vadd.f32 $1.258291200e+07, v7;
	v7 =	vld [tilespmem:s25+$0x0];
	[tilespmem:s23+$0x70] =	vst v4  }
0x7e: {  	v4 =	vadd.f32 $-1.258291200e+07, v6;
	v6 =	vmul.f32 v11, v1;
	v2 =	vadd.f32 $1.258291200e+07, v9;
	v9 =	vld [tilespmem:s25+$0x10];
	[tilespmem:s23+$0xFFFFFFF0] =	vst v13;
	s23 =	smov.u32 s25  }
0x7f: {  	v3 =	vmul.f32 v3, v0;
	v5 =	vadd.f32 $-1.258291200e+07, v5;
	v10 =	vmul.f32 v10, v1  }
0x80: {  	v4 =	vmul.f32 v4, v0;
	v6 =	vadd.f32 $1.258291200e+07, v6;
	v11 =	vmul.f32 v12, v1  }
0x81: {  	v12 =	vmul.f32 v5, v0;
	v5 =	vadd.f32 $1.258291200e+07, v10;
	v8 =	vmul.f32 v8, v1;
	v10 =	vld [tilespmem:s25+$0x20]  }
0x82: {  	v6 =	vadd.f32 $-1.258291200e+07, v6;
	v11 =	vadd.f32 $1.258291200e+07, v11;
	v7 =	vmul.f32 v7, v1;
	v13 =	vld [tilespmem:s25+$0x30]  }
0x83: {  	s24 =	sadd.s32 $0x2, s24;
	v5 =	vadd.f32 $-1.258291200e+07, v5;
	v8 =	vadd.f32 $1.258291200e+07, v8;
	v9 =	vmul.f32 v9, v1;
	v14 =	vld [tilespmem:s25+$0x40]  }
0x84: {  	p0 =	slt.u32 s24, $0x7E;
	v15 =	vmul.f32 v6, v0;
	v6 =	vadd.f32 $-1.258291200e+07, v11;
	v7 =	vadd.f32 $1.258291200e+07, v7;
	v16 =	vld [tilespmem:s25+$0x50]  }
.Ltmp1:
0x85: {  	[tilespmem:s25+$0xFFFFFF80] =	vst v3;
	v11 =	vmul.f32 v5, v0;
	v8 =	vadd.f32 $-1.258291200e+07, v8;
	v9 =	vadd.f32 $1.258291200e+07, v9;
	v3 =	vld [tilespmem:s25+$0x60];
	(pc) =	sbr.rel @p0 .LBB2_5-.Ltmp1, $4  }
0x86: {  	[tilespmem:s25+$0xFFFFFF90] =	vst v4;
	v5 =	vmul.f32 v6, v0;
	v7 =	vadd.f32 $-1.258291200e+07, v7;
	v10 =	vmul.f32 v10, v1;
	v4 =	vld [tilespmem:s25+$0x70]  }
0x87: {  	[tilespmem:s25+$0xFFFFFFA0] =	vst v12;
	v6 =	vmul.f32 v8, v0;
	v8 =	vadd.f32 $-1.258291200e+07, v9;
	v12 =	vmul.f32 v13, v1  }
0x88: {  	[tilespmem:s25+$0xFFFFFFB0] =	vst v15;
	v7 =	vmul.f32 v7, v0;
	v9 =	vadd.f32 $1.258291200e+07, v10;
	v10 =	vmul.f32 v14, v1  }
0x89: {  	s25 =	sadd.s32 $0x100, s25;
	[tilespmem:s23+$0xFFFFFFC0] =	vst v11;
	v8 =	vmul.f32 v8, v0;
	v11 =	vadd.f32 $1.258291200e+07, v12;
	v12 =	vmul.f32 v16, v1  }
0x8a: {  	[tilespmem:s23+$0xFFFFFFD0] =	vst v5;
	v5 =	vadd.f32 $-1.258291200e+07, v9;
	v9 =	vadd.f32 $1.258291200e+07, v10  }
0x8b: {  	v3 =	vmul.f32 v3, v1;
	[tilespmem:s23+$0xFFFFFFE0] =	vst v6;
	v2 =	vadd.f32 $-1.258291200e+07, v2;
	v6 =	vadd.f32 $-1.258291200e+07, v11  }
0x8c: {  	[tilespmem:s23+$0x0] =	vst v7;
	v10 =	vadd.f32 $1.258291200e+07, v12;
	v4 =	vmul.f32 v4, v1;
	v5 =	vmul.f32 v5, v0  }
0x8d: {  	[tilespmem:s23+$0x10] =	vst v8;
	v7 =	vadd.f32 $-1.258291200e+07, v9;
	v3 =	vadd.f32 $1.258291200e+07, v3;
	v2 =	vmul.f32 v2, v0  }
0x8e: {  	v6 =	vmul.f32 v6, v0;
	v8 =	vadd.f32 $-1.258291200e+07, v10;
	v4 =	vadd.f32 $1.258291200e+07, v4;
	[tilespmem:s23+$0x20] =	vst v5  }
0x8f: {  	v5 =	vmul.f32 v7, v0;
	v3 =	vadd.f32 $-1.258291200e+07, v3;
	[tilespmem:s23+$0xFFFFFFF0] =	vst v2  }
0x90: {  	[tilespmem:s23+$0x30] =	vst v6;
	v6 =	vmul.f32 v8, v0;
	v4 =	vadd.f32 $-1.258291200e+07, v4  }
0x91: {  	[tilespmem:s23+$0x40] =	vst v5;
	v3 =	vmul.f32 v3, v0  }
0x92: {  	[tilespmem:s23+$0x50] =	vst v6;
	v4 =	vmul.f32 v4, v0  }
0x93: {  	[tilespmem:s23+$0x60] =	vst v3  }
0x94: {  	[tilespmem:s23+$0x70] =	vst v4  }
0x95: {  	_ =	swait.ge [sflag:s17], $0x4000  }
0x96: {  	[sflag:s17] =	ssyncset.done $0x0  }
0x97: {  	s31 =	sadd.s32 $0x200, s22;
	s23 =	simm.s32 $0x8D80;
	[sflag:s17] =	ssyncadd.s32 $0xFFFFC000  }
0x98: {  	[tilespmem:s11], [sflag:$0x1] =	stream.indirect.gather [hbm4b:s2+s10], $0x80, s31, s10, $0xb8;
	[tilespmem:$0x10D80] =	vst v63  }
0x99: {  	v2 =	vld [tilespmem:s23+$0xFFFFFF80]  }
0x9a: {  	v3 =	vld [tilespmem:s23+$0xFFFFFF90]  }
0x9b: {  	v4 =	vld [tilespmem:s23+$0xFFFFFFA0]  }
0x9c: {  	v5 =	vld [tilespmem:s23+$0xFFFFFFF0]  }
0x9d: {  	v6 =	vld [tilespmem:s23+$0xFFFFFFB0]  }
0x9e: {  	v7 =	vld [tilespmem:s23+$0xFFFFFFC0]  }
0x9f: {  	v8 =	vld [tilespmem:s23+$0xFFFFFFD0]  }
0xa0: {  	v9 =	vld [tilespmem:s23+$0xFFFFFFE0];
	v2 =	vmul.f32 v2, v1  }
0xa1: {  	v3 =	vmul.f32 v3, v1;
	v4 =	vmul.f32 v4, v1  }
0xa2: {  	v11 =	vld [tilespmem:s23+$0x0];
	v5 =	vmul.f32 v5, v1;
	v6 =	vmul.f32 v6, v1;
	v2 =	vadd.f32 $1.258291200e+07, v2  }
0xa3: {  	v7 =	vmul.f32 v7, v1;
	v3 =	vadd.f32 $1.258291200e+07, v3;
	v4 =	vadd.f32 $1.258291200e+07, v4  }
0xa4: {  	v8 =	vmul.f32 v8, v1;
	v10 =	vadd.f32 $-1.258291200e+07, v2;
	v2 =	vadd.f32 $1.258291200e+07, v5;
	v5 =	vld [tilespmem:s23+$0x10]  }
0xa5: {  	v9 =	vmul.f32 v9, v1;
	v6 =	vadd.f32 $1.258291200e+07, v6;
	v7 =	vadd.f32 $1.258291200e+07, v7  }
0xa6: {  	v12 =	vld [tilespmem:s23+$0x20];
	v8 =	vadd.f32 $1.258291200e+07, v8;
	v3 =	vadd.f32 $-1.258291200e+07, v3  }
0xa7: {  	v13 =	vld [tilespmem:s23+$0x30];
	v11 =	vmul.f32 v11, v1;
	v9 =	vadd.f32 $1.258291200e+07, v9;
	v4 =	vadd.f32 $-1.258291200e+07, v4  }
0xa8: {  	v6 =	vadd.f32 $-1.258291200e+07, v6;
	v10 =	vmul.f32 v10, v0;
	v3 =	vmul.f32 v3, v0  }
0xa9: {  	v14 =	vld [tilespmem:s23+$0x40];
	v7 =	vadd.f32 $-1.258291200e+07, v7;
	v4 =	vmul.f32 v4, v0;
	v5 =	vmul.f32 v5, v1  }
0xaa: {  	v16 =	vld [tilespmem:s23+$0x50];
	v15 =	vmul.f32 v6, v0;
	v6 =	vadd.f32 $-1.258291200e+07, v8;
	v8 =	vadd.f32 $1.258291200e+07, v11;
	[tilespmem:s23+$0xFFFFFF80] =	vst v10  }
0xab: {  	v11 =	vmul.f32 v7, v0;
	v7 =	vadd.f32 $-1.258291200e+07, v9;
	[tilespmem:s23+$0xFFFFFF90] =	vst v3;
	v3 =	vld [tilespmem:s23+$0x60];
	v9 =	vadd.f32 $1.258291200e+07, v5  }
0xac: {  	v13 =	vmul.f32 v13, v1;
	v8 =	vadd.f32 $-1.258291200e+07, v8;
	v10 =	vmul.f32 v12, v1;
	[tilespmem:s23+$0xFFFFFFA0] =	vst v4;
	v4 =	vld [tilespmem:s23+$0x70]  }
0xad: {  	v5 =	vmul.f32 v6, v0;
	v6 =	vmul.f32 v7, v0;
	v12 =	vadd.f32 $-1.258291200e+07, v9  }
0xae: {  	[tilespmem:s23+$0xFFFFFFB0] =	vst v15;
	v7 =	vmul.f32 v8, v0;
	v9 =	vadd.f32 $1.258291200e+07, v10;
	v10 =	vmul.f32 v14, v1  }
0xaf: {  	s24 =	simm.s32 $0x0;
	s25 =	simm.s32 $0x8E80;
	[tilespmem:s23+$0xFFFFFFC0] =	vst v11;
	v11 =	vadd.f32 $1.258291200e+07, v13;
	v8 =	vmul.f32 v12, v0;
	v12 =	vmul.f32 v16, v1  }
.LBB2_7:
0xb0: {  	v13 =	vld [tilespmem:s25+$0xFFFFFF80];
	[tilespmem:s23+$0xFFFFFFD0] =	vst v5;
	v5 =	vadd.f32 $-1.258291200e+07, v9;
	v9 =	vadd.f32 $1.258291200e+07, v10;
	v3 =	vmul.f32 v3, v1  }
0xb1: {  	v10 =	vld [tilespmem:s25+$0xFFFFFF90];
	[tilespmem:s23+$0xFFFFFFE0] =	vst v6;
	v6 =	vadd.f32 $-1.258291200e+07, v11;
	v11 =	vadd.f32 $1.258291200e+07, v12;
	v4 =	vmul.f32 v4, v1  }
0xb2: {  	v12 =	vld [tilespmem:s25+$0xFFFFFFA0];
	[tilespmem:s23+$0x0] =	vst v7;
	v5 =	vmul.f32 v5, v0;
	v7 =	vadd.f32 $-1.258291200e+07, v9;
	v3 =	vadd.f32 $1.258291200e+07, v3  }
0xb3: {  	v9 =	vld [tilespmem:s25+$0xFFFFFFF0];
	[tilespmem:s23+$0x10] =	vst v8;
	v6 =	vmul.f32 v6, v0;
	v8 =	vadd.f32 $-1.258291200e+07, v11;
	v4 =	vadd.f32 $1.258291200e+07, v4  }
0xb4: {  	v2 =	vadd.f32 $-1.258291200e+07, v2;
	[tilespmem:s23+$0x20] =	vst v5;
	v5 =	vmul.f32 v7, v0;
	v3 =	vadd.f32 $-1.258291200e+07, v3  }
0xb5: {  	v7 =	vmul.f32 v13, v1;
	v11 =	vld [tilespmem:s25+$0xFFFFFFB0];
	[tilespmem:s23+$0x30] =	vst v6;
	v6 =	vmul.f32 v8, v0;
	v4 =	vadd.f32 $-1.258291200e+07, v4  }
0xb6: {  	v8 =	vmul.f32 v10, v1;
	v10 =	vld [tilespmem:s25+$0xFFFFFFC0];
	[tilespmem:s23+$0x40] =	vst v5;
	v3 =	vmul.f32 v3, v0  }
0xb7: {  	v5 =	vadd.f32 $1.258291200e+07, v7;
	v7 =	vmul.f32 v12, v1;
	v12 =	vld [tilespmem:s25+$0xFFFFFFD0];
	[tilespmem:s23+$0x50] =	vst v6;
	v4 =	vmul.f32 v4, v0  }
0xb8: {  	v13 =	vmul.f32 v2, v0;
	v6 =	vadd.f32 $1.258291200e+07, v8;
	v8 =	vld [tilespmem:s25+$0xFFFFFFE0];
	v9 =	vmul.f32 v9, v1;
	[tilespmem:s23+$0x60] =	vst v3  }
0xb9: {  	v3 =	vadd.f32 $-1.258291200e+07, v5;
	v5 =	vadd.f32 $1.258291200e+07, v7;
	v7 =	vld [tilespmem:s25+$0x0];
	[tilespmem:s23+$0x70] =	vst v4  }
0xba: {  	v4 =	vadd.f32 $-1.258291200e+07, v6;
	v6 =	vmul.f32 v11, v1;
	v2 =	vadd.f32 $1.258291200e+07, v9;
	v9 =	vld [tilespmem:s25+$0x10];
	[tilespmem:s23+$0xFFFFFFF0] =	vst v13;
	s23 =	smov.u32 s25  }
0xbb: {  	v3 =	vmul.f32 v3, v0;
	v5 =	vadd.f32 $-1.258291200e+07, v5;
	v10 =	vmul.f32 v10, v1  }
0xbc: {  	v4 =	vmul.f32 v4, v0;
	v6 =	vadd.f32 $1.258291200e+07, v6;
	v11 =	vmul.f32 v12, v1  }
0xbd: {  	v12 =	vmul.f32 v5, v0;
	v5 =	vadd.f32 $1.258291200e+07, v10;
	v8 =	vmul.f32 v8, v1;
	v10 =	vld [tilespmem:s25+$0x20]  }
0xbe: {  	v6 =	vadd.f32 $-1.258291200e+07, v6;
	v11 =	vadd.f32 $1.258291200e+07, v11;
	v7 =	vmul.f32 v7, v1;
	v13 =	vld [tilespmem:s25+$0x30]  }
0xbf: {  	s24 =	sadd.s32 $0x2, s24;
	v5 =	vadd.f32 $-1.258291200e+07, v5;
	v8 =	vadd.f32 $1.258291200e+07, v8;
	v9 =	vmul.f32 v9, v1;
	v14 =	vld [tilespmem:s25+$0x40]  }
0xc0: {  	p0 =	slt.u32 s24, $0x7E;
	v15 =	vmul.f32 v6, v0;
	v6 =	vadd.f32 $-1.258291200e+07, v11;
	v7 =	vadd.f32 $1.258291200e+07, v7;
	v16 =	vld [tilespmem:s25+$0x50]  }
.Ltmp2:
0xc1: {  	[tilespmem:s25+$0xFFFFFF80] =	vst v3;
	v11 =	vmul.f32 v5, v0;
	v8 =	vadd.f32 $-1.258291200e+07, v8;
	v9 =	vadd.f32 $1.258291200e+07, v9;
	v3 =	vld [tilespmem:s25+$0x60];
	(pc) =	sbr.rel @p0 .LBB2_7-.Ltmp2, $4  }
0xc2: {  	[tilespmem:s25+$0xFFFFFF90] =	vst v4;
	v5 =	vmul.f32 v6, v0;
	v7 =	vadd.f32 $-1.258291200e+07, v7;
	v10 =	vmul.f32 v10, v1;
	v4 =	vld [tilespmem:s25+$0x70]  }
0xc3: {  	[tilespmem:s25+$0xFFFFFFA0] =	vst v12;
	v6 =	vmul.f32 v8, v0;
	v8 =	vadd.f32 $-1.258291200e+07, v9;
	v12 =	vmul.f32 v13, v1  }
0xc4: {  	[tilespmem:s25+$0xFFFFFFB0] =	vst v15;
	v7 =	vmul.f32 v7, v0;
	v9 =	vadd.f32 $1.258291200e+07, v10;
	v10 =	vmul.f32 v14, v1  }
0xc5: {  	s25 =	sadd.s32 $0x100, s25;
	[tilespmem:s23+$0xFFFFFFC0] =	vst v11;
	v8 =	vmul.f32 v8, v0;
	v11 =	vadd.f32 $1.258291200e+07, v12;
	v12 =	vmul.f32 v16, v1  }
0xc6: {  	[tilespmem:s23+$0xFFFFFFD0] =	vst v5;
	v5 =	vadd.f32 $-1.258291200e+07, v9;
	v9 =	vadd.f32 $1.258291200e+07, v10  }
0xc7: {  	v3 =	vmul.f32 v3, v1;
	[tilespmem:s23+$0xFFFFFFE0] =	vst v6;
	v2 =	vadd.f32 $-1.258291200e+07, v2;
	v6 =	vadd.f32 $-1.258291200e+07, v11  }
0xc8: {  	[tilespmem:s23+$0x0] =	vst v7;
	v10 =	vadd.f32 $1.258291200e+07, v12;
	v4 =	vmul.f32 v4, v1;
	v5 =	vmul.f32 v5, v0  }
0xc9: {  	[tilespmem:s23+$0x10] =	vst v8;
	v7 =	vadd.f32 $-1.258291200e+07, v9;
	v3 =	vadd.f32 $1.258291200e+07, v3;
	v2 =	vmul.f32 v2, v0  }
0xca: {  	v6 =	vmul.f32 v6, v0;
	v8 =	vadd.f32 $-1.258291200e+07, v10;
	v4 =	vadd.f32 $1.258291200e+07, v4;
	[tilespmem:s23+$0x20] =	vst v5  }
0xcb: {  	v5 =	vmul.f32 v7, v0;
	v3 =	vadd.f32 $-1.258291200e+07, v3;
	[tilespmem:s23+$0xFFFFFFF0] =	vst v2  }
0xcc: {  	[tilespmem:s23+$0x30] =	vst v6;
	v6 =	vmul.f32 v8, v0;
	v4 =	vadd.f32 $-1.258291200e+07, v4  }
0xcd: {  	[tilespmem:s23+$0x40] =	vst v5;
	v3 =	vmul.f32 v3, v0  }
0xce: {  	[tilespmem:s23+$0x50] =	vst v6;
	v4 =	vmul.f32 v4, v0  }
0xcf: {  	[tilespmem:s23+$0x60] =	vst v3  }
0xd0: {  	[tilespmem:s23+$0x70] =	vst v4  }
0xd1: {  	_ =	swait.ge [sflag:s18], $0x4000  }
0xd2: {  	[sflag:s18] =	ssyncset.done $0x0  }
0xd3: {  	s22 =	sadd.s32 $0x280, s22;
	[sflag:s18] =	ssyncadd.s32 $0xFFFFC000  }
0xd4: {  	[tilespmem:s12], [sflag:$0x2] =	stream.indirect.gather [hbm4b:s2+s10], $0x80, s22, s10, $0xb8;
	[tilespmem:$0x10D80] =	vst v63  }
0xd5: {  	s22 =	simm.s32 $0xCD80  }
0xd6: {  	v2 =	vld [tilespmem:s22+$0xFFFFFF80]  }
0xd7: {  	v3 =	vld [tilespmem:s22+$0xFFFFFF90]  }
0xd8: {  	v4 =	vld [tilespmem:s22+$0xFFFFFFA0]  }
0xd9: {  	v5 =	vld [tilespmem:s22+$0xFFFFFFF0]  }
0xda: {  	v6 =	vld [tilespmem:s22+$0xFFFFFFB0]  }
0xdb: {  	v7 =	vld [tilespmem:s22+$0xFFFFFFC0]  }
0xdc: {  	v8 =	vld [tilespmem:s22+$0xFFFFFFD0]  }
0xdd: {  	v9 =	vld [tilespmem:s22+$0xFFFFFFE0];
	v2 =	vmul.f32 v2, v1  }
0xde: {  	v3 =	vmul.f32 v3, v1;
	v4 =	vmul.f32 v4, v1  }
0xdf: {  	v11 =	vld [tilespmem:s22+$0x0];
	v5 =	vmul.f32 v5, v1;
	v6 =	vmul.f32 v6, v1;
	v2 =	vadd.f32 $1.258291200e+07, v2  }
0xe0: {  	v7 =	vmul.f32 v7, v1;
	v3 =	vadd.f32 $1.258291200e+07, v3;
	v4 =	vadd.f32 $1.258291200e+07, v4  }
0xe1: {  	v8 =	vmul.f32 v8, v1;
	v10 =	vadd.f32 $-1.258291200e+07, v2;
	v2 =	vadd.f32 $1.258291200e+07, v5;
	v5 =	vld [tilespmem:s22+$0x10]  }
0xe2: {  	v9 =	vmul.f32 v9, v1;
	v6 =	vadd.f32 $1.258291200e+07, v6;
	v7 =	vadd.f32 $1.258291200e+07, v7  }
0xe3: {  	v12 =	vld [tilespmem:s22+$0x20];
	v8 =	vadd.f32 $1.258291200e+07, v8;
	v3 =	vadd.f32 $-1.258291200e+07, v3  }
0xe4: {  	v13 =	vld [tilespmem:s22+$0x30];
	v11 =	vmul.f32 v11, v1;
	v9 =	vadd.f32 $1.258291200e+07, v9;
	v4 =	vadd.f32 $-1.258291200e+07, v4  }
0xe5: {  	v6 =	vadd.f32 $-1.258291200e+07, v6;
	v10 =	vmul.f32 v10, v0;
	v3 =	vmul.f32 v3, v0  }
0xe6: {  	v14 =	vld [tilespmem:s22+$0x40];
	v7 =	vadd.f32 $-1.258291200e+07, v7;
	v4 =	vmul.f32 v4, v0;
	v5 =	vmul.f32 v5, v1  }
0xe7: {  	v16 =	vld [tilespmem:s22+$0x50];
	v15 =	vmul.f32 v6, v0;
	v6 =	vadd.f32 $-1.258291200e+07, v8;
	v8 =	vadd.f32 $1.258291200e+07, v11;
	[tilespmem:s22+$0xFFFFFF80] =	vst v10  }
0xe8: {  	v11 =	vmul.f32 v7, v0;
	v7 =	vadd.f32 $-1.258291200e+07, v9;
	[tilespmem:s22+$0xFFFFFF90] =	vst v3;
	v3 =	vld [tilespmem:s22+$0x60];
	v9 =	vadd.f32 $1.258291200e+07, v5  }
0xe9: {  	v13 =	vmul.f32 v13, v1;
	v8 =	vadd.f32 $-1.258291200e+07, v8;
	v10 =	vmul.f32 v12, v1;
	[tilespmem:s22+$0xFFFFFFA0] =	vst v4;
	v4 =	vld [tilespmem:s22+$0x70]  }
0xea: {  	v5 =	vmul.f32 v6, v0;
	v6 =	vmul.f32 v7, v0;
	v12 =	vadd.f32 $-1.258291200e+07, v9  }
0xeb: {  	[tilespmem:s22+$0xFFFFFFB0] =	vst v15;
	v7 =	vmul.f32 v8, v0;
	v9 =	vadd.f32 $1.258291200e+07, v10;
	v10 =	vmul.f32 v14, v1  }
0xec: {  	s24 =	simm.s32 $0xCE80;
	s23 =	simm.s32 $0x0;
	[tilespmem:s22+$0xFFFFFFC0] =	vst v11;
	v11 =	vadd.f32 $1.258291200e+07, v13;
	v8 =	vmul.f32 v12, v0;
	v12 =	vmul.f32 v16, v1  }
.LBB2_9:
0xed: {  	v13 =	vld [tilespmem:s24+$0xFFFFFF80];
	[tilespmem:s22+$0xFFFFFFD0] =	vst v5;
	v5 =	vadd.f32 $-1.258291200e+07, v9;
	v9 =	vadd.f32 $1.258291200e+07, v10;
	v3 =	vmul.f32 v3, v1  }
0xee: {  	v10 =	vld [tilespmem:s24+$0xFFFFFF90];
	[tilespmem:s22+$0xFFFFFFE0] =	vst v6;
	v6 =	vadd.f32 $-1.258291200e+07, v11;
	v11 =	vadd.f32 $1.258291200e+07, v12;
	v4 =	vmul.f32 v4, v1  }
0xef: {  	v12 =	vld [tilespmem:s24+$0xFFFFFFA0];
	[tilespmem:s22+$0x0] =	vst v7;
	v5 =	vmul.f32 v5, v0;
	v7 =	vadd.f32 $-1.258291200e+07, v9;
	v3 =	vadd.f32 $1.258291200e+07, v3  }
0xf0: {  	v9 =	vld [tilespmem:s24+$0xFFFFFFF0];
	[tilespmem:s22+$0x10] =	vst v8;
	v6 =	vmul.f32 v6, v0;
	v8 =	vadd.f32 $-1.258291200e+07, v11;
	v4 =	vadd.f32 $1.258291200e+07, v4  }
0xf1: {  	v2 =	vadd.f32 $-1.258291200e+07, v2;
	[tilespmem:s22+$0x20] =	vst v5;
	v5 =	vmul.f32 v7, v0;
	v3 =	vadd.f32 $-1.258291200e+07, v3  }
0xf2: {  	v7 =	vmul.f32 v13, v1;
	v11 =	vld [tilespmem:s24+$0xFFFFFFB0];
	[tilespmem:s22+$0x30] =	vst v6;
	v6 =	vmul.f32 v8, v0;
	v4 =	vadd.f32 $-1.258291200e+07, v4  }
0xf3: {  	v8 =	vmul.f32 v10, v1;
	v10 =	vld [tilespmem:s24+$0xFFFFFFC0];
	[tilespmem:s22+$0x40] =	vst v5;
	v3 =	vmul.f32 v3, v0  }
0xf4: {  	v5 =	vadd.f32 $1.258291200e+07, v7;
	v7 =	vmul.f32 v12, v1;
	v12 =	vld [tilespmem:s24+$0xFFFFFFD0];
	[tilespmem:s22+$0x50] =	vst v6;
	v4 =	vmul.f32 v4, v0  }
0xf5: {  	v13 =	vmul.f32 v2, v0;
	v6 =	vadd.f32 $1.258291200e+07, v8;
	v8 =	vld [tilespmem:s24+$0xFFFFFFE0];
	v9 =	vmul.f32 v9, v1;
	[tilespmem:s22+$0x60] =	vst v3  }
0xf6: {  	v3 =	vadd.f32 $-1.258291200e+07, v5;
	v5 =	vadd.f32 $1.258291200e+07, v7;
	v7 =	vld [tilespmem:s24+$0x0];
	[tilespmem:s22+$0x70] =	vst v4  }
0xf7: {  	v4 =	vadd.f32 $-1.258291200e+07, v6;
	v6 =	vmul.f32 v11, v1;
	v2 =	vadd.f32 $1.258291200e+07, v9;
	v9 =	vld [tilespmem:s24+$0x10];
	[tilespmem:s22+$0xFFFFFFF0] =	vst v13;
	s22 =	smov.u32 s24  }
0xf8: {  	v3 =	vmul.f32 v3, v0;
	v5 =	vadd.f32 $-1.258291200e+07, v5;
	v10 =	vmul.f32 v10, v1  }
0xf9: {  	v4 =	vmul.f32 v4, v0;
	v6 =	vadd.f32 $1.258291200e+07, v6;
	v11 =	vmul.f32 v12, v1  }
0xfa: {  	v12 =	vmul.f32 v5, v0;
	v5 =	vadd.f32 $1.258291200e+07, v10;
	v8 =	vmul.f32 v8, v1;
	v10 =	vld [tilespmem:s24+$0x20]  }
0xfb: {  	v6 =	vadd.f32 $-1.258291200e+07, v6;
	v11 =	vadd.f32 $1.258291200e+07, v11;
	v7 =	vmul.f32 v7, v1;
	v13 =	vld [tilespmem:s24+$0x30]  }
0xfc: {  	s23 =	sadd.s32 $0x2, s23;
	v5 =	vadd.f32 $-1.258291200e+07, v5;
	v8 =	vadd.f32 $1.258291200e+07, v8;
	v9 =	vmul.f32 v9, v1;
	v14 =	vld [tilespmem:s24+$0x40]  }
0xfd: {  	p0 =	slt.u32 s23, $0x7E;
	v15 =	vmul.f32 v6, v0;
	v6 =	vadd.f32 $-1.258291200e+07, v11;
	v7 =	vadd.f32 $1.258291200e+07, v7;
	v16 =	vld [tilespmem:s24+$0x50]  }
.Ltmp3:
0xfe: {  	[tilespmem:s24+$0xFFFFFF80] =	vst v3;
	v11 =	vmul.f32 v5, v0;
	v8 =	vadd.f32 $-1.258291200e+07, v8;
	v9 =	vadd.f32 $1.258291200e+07, v9;
	v3 =	vld [tilespmem:s24+$0x60];
	(pc) =	sbr.rel @p0 .LBB2_9-.Ltmp3, $4  }
0xff: {  	[tilespmem:s24+$0xFFFFFF90] =	vst v4;
	v5 =	vmul.f32 v6, v0;
	v7 =	vadd.f32 $-1.258291200e+07, v7;
	v10 =	vmul.f32 v10, v1;
	v4 =	vld [tilespmem:s24+$0x70]  }
0x100: {  	[tilespmem:s24+$0xFFFFFFA0] =	vst v12;
	v6 =	vmul.f32 v8, v0;
	v8 =	vadd.f32 $-1.258291200e+07, v9;
	v12 =	vmul.f32 v13, v1  }
0x101: {  	[tilespmem:s24+$0xFFFFFFB0] =	vst v15;
	v7 =	vmul.f32 v7, v0;
	v9 =	vadd.f32 $1.258291200e+07, v10;
	v10 =	vmul.f32 v14, v1  }
0x102: {  	s24 =	sadd.s32 $0x100, s24;
	[tilespmem:s22+$0xFFFFFFC0] =	vst v11;
	v8 =	vmul.f32 v8, v0;
	v11 =	vadd.f32 $1.258291200e+07, v12;
	v12 =	vmul.f32 v16, v1  }
0x103: {  	[tilespmem:s22+$0xFFFFFFD0] =	vst v5;
	v56 =	vadd.f32 $-1.258291200e+07, v9;
	v57 =	vadd.f32 $1.258291200e+07, v10  }
0x104: {  	v3 =	vmul.f32 v3, v1;
	[tilespmem:s22+$0xFFFFFFE0] =	vst v6;
	v2 =	vadd.f32 $-1.258291200e+07, v2;
	v58 =	vadd.f32 $-1.258291200e+07, v11  }
0x105: {  	[tilespmem:s22+$0x0] =	vst v7;
	v59 =	vadd.f32 $1.258291200e+07, v12;
	v4 =	vmul.f32 v4, v1;
	v5 =	vmul.f32 v56, v0  }
0x106: {  	[tilespmem:s22+$0x10] =	vst v8;
	v60 =	vadd.f32 $-1.258291200e+07, v57;
	v3 =	vadd.f32 $1.258291200e+07, v3;
	v2 =	vmul.f32 v2, v0  }
0x107: {  	s21 =	sadd.s32 $0x1, s21;
	v6 =	vmul.f32 v58, v0;
	v61 =	vadd.f32 $-1.258291200e+07, v59;
	v4 =	vadd.f32 $1.258291200e+07, v4;
	[tilespmem:s22+$0x20] =	vst v5  }
0x108: {  	p0 =	sne.s32 s21, $0x6;
	v62 =	vmul.f32 v60, v0;
	v3 =	vadd.f32 $-1.258291200e+07, v3;
	[tilespmem:s22+$0xFFFFFFF0] =	vst v2  }
.Ltmp4:
0x109: {  	[tilespmem:s22+$0x30] =	vst v6;
	v63 =	vmul.f32 v61, v0;
	v4 =	vadd.f32 $-1.258291200e+07, v4;
	(pc) =	sbr.rel @p0 .LBB2_2-.Ltmp4, $4  }
0x10a: {  	[tilespmem:s22+$0x40] =	vst v62;
	v3 =	vmul.f32 v3, v0  }
0x10b: {  	[tilespmem:s22+$0x50] =	vst v63;
	v4 =	vmul.f32 v4, v0  }
0x10c: {  	[tilespmem:s22+$0x60] =	vst v3  }
0x10d: {  	[tilespmem:s22+$0x70] =	vst v4  }
0x10e: {  	_ =	swait.ge [sflag:s13], $0x4000  }
0x10f: {  	[sflag:s13] =	ssyncset.done $0x0  }
0x110: {  	s21 =	simm.s32 $0xD80;
	[sflag:s13] =	ssyncadd.s32 $0xFFFFC000  }
0x111: {  	v2 =	vld [tilespmem:s21+$0xFFFFFF80]  }
0x112: {  	v3 =	vld [tilespmem:s21+$0xFFFFFF90]  }
0x113: {  	v4 =	vld [tilespmem:s21+$0xFFFFFFA0]  }
0x114: {  	v5 =	vld [tilespmem:s21+$0xFFFFFFF0]  }
0x115: {  	v6 =	vld [tilespmem:s21+$0xFFFFFFB0]  }
0x116: {  	v7 =	vld [tilespmem:s21+$0xFFFFFFC0]  }
0x117: {  	v8 =	vld [tilespmem:s21+$0xFFFFFFD0]  }
0x118: {  	v9 =	vld [tilespmem:s21+$0xFFFFFFE0];
	v2 =	vmul.f32 v2, v1  }
0x119: {  	v3 =	vmul.f32 v3, v1;
	v4 =	vmul.f32 v4, v1  }
0x11a: {  	v11 =	vld [tilespmem:s21+$0x0];
	v5 =	vmul.f32 v5, v1;
	v6 =	vmul.f32 v6, v1;
	v2 =	vadd.f32 $1.258291200e+07, v2  }
0x11b: {  	v7 =	vmul.f32 v7, v1;
	v3 =	vadd.f32 $1.258291200e+07, v3;
	v4 =	vadd.f32 $1.258291200e+07, v4  }
0x11c: {  	v8 =	vmul.f32 v8, v1;
	v10 =	vadd.f32 $-1.258291200e+07, v2;
	v2 =	vadd.f32 $1.258291200e+07, v5;
	v5 =	vld [tilespmem:s21+$0x10]  }
0x11d: {  	v9 =	vmul.f32 v9, v1;
	v6 =	vadd.f32 $1.258291200e+07, v6;
	v7 =	vadd.f32 $1.258291200e+07, v7  }
0x11e: {  	v12 =	vld [tilespmem:s21+$0x20];
	v8 =	vadd.f32 $1.258291200e+07, v8;
	v3 =	vadd.f32 $-1.258291200e+07, v3  }
0x11f: {  	v13 =	vld [tilespmem:s21+$0x30];
	v11 =	vmul.f32 v11, v1;
	v9 =	vadd.f32 $1.258291200e+07, v9;
	v4 =	vadd.f32 $-1.258291200e+07, v4  }
0x120: {  	v6 =	vadd.f32 $-1.258291200e+07, v6;
	v10 =	vmul.f32 v10, v0;
	v3 =	vmul.f32 v3, v0  }
0x121: {  	v14 =	vld [tilespmem:s21+$0x40];
	v7 =	vadd.f32 $-1.258291200e+07, v7;
	v4 =	vmul.f32 v4, v0;
	v5 =	vmul.f32 v5, v1  }
0x122: {  	v16 =	vld [tilespmem:s21+$0x50];
	v15 =	vmul.f32 v6, v0;
	v6 =	vadd.f32 $-1.258291200e+07, v8;
	v8 =	vadd.f32 $1.258291200e+07, v11;
	[tilespmem:s21+$0xFFFFFF80] =	vst v10  }
0x123: {  	v11 =	vmul.f32 v7, v0;
	v7 =	vadd.f32 $-1.258291200e+07, v9;
	[tilespmem:s21+$0xFFFFFF90] =	vst v3;
	v3 =	vld [tilespmem:s21+$0x60];
	v9 =	vadd.f32 $1.258291200e+07, v5  }
0x124: {  	v13 =	vmul.f32 v13, v1;
	v8 =	vadd.f32 $-1.258291200e+07, v8;
	v10 =	vmul.f32 v12, v1;
	[tilespmem:s21+$0xFFFFFFA0] =	vst v4;
	v4 =	vld [tilespmem:s21+$0x70]  }
0x125: {  	v5 =	vmul.f32 v6, v0;
	v6 =	vmul.f32 v7, v0;
	v12 =	vadd.f32 $-1.258291200e+07, v9  }
0x126: {  	[tilespmem:s21+$0xFFFFFFB0] =	vst v15;
	v7 =	vmul.f32 v8, v0;
	v9 =	vadd.f32 $1.258291200e+07, v10;
	v10 =	vmul.f32 v14, v1  }
0x127: {  	s22 =	simm.s32 $0x0;
	s23 =	simm.s32 $0xE80;
	[tilespmem:s21+$0xFFFFFFC0] =	vst v11;
	v11 =	vadd.f32 $1.258291200e+07, v13;
	v8 =	vmul.f32 v12, v0;
	v12 =	vmul.f32 v16, v1  }
.LBB2_12:
0x128: {  	v13 =	vld [tilespmem:s23+$0xFFFFFF80];
	[tilespmem:s21+$0xFFFFFFD0] =	vst v5;
	v5 =	vadd.f32 $-1.258291200e+07, v9;
	v9 =	vadd.f32 $1.258291200e+07, v10;
	v3 =	vmul.f32 v3, v1  }
0x129: {  	v10 =	vld [tilespmem:s23+$0xFFFFFF90];
	[tilespmem:s21+$0xFFFFFFE0] =	vst v6;
	v6 =	vadd.f32 $-1.258291200e+07, v11;
	v11 =	vadd.f32 $1.258291200e+07, v12;
	v4 =	vmul.f32 v4, v1  }
0x12a: {  	v12 =	vld [tilespmem:s23+$0xFFFFFFA0];
	[tilespmem:s21+$0x0] =	vst v7;
	v5 =	vmul.f32 v5, v0;
	v7 =	vadd.f32 $-1.258291200e+07, v9;
	v3 =	vadd.f32 $1.258291200e+07, v3  }
0x12b: {  	v9 =	vld [tilespmem:s23+$0xFFFFFFF0];
	[tilespmem:s21+$0x10] =	vst v8;
	v6 =	vmul.f32 v6, v0;
	v8 =	vadd.f32 $-1.258291200e+07, v11;
	v4 =	vadd.f32 $1.258291200e+07, v4  }
0x12c: {  	v2 =	vadd.f32 $-1.258291200e+07, v2;
	[tilespmem:s21+$0x20] =	vst v5;
	v5 =	vmul.f32 v7, v0;
	v3 =	vadd.f32 $-1.258291200e+07, v3  }
0x12d: {  	v7 =	vmul.f32 v13, v1;
	v11 =	vld [tilespmem:s23+$0xFFFFFFB0];
	[tilespmem:s21+$0x30] =	vst v6;
	v6 =	vmul.f32 v8, v0;
	v4 =	vadd.f32 $-1.258291200e+07, v4  }
0x12e: {  	v8 =	vmul.f32 v10, v1;
	v10 =	vld [tilespmem:s23+$0xFFFFFFC0];
	[tilespmem:s21+$0x40] =	vst v5;
	v3 =	vmul.f32 v3, v0  }
0x12f: {  	v5 =	vadd.f32 $1.258291200e+07, v7;
	v7 =	vmul.f32 v12, v1;
	v12 =	vld [tilespmem:s23+$0xFFFFFFD0];
	[tilespmem:s21+$0x50] =	vst v6;
	v4 =	vmul.f32 v4, v0  }
0x130: {  	v13 =	vmul.f32 v2, v0;
	v6 =	vadd.f32 $1.258291200e+07, v8;
	v8 =	vld [tilespmem:s23+$0xFFFFFFE0];
	v9 =	vmul.f32 v9, v1;
	[tilespmem:s21+$0x60] =	vst v3  }
0x131: {  	v3 =	vadd.f32 $-1.258291200e+07, v5;
	v5 =	vadd.f32 $1.258291200e+07, v7;
	v7 =	vld [tilespmem:s23+$0x0];
	[tilespmem:s21+$0x70] =	vst v4  }
0x132: {  	v4 =	vadd.f32 $-1.258291200e+07, v6;
	v6 =	vmul.f32 v11, v1;
	v2 =	vadd.f32 $1.258291200e+07, v9;
	v9 =	vld [tilespmem:s23+$0x10];
	[tilespmem:s21+$0xFFFFFFF0] =	vst v13;
	s21 =	smov.u32 s23  }
0x133: {  	v3 =	vmul.f32 v3, v0;
	v5 =	vadd.f32 $-1.258291200e+07, v5;
	v10 =	vmul.f32 v10, v1  }
0x134: {  	v4 =	vmul.f32 v4, v0;
	v6 =	vadd.f32 $1.258291200e+07, v6;
	v11 =	vmul.f32 v12, v1  }
0x135: {  	v12 =	vmul.f32 v5, v0;
	v5 =	vadd.f32 $1.258291200e+07, v10;
	v8 =	vmul.f32 v8, v1;
	v10 =	vld [tilespmem:s23+$0x20]  }
0x136: {  	v6 =	vadd.f32 $-1.258291200e+07, v6;
	v11 =	vadd.f32 $1.258291200e+07, v11;
	v7 =	vmul.f32 v7, v1;
	v13 =	vld [tilespmem:s23+$0x30]  }
0x137: {  	s22 =	sadd.s32 $0x2, s22;
	v5 =	vadd.f32 $-1.258291200e+07, v5;
	v8 =	vadd.f32 $1.258291200e+07, v8;
	v9 =	vmul.f32 v9, v1;
	v14 =	vld [tilespmem:s23+$0x40]  }
0x138: {  	p0 =	slt.u32 s22, $0x7E;
	v15 =	vmul.f32 v6, v0;
	v6 =	vadd.f32 $-1.258291200e+07, v11;
	v7 =	vadd.f32 $1.258291200e+07, v7;
	v16 =	vld [tilespmem:s23+$0x50]  }
.Ltmp5:
0x139: {  	[tilespmem:s23+$0xFFFFFF80] =	vst v3;
	v11 =	vmul.f32 v5, v0;
	v8 =	vadd.f32 $-1.258291200e+07, v8;
	v9 =	vadd.f32 $1.258291200e+07, v9;
	v3 =	vld [tilespmem:s23+$0x60];
	(pc) =	sbr.rel @p0 .LBB2_12-.Ltmp5, $4  }
0x13a: {  	[tilespmem:s23+$0xFFFFFF90] =	vst v4;
	v5 =	vmul.f32 v6, v0;
	v7 =	vadd.f32 $-1.258291200e+07, v7;
	v10 =	vmul.f32 v10, v1;
	v4 =	vld [tilespmem:s23+$0x70]  }
0x13b: {  	[tilespmem:s23+$0xFFFFFFA0] =	vst v12;
	v6 =	vmul.f32 v8, v0;
	v8 =	vadd.f32 $-1.258291200e+07, v9;
	v12 =	vmul.f32 v13, v1  }
0x13c: {  	[tilespmem:s23+$0xFFFFFFB0] =	vst v15;
	v7 =	vmul.f32 v7, v0;
	v9 =	vadd.f32 $1.258291200e+07, v10;
	v10 =	vmul.f32 v14, v1  }
0x13d: {  	s23 =	sadd.s32 $0x100, s23;
	[tilespmem:s21+$0xFFFFFFC0] =	vst v11;
	v8 =	vmul.f32 v8, v0;
	v11 =	vadd.f32 $1.258291200e+07, v12;
	v12 =	vmul.f32 v16, v1  }
0x13e: {  	[tilespmem:s21+$0xFFFFFFD0] =	vst v5;
	v5 =	vadd.f32 $-1.258291200e+07, v9;
	v9 =	vadd.f32 $1.258291200e+07, v10  }
0x13f: {  	v3 =	vmul.f32 v3, v1;
	[tilespmem:s21+$0xFFFFFFE0] =	vst v6;
	v2 =	vadd.f32 $-1.258291200e+07, v2;
	v6 =	vadd.f32 $-1.258291200e+07, v11  }
0x140: {  	[tilespmem:s21+$0x0] =	vst v7;
	v10 =	vadd.f32 $1.258291200e+07, v12;
	v4 =	vmul.f32 v4, v1;
	v5 =	vmul.f32 v5, v0  }
0x141: {  	[tilespmem:s21+$0x10] =	vst v8;
	v7 =	vadd.f32 $-1.258291200e+07, v9;
	v3 =	vadd.f32 $1.258291200e+07, v3;
	v2 =	vmul.f32 v2, v0  }
0x142: {  	v6 =	vmul.f32 v6, v0;
	v8 =	vadd.f32 $-1.258291200e+07, v10;
	v4 =	vadd.f32 $1.258291200e+07, v4;
	[tilespmem:s21+$0x20] =	vst v5  }
0x143: {  	v5 =	vmul.f32 v7, v0;
	v3 =	vadd.f32 $-1.258291200e+07, v3;
	[tilespmem:s21+$0xFFFFFFF0] =	vst v2  }
0x144: {  	[tilespmem:s21+$0x30] =	vst v6;
	v6 =	vmul.f32 v8, v0;
	v4 =	vadd.f32 $-1.258291200e+07, v4  }
0x145: {  	[tilespmem:s21+$0x40] =	vst v5;
	v3 =	vmul.f32 v3, v0  }
0x146: {  	[tilespmem:s21+$0x50] =	vst v6;
	v4 =	vmul.f32 v4, v0  }
0x147: {  	[tilespmem:s21+$0x60] =	vst v3  }
0x148: {  	[tilespmem:s21+$0x70] =	vst v4  }
0x149: {  	_ =	swait.ge [sflag:s15], $0x4000  }
0x14a: {  	[sflag:s15] =	ssyncset.done $0x0  }
0x14b: {  	s21 =	simm.s32 $0x4D80;
	[sflag:s15] =	ssyncadd.s32 $0xFFFFC000  }
0x14c: {  	v2 =	vld [tilespmem:s21+$0xFFFFFF80]  }
0x14d: {  	v3 =	vld [tilespmem:s21+$0xFFFFFF90]  }
0x14e: {  	v4 =	vld [tilespmem:s21+$0xFFFFFFA0]  }
0x14f: {  	v5 =	vld [tilespmem:s21+$0xFFFFFFF0]  }
0x150: {  	v6 =	vld [tilespmem:s21+$0xFFFFFFB0]  }
0x151: {  	v7 =	vld [tilespmem:s21+$0xFFFFFFC0]  }
0x152: {  	v8 =	vld [tilespmem:s21+$0xFFFFFFD0]  }
0x153: {  	v9 =	vld [tilespmem:s21+$0xFFFFFFE0];
	v2 =	vmul.f32 v2, v1  }
0x154: {  	v3 =	vmul.f32 v3, v1;
	v4 =	vmul.f32 v4, v1  }
0x155: {  	v11 =	vld [tilespmem:s21+$0x0];
	v5 =	vmul.f32 v5, v1;
	v6 =	vmul.f32 v6, v1;
	v2 =	vadd.f32 $1.258291200e+07, v2  }
0x156: {  	v7 =	vmul.f32 v7, v1;
	v3 =	vadd.f32 $1.258291200e+07, v3;
	v4 =	vadd.f32 $1.258291200e+07, v4  }
0x157: {  	v8 =	vmul.f32 v8, v1;
	v10 =	vadd.f32 $-1.258291200e+07, v2;
	v2 =	vadd.f32 $1.258291200e+07, v5;
	v5 =	vld [tilespmem:s21+$0x10]  }
0x158: {  	v9 =	vmul.f32 v9, v1;
	v6 =	vadd.f32 $1.258291200e+07, v6;
	v7 =	vadd.f32 $1.258291200e+07, v7  }
0x159: {  	v12 =	vld [tilespmem:s21+$0x20];
	v8 =	vadd.f32 $1.258291200e+07, v8;
	v3 =	vadd.f32 $-1.258291200e+07, v3  }
0x15a: {  	v13 =	vld [tilespmem:s21+$0x30];
	v11 =	vmul.f32 v11, v1;
	v9 =	vadd.f32 $1.258291200e+07, v9;
	v4 =	vadd.f32 $-1.258291200e+07, v4  }
0x15b: {  	v6 =	vadd.f32 $-1.258291200e+07, v6;
	v10 =	vmul.f32 v10, v0;
	v3 =	vmul.f32 v3, v0  }
0x15c: {  	v14 =	vld [tilespmem:s21+$0x40];
	v7 =	vadd.f32 $-1.258291200e+07, v7;
	v4 =	vmul.f32 v4, v0;
	v5 =	vmul.f32 v5, v1  }
0x15d: {  	v16 =	vld [tilespmem:s21+$0x50];
	v15 =	vmul.f32 v6, v0;
	v6 =	vadd.f32 $-1.258291200e+07, v8;
	v8 =	vadd.f32 $1.258291200e+07, v11;
	[tilespmem:s21+$0xFFFFFF80] =	vst v10  }
0x15e: {  	v11 =	vmul.f32 v7, v0;
	v7 =	vadd.f32 $-1.258291200e+07, v9;
	[tilespmem:s21+$0xFFFFFF90] =	vst v3;
	v3 =	vld [tilespmem:s21+$0x60];
	v9 =	vadd.f32 $1.258291200e+07, v5  }
0x15f: {  	v13 =	vmul.f32 v13, v1;
	v8 =	vadd.f32 $-1.258291200e+07, v8;
	v10 =	vmul.f32 v12, v1;
	[tilespmem:s21+$0xFFFFFFA0] =	vst v4;
	v4 =	vld [tilespmem:s21+$0x70]  }
0x160: {  	v5 =	vmul.f32 v6, v0;
	v6 =	vmul.f32 v7, v0;
	v12 =	vadd.f32 $-1.258291200e+07, v9  }
0x161: {  	[tilespmem:s21+$0xFFFFFFB0] =	vst v15;
	v7 =	vmul.f32 v8, v0;
	v9 =	vadd.f32 $1.258291200e+07, v10;
	v10 =	vmul.f32 v14, v1  }
0x162: {  	s22 =	simm.s32 $0x0;
	s23 =	simm.s32 $0x4E80;
	[tilespmem:s21+$0xFFFFFFC0] =	vst v11;
	v11 =	vadd.f32 $1.258291200e+07, v13;
	v8 =	vmul.f32 v12, v0;
	v12 =	vmul.f32 v16, v1  }
.LBB2_14:
0x163: {  	v13 =	vld [tilespmem:s23+$0xFFFFFF80];
	[tilespmem:s21+$0xFFFFFFD0] =	vst v5;
	v5 =	vadd.f32 $-1.258291200e+07, v9;
	v9 =	vadd.f32 $1.258291200e+07, v10;
	v3 =	vmul.f32 v3, v1  }
0x164: {  	v10 =	vld [tilespmem:s23+$0xFFFFFF90];
	[tilespmem:s21+$0xFFFFFFE0] =	vst v6;
	v6 =	vadd.f32 $-1.258291200e+07, v11;
	v11 =	vadd.f32 $1.258291200e+07, v12;
	v4 =	vmul.f32 v4, v1  }
0x165: {  	v12 =	vld [tilespmem:s23+$0xFFFFFFA0];
	[tilespmem:s21+$0x0] =	vst v7;
	v5 =	vmul.f32 v5, v0;
	v7 =	vadd.f32 $-1.258291200e+07, v9;
	v3 =	vadd.f32 $1.258291200e+07, v3  }
0x166: {  	v9 =	vld [tilespmem:s23+$0xFFFFFFF0];
	[tilespmem:s21+$0x10] =	vst v8;
	v6 =	vmul.f32 v6, v0;
	v8 =	vadd.f32 $-1.258291200e+07, v11;
	v4 =	vadd.f32 $1.258291200e+07, v4  }
0x167: {  	v2 =	vadd.f32 $-1.258291200e+07, v2;
	[tilespmem:s21+$0x20] =	vst v5;
	v5 =	vmul.f32 v7, v0;
	v3 =	vadd.f32 $-1.258291200e+07, v3  }
0x168: {  	v7 =	vmul.f32 v13, v1;
	v11 =	vld [tilespmem:s23+$0xFFFFFFB0];
	[tilespmem:s21+$0x30] =	vst v6;
	v6 =	vmul.f32 v8, v0;
	v4 =	vadd.f32 $-1.258291200e+07, v4  }
0x169: {  	v8 =	vmul.f32 v10, v1;
	v10 =	vld [tilespmem:s23+$0xFFFFFFC0];
	[tilespmem:s21+$0x40] =	vst v5;
	v3 =	vmul.f32 v3, v0  }
0x16a: {  	v5 =	vadd.f32 $1.258291200e+07, v7;
	v7 =	vmul.f32 v12, v1;
	v12 =	vld [tilespmem:s23+$0xFFFFFFD0];
	[tilespmem:s21+$0x50] =	vst v6;
	v4 =	vmul.f32 v4, v0  }
0x16b: {  	v13 =	vmul.f32 v2, v0;
	v6 =	vadd.f32 $1.258291200e+07, v8;
	v8 =	vld [tilespmem:s23+$0xFFFFFFE0];
	v9 =	vmul.f32 v9, v1;
	[tilespmem:s21+$0x60] =	vst v3  }
0x16c: {  	v3 =	vadd.f32 $-1.258291200e+07, v5;
	v5 =	vadd.f32 $1.258291200e+07, v7;
	v7 =	vld [tilespmem:s23+$0x0];
	[tilespmem:s21+$0x70] =	vst v4  }
0x16d: {  	v4 =	vadd.f32 $-1.258291200e+07, v6;
	v6 =	vmul.f32 v11, v1;
	v2 =	vadd.f32 $1.258291200e+07, v9;
	v9 =	vld [tilespmem:s23+$0x10];
	[tilespmem:s21+$0xFFFFFFF0] =	vst v13;
	s21 =	smov.u32 s23  }
0x16e: {  	v3 =	vmul.f32 v3, v0;
	v5 =	vadd.f32 $-1.258291200e+07, v5;
	v10 =	vmul.f32 v10, v1  }
0x16f: {  	v4 =	vmul.f32 v4, v0;
	v6 =	vadd.f32 $1.258291200e+07, v6;
	v11 =	vmul.f32 v12, v1  }
0x170: {  	v12 =	vmul.f32 v5, v0;
	v5 =	vadd.f32 $1.258291200e+07, v10;
	v8 =	vmul.f32 v8, v1;
	v10 =	vld [tilespmem:s23+$0x20]  }
0x171: {  	v6 =	vadd.f32 $-1.258291200e+07, v6;
	v11 =	vadd.f32 $1.258291200e+07, v11;
	v7 =	vmul.f32 v7, v1;
	v13 =	vld [tilespmem:s23+$0x30]  }
0x172: {  	s22 =	sadd.s32 $0x2, s22;
	v5 =	vadd.f32 $-1.258291200e+07, v5;
	v8 =	vadd.f32 $1.258291200e+07, v8;
	v9 =	vmul.f32 v9, v1;
	v14 =	vld [tilespmem:s23+$0x40]  }
0x173: {  	p0 =	slt.u32 s22, $0x7E;
	v15 =	vmul.f32 v6, v0;
	v6 =	vadd.f32 $-1.258291200e+07, v11;
	v7 =	vadd.f32 $1.258291200e+07, v7;
	v16 =	vld [tilespmem:s23+$0x50]  }
.Ltmp6:
0x174: {  	[tilespmem:s23+$0xFFFFFF80] =	vst v3;
	v11 =	vmul.f32 v5, v0;
	v8 =	vadd.f32 $-1.258291200e+07, v8;
	v9 =	vadd.f32 $1.258291200e+07, v9;
	v3 =	vld [tilespmem:s23+$0x60];
	(pc) =	sbr.rel @p0 .LBB2_14-.Ltmp6, $4  }
0x175: {  	[tilespmem:s23+$0xFFFFFF90] =	vst v4;
	v5 =	vmul.f32 v6, v0;
	v7 =	vadd.f32 $-1.258291200e+07, v7;
	v10 =	vmul.f32 v10, v1;
	v4 =	vld [tilespmem:s23+$0x70]  }
0x176: {  	[tilespmem:s23+$0xFFFFFFA0] =	vst v12;
	v6 =	vmul.f32 v8, v0;
	v8 =	vadd.f32 $-1.258291200e+07, v9;
	v12 =	vmul.f32 v13, v1  }
0x177: {  	[tilespmem:s23+$0xFFFFFFB0] =	vst v15;
	v7 =	vmul.f32 v7, v0;
	v9 =	vadd.f32 $1.258291200e+07, v10;
	v10 =	vmul.f32 v14, v1  }
0x178: {  	s23 =	sadd.s32 $0x100, s23;
	[tilespmem:s21+$0xFFFFFFC0] =	vst v11;
	v8 =	vmul.f32 v8, v0;
	v11 =	vadd.f32 $1.258291200e+07, v12;
	v12 =	vmul.f32 v16, v1  }
0x179: {  	[tilespmem:s21+$0xFFFFFFD0] =	vst v5;
	v53 =	vadd.f32 $-1.258291200e+07, v9;
	v54 =	vadd.f32 $1.258291200e+07, v10  }
0x17a: {  	v3 =	vmul.f32 v3, v1;
	[tilespmem:s21+$0xFFFFFFE0] =	vst v6;
	v2 =	vadd.f32 $-1.258291200e+07, v2;
	v55 =	vadd.f32 $-1.258291200e+07, v11  }
0x17b: {  	[tilespmem:s21+$0x0] =	vst v7;
	v56 =	vadd.f32 $1.258291200e+07, v12;
	v57 =	vmul.f32 v4, v1;
	v58 =	vmul.f32 v53, v0  }
0x17c: {  	[tilespmem:s21+$0x10] =	vst v8;
	v59 =	vadd.f32 $-1.258291200e+07, v54;
	v3 =	vadd.f32 $1.258291200e+07, v3;
	v63 =	vmul.f32 v2, v0  }
0x17d: {  	v6 =	vmul.f32 v55, v0;
	v60 =	vadd.f32 $-1.258291200e+07, v56;
	v1 =	vadd.f32 $1.258291200e+07, v57;
	[tilespmem:s21+$0x20] =	vst v58  }
0x17e: {  	v61 =	vmul.f32 v59, v0;
	v3 =	vadd.f32 $-1.258291200e+07, v3;
	[tilespmem:s21+$0xFFFFFFF0] =	vst v63  }
0x17f: {  	[tilespmem:s21+$0x30] =	vst v6;
	v62 =	vmul.f32 v60, v0;
	v1 =	vadd.f32 $-1.258291200e+07, v1  }
0x180: {  	[tilespmem:s21+$0x40] =	vst v61;
	v3 =	vmul.f32 v3, v0  }
0x181: {  	s20 =	sadd.s32 $0x1, s20;
	[tilespmem:s21+$0x50] =	vst v62;
	v1 =	vmul.f32 v1, v0  }
0x182: {  	p0 =	sne.s32 s20, s7;
	[tilespmem:s21+$0x60] =	vst v3  }
.Ltmp7:
0x183: {  	[tilespmem:s21+$0x70] =	vst v1;
	(pc) =	sbr.rel @p0 .LBB2_1-.Ltmp7, $4  }
0x184: {  	[hbm4b:s6+s3] =	stream.linear.scatter [tilespmem:s11], [sflag:$0x5], $0x4000, $0x38;
	[tilespmem:$0x10D80] =	vst v63  }
0x185: {  	_ =	swait.ge [sflag:s19], $0x4000  }
0x186: {  	[sflag:s19] =	ssyncset.done $0x0  }
0x187: {  	[sflag:s19] =	ssyncadd.s32 $0xFFFFC000  }
0x188: {  	_ =	sfence.sel $0x180000  }
0x189: {  	[bflag:$0x0] =	sbarrier.arrive $0xFFFF  }
0x18a: {  	p0 =	sne.s32 s0, $0x0;
	_ =	strace $0x90000047  }
0x18b: {  	s0 =	sadd.s32 @!p0 $0x100000, s1;
	[bflag:$0x2] =	sbarrier.arrive $0xFFFF  }
0x18c: {  	[sflag:s0] =	ssyncadd.tile.s32 @!p0 $0x1;
	_ =	shalt  }
.Lfunc_end2:
_tile_overlayer_lowered:
.L_overlay_start_2:
0x18d: {  	(tag) =	ssettag $0x2  }
0x18e: {  	s0 =	rddreg [dreg:$0x0];
	s2 =	stileid.u32  }
0x18f: {  	s1 =	rddreg [dreg:$0x1];
	p0 =	sne.s32 s2, $0x0  }
0x190: {  	s3 =	rddreg [dreg:$0x2];
	[bflag:$0x3] =	sbarrier.arrive $0xFFFF;
	s2 =	simm.s32 @!p0 $0x1C06  }
0x191: {  	[timem:s3], [sflag:s2] =	dma.local @!p0 [hbm:s0], s1  }
0x192: {  	s0 =	simm.s32 @!p0 $0x6  }
0x193: {  	_ =	swait.ge @!p0 [sflag:s0], s1  }
0x194: {  	s1 =	ssub.s32 @!p0 $0x0, s1;
	[sflag:s0] =	ssyncset.done @!p0 $0x0  }
0x195: {  	[sflag:s0] =	ssyncadd.s32 @!p0 s1  }
0x196: {  	[bflag:$0x3] =	sbarrier.arrive $0xFFFF  }
0x197: {  	_ =	shalt  }

</sc_bundles>
